<compile_context>
chip_gen: v7x
topology: tpu7x:2x2x1
jax: 0.10.2.dev20260603
libtpu: 0.0.44.dev20260713+nightly
codegen_flags: <defaults>
</compile_context>

<pallas_src>
import jax
import jax.numpy as jnp
from jax import lax
from jax.experimental import pallas as pl
from jax.experimental.pallas import tpu as pltpu
from jax.experimental.pallas import tpu_sc as plsc

N = 10000
E = 320000
D = 128
H = 8
C = 16
T = 2
HID = H * C

NC = 2
NS = 16
NW = NC * NS
B = 48
NBH = None
NB = 2 * (-(-E // (NW * B * 2)))
NBH = NB // 2
PB = NB * B
E_PAD = NW * PB

NPAD = 10112
ROWS_W = NPAD // NS
DROWS = 1280
DROWS_W = DROWS // NS



def _proj_body(x_ref, wsrc_ref, asrc_ref, md_ref, xs_ref, ssrc_ref, sdst_ref):
    xb = x_ref[...]
    xs = jnp.dot(xb, wsrc_ref[...], preferred_element_type=jnp.float32)
    xs_ref[...] = xs
    ssrc_ref[...] = jnp.dot(xs, asrc_ref[...], preferred_element_type=jnp.float32)
    sdst_ref[...] = jnp.dot(xb, md_ref[...], preferred_element_type=jnp.float32)


def _stage1(x, w_src, a_src, md):
    blk = 1000
    return pl.pallas_call(
        _proj_body,
        grid=(N // blk,),
        in_specs=[
            pl.BlockSpec((blk, D), lambda i: (i, 0)),
            pl.BlockSpec((D, HID), lambda i: (0, 0)),
            pl.BlockSpec((HID, T * H), lambda i: (0, 0)),
            pl.BlockSpec((D, T * H), lambda i: (0, 0)),
        ],
        out_specs=[
            pl.BlockSpec((blk, HID), lambda i: (i, 0)),
            pl.BlockSpec((blk, T * H), lambda i: (i, 0)),
            pl.BlockSpec((blk, T * H), lambda i: (i, 0)),
        ],
        out_shape=[
            jax.ShapeDtypeStruct((N, HID), jnp.float32),
            jax.ShapeDtypeStruct((N, T * H), jnp.float32),
            jax.ShapeDtypeStruct((N, T * H), jnp.float32),
        ],
    )(x, w_src, a_src, md)



def _edge_body(edges_hbm, ssrc_hbm, sdst_hbm, xs_hbm,
               accm_hbm, accd_hbm, *scr):
    idxb = scr[0:2]
    srci = scr[2:4]
    dsts = scr[4:6]
    sidx = scr[6:8]
    didx = scr[8:10]
    didx3 = scr[10:12]
    den = scr[12:14]
    sdr = scr[14:16]
    xsr = scr[16:18]
    accm_s, accd_s = scr[18], scr[19]
    gsem = [scr[20:23], scr[23:26]]
    ssem = [scr[26:28], scr[28:30]]

    cid = lax.axis_index("c")
    sid = lax.axis_index("s")
    wid = sid * NC + cid

    def zrow_m(r, _):
        for k in range(HID // 16):
            den[0][r, pl.ds(k * 16, 16)] = jnp.zeros((16,), jnp.float32)
        return _
    lax.fori_loop(0, B, zrow_m, None)

    row0 = sid * ROWS_W
    for i in range(ROWS_W // B):
        pltpu.sync_copy(den[0], accm_s.at[pl.ds(row0 + i * B, B)])
    rem = ROWS_W - (ROWS_W // B) * B
    if rem:
        pltpu.sync_copy(den[0].at[pl.ds(0, rem)],
                        accm_s.at[pl.ds(row0 + ROWS_W - rem, rem)])
    drow0 = sid * DROWS_W
    for i in range(DROWS_W // B):
        pltpu.sync_copy(den[0], accd_s.at[pl.ds(drow0 + i * B, B)])
    drem = DROWS_W - (DROWS_W // B) * B
    if drem:
        pltpu.sync_copy(den[0].at[pl.ds(0, drem)],
                        accd_s.at[pl.ds(drow0 + DROWS_W - drem, drem)])
    plsc.subcore_barrier()

    iota = lax.iota(jnp.int32, 16)
    lane_lt8 = iota < 8
    lane_k = [jnp.full((16,), k, jnp.int32) for k in range(H)]
    gdn = lax.GatherDimensionNumbers(
        offset_dims=(), collapsed_slice_dims=(0,), start_index_map=(0,))

    def drain_scatters(s):
        pltpu.make_async_copy(xsr[s], accm_s.at[dsts[s]], ssem[s][0]).wait()
        pltpu.make_async_copy(den[s], accd_s.at[didx3[s]], ssem[s][1]).wait()

    def issue(s, j, drain):
        b = wid * NB + j
        pltpu.sync_copy(edges_hbm.at[pl.ds(b * (3 * B), 3 * B)], idxb[s])
        if drain is not None:
            if drain is True:
                drain_scatters(s)
            else:
                @pl.when(drain)
                def _():
                    drain_scatters(s)
        for k in range(B // 16):
            sl = pl.ds(k * 16, 16)
            srck = idxb[s][pl.ds(k * 16, 16)]
            dstk = idxb[s][pl.ds(B + k * 16, 16)]
            etk = idxb[s][pl.ds(2 * B + k * 16, 16)]
            srci[s][sl] = srck
            sidx[s][sl] = srck * T + etk
            dsts[s][sl] = dstk
            didx[s][sl] = dstk * T + etk
            didx3[s][sl] = lax.shift_right_logical(dstk, 3)
        pltpu.async_copy(ssrc_hbm.at[sidx[s]], den[s], gsem[s][0])
        pltpu.async_copy(sdst_hbm.at[didx[s]], sdr[s], gsem[s][1])
        pltpu.async_copy(xs_hbm.at[srci[s]], xsr[s], gsem[s][2])

    def proc(s, j):
        pltpu.make_async_copy(ssrc_hbm.at[sidx[s]], den[s], gsem[s][0]).wait()
        pltpu.make_async_copy(sdst_hbm.at[didx[s]], sdr[s], gsem[s][1]).wait()
        pltpu.make_async_copy(xs_hbm.at[srci[s]], xsr[s], gsem[s][2]).wait()
        base = wid * PB + j * B
        dn, sd, xr = den[s], sdr[s], xsr[s]

        @plsc.parallel_loop(0, B, 1, unroll=8)
        def edge(e):
            a = dn[e, pl.ds(0, 16)] + sd[e, pl.ds(0, 16)]
            a = jnp.where(a >= 0.0, a, 0.2 * a)
            w16 = jnp.exp(a)
            w16 = jnp.where(lane_lt8, w16, jnp.zeros((16,), jnp.float32))
            w16 = jnp.where(base + e < E, w16, jnp.zeros((16,), jnp.float32))
            mask = sd[e, pl.ds(16, 16)]
            for k in range(H):
                wk = lax.gather(w16, lane_k[k][:, None], gdn,
                                slice_sizes=(1,),
                                mode=lax.GatherScatterMode.PROMISE_IN_BOUNDS)
                xr[e, pl.ds(k * 16, 16)] = xr[e, pl.ds(k * 16, 16)] * wk
                dn[e, pl.ds(k * 16, 16)] = wk * mask

        pltpu.async_copy(xsr[s], accm_s.at[dsts[s]], ssem[s][0], add=True)
        pltpu.async_copy(den[s], accd_s.at[didx3[s]], ssem[s][1], add=True)

    issue(0, 0, None)

    def body(jj, _):
        j0 = 2 * jj
        issue(1, j0 + 1, jj > 0)
        proc(0, j0)

        @pl.when(jj < NBH - 1)
        def _():
            issue(0, j0 + 2, True)
        proc(1, j0 + 1)
        return _

    lax.fori_loop(0, NBH, body, None)
    drain_scatters(0)
    drain_scatters(1)
    plsc.subcore_barrier()

    pltpu.sync_copy(accm_s.at[pl.ds(row0, ROWS_W)],
                    accm_hbm.at[cid, pl.ds(row0, ROWS_W)])
    pltpu.sync_copy(accd_s.at[pl.ds(drow0, DROWS_W)],
                    accd_hbm.at[cid, pl.ds(drow0, DROWS_W)])


def _stage2(edges, ssrc2, sdst2, xs):
    mesh = plsc.VectorSubcoreMesh(core_axis_name="c", subcore_axis_name="s")
    idx1 = [pltpu.VMEM((3 * B,), jnp.int32)] * 2
    idxs = [pltpu.VMEM((B,), jnp.int32)] * 10
    bigs = [pltpu.VMEM((B, HID), jnp.float32)] * 6
    f = pl.kernel(
        _edge_body,
        out_type=[
            jax.ShapeDtypeStruct((NC, NPAD, HID), jnp.float32),
            jax.ShapeDtypeStruct((NC, DROWS, HID), jnp.float32),
        ],
        mesh=mesh,
        scratch_types=idx1 + idxs + bigs + [
            pltpu.VMEM_SHARED((NPAD, HID), jnp.float32),
            pltpu.VMEM_SHARED((DROWS, HID), jnp.float32),
        ] + [pltpu.SemaphoreType.DMA] * 10,
    )
    return f(edges, ssrc2, sdst2, xs)



def _ln(v, scale, bias):
    mu = jnp.mean(v, axis=-1, keepdims=True)
    var = jnp.mean((v - mu) ** 2, axis=-1, keepdims=True)
    return (v - mu) * lax.rsqrt(var + 1e-5) * scale + bias


def _final_body(x_ref, xs_ref, ssrc_ref, sdst_ref, accm_ref, aden_ref,
                rep_ref, bias_ref, n1s_ref, n1b_ref, n2s_ref, n2b_ref,
                fw1_ref, fb1_ref, fw2_ref, fb2_ref, o_ref):
    asum = accm_ref[0] + accm_ref[1]
    sl = ssrc_ref[...][:, :H] + sdst_ref[...][:, :H]
    sl = jnp.where(sl >= 0.0, sl, 0.2 * sl)
    wl = jnp.exp(sl)
    den8 = aden_ref[...] + wl
    rep = rep_ref[...]
    wl128 = jnp.dot(wl, rep, preferred_element_type=jnp.float32)
    den128 = jnp.dot(den8, rep, preferred_element_type=jnp.float32)
    num = asum + xs_ref[...] * wl128
    out = num / (den128 + 1e-16) + bias_ref[...]
    h = _ln(out + x_ref[...], n1s_ref[...], n1b_ref[...])
    f = jnp.dot(h, fw1_ref[...], preferred_element_type=jnp.float32) + fb1_ref[...]
    f = 0.5 * f * (1.0 + lax.erf(f * 0.7071067811865476))
    f = jnp.dot(f, fw2_ref[...], preferred_element_type=jnp.float32) + fb2_ref[...]
    o_ref[...] = _ln(h + f, n2s_ref[...], n2b_ref[...])


def _stage3(x, xs, ssrc, sdst, accm, aden, rep, bias, n1s, n1b, n2s, n2b,
            fw1, fb1, fw2, fb2):
    blk = 400
    full = lambda shape: pl.BlockSpec(shape, lambda i: tuple(0 for _ in shape))
    return pl.pallas_call(
        _final_body,
        grid=(N // blk,),
        in_specs=[
            pl.BlockSpec((blk, D), lambda i: (i, 0)),
            pl.BlockSpec((blk, HID), lambda i: (i, 0)),
            pl.BlockSpec((blk, T * H), lambda i: (i, 0)),
            pl.BlockSpec((blk, T * H), lambda i: (i, 0)),
            pl.BlockSpec((NC, blk, HID), lambda i: (0, i, 0)),
            pl.BlockSpec((blk, H), lambda i: (i, 0)),
            full((H, HID)),
            full((1, HID)),
            full((1, HID)),
            full((1, HID)),
            full((1, HID)),
            full((1, HID)),
            full((HID, 4 * HID)),
            full((1, 4 * HID)),
            full((4 * HID, HID)),
            full((1, HID)),
        ],
        out_specs=pl.BlockSpec((blk, HID), lambda i: (i, 0)),
        out_shape=jax.ShapeDtypeStruct((N, HID), jnp.float32),
    )(x, xs, ssrc, sdst, accm, aden, rep, bias, n1s, n1b, n2s, n2b,
      fw1, fb1, fw2, fb2)



def kernel(x, edge_index, edge_type, W_src, W_dst, att_src, att_dst, bias,
           norm1_scale, norm1_bias, norm2_scale, norm2_bias,
           ffn_w1, ffn_b1, ffn_w2, ffn_b2):
    eye = jnp.eye(H, dtype=jnp.float32)
    a_src = jnp.einsum("thc,hk->hctk", att_src, eye).reshape(HID, T * H)
    md = W_dst @ jnp.einsum("thc,hk->hctk", att_dst, eye).reshape(HID, T * H)
    rep = jnp.repeat(eye, C, axis=1)

    xs, ssrc, sdst = _stage1(x, W_src, a_src, md)

    ssrc2 = jnp.pad(ssrc.reshape(N * T, H), ((0, 0), (0, HID - H)))
    rows = jnp.arange(N * T, dtype=jnp.int32)
    onehot = ((rows[:, None] >> 1) % 8 == jnp.arange(16)[None, :]).astype(jnp.float32)
    sdst2 = jnp.concatenate(
        [sdst.reshape(N * T, H), jnp.zeros((N * T, 8), jnp.float32), onehot,
         jnp.zeros((N * T, HID - 32), jnp.float32)], axis=1)

    edges = jnp.concatenate(
        [jnp.concatenate([edge_index, edge_type[None, :]], axis=0),
         jnp.zeros((3, E_PAD - E), jnp.int32)], axis=1)
    edges = edges.reshape(3, NW * NB, B).transpose(1, 0, 2).reshape(-1)

    accm, accd = _stage2(edges, ssrc2, sdst2, xs)

    aden = (accd[0] + accd[1]).reshape(DROWS, H, 16)[:, :, :8]
    aden = aden.transpose(0, 2, 1).reshape(DROWS * 8, H)[:N]

    return _stage3(x, xs, ssrc, sdst, accm, aden, rep,
                   bias.reshape(1, HID), norm1_scale.reshape(1, HID),
                   norm1_bias.reshape(1, HID), norm2_scale.reshape(1, HID),
                   norm2_bias.reshape(1, HID), ffn_w1, ffn_b1.reshape(1, 4 * HID),
                   ffn_w2, ffn_b2.reshape(1, HID))

# --- scband reference (transcript-rebuilt; emitter-appended) ---
"""Pipeline reference for scband-multi-head-gatlayer-65068754534725 (READ-ONLY COPY).

The authoritative reference and input builder live on the scoring server;
editing this copy changes nothing except your own understanding.
"""

import jax, jax.numpy as jnp
import numpy as np

N = 10000
E = 320000
D = 128
H = 8
C = 16
T = 2
HID = H * C


def layer_norm(x, scale, bias, eps=1e-5):
    mu = jnp.mean(x, axis=-1, keepdims=True)
    var = jnp.mean((x - mu) ** 2, axis=-1, keepdims=True)
    return (x - mu) / jnp.sqrt(var + eps) * scale + bias


def setup_inputs(seed: int = 0) -> dict:
    key = jax.random.key(seed)
    ks = jax.random.split(key, 12)
    x = jax.random.normal(ks[0], (N, D), dtype=jnp.float32)
    edge_index = jax.random.randint(ks[1], (2, E), 0, N, dtype=jnp.int32)
    edge_type = jax.random.randint(ks[2], (E,), 0, T, dtype=jnp.int32)
    W_src = jax.random.normal(ks[3], (D, HID), dtype=jnp.float32) * (1.0 / np.sqrt(D))
    W_dst = jax.random.normal(ks[4], (D, HID), dtype=jnp.float32) * (1.0 / np.sqrt(D))
    att_src = jax.random.normal(ks[5], (T, H, C), dtype=jnp.float32) * 0.1
    att_dst = jax.random.normal(ks[6], (T, H, C), dtype=jnp.float32) * 0.1
    bias = jnp.zeros((HID,), dtype=jnp.float32)
    norm1_scale = jnp.ones((HID,), dtype=jnp.float32)
    norm1_bias = jnp.zeros((HID,), dtype=jnp.float32)
    norm2_scale = jnp.ones((HID,), dtype=jnp.float32)
    norm2_bias = jnp.zeros((HID,), dtype=jnp.float32)
    ffn_w1 = jax.random.normal(ks[7], (HID, 4 * HID), dtype=jnp.float32) * (1.0 / np.sqrt(HID))
    ffn_b1 = jnp.zeros((4 * HID,), dtype=jnp.float32)
    ffn_w2 = jax.random.normal(ks[8], (4 * HID, HID), dtype=jnp.float32) * (1.0 / np.sqrt(4 * HID))
    ffn_b2 = jnp.zeros((HID,), dtype=jnp.float32)
    return {
        "x": x, "edge_index": edge_index, "edge_type": edge_type,
        "W_src": W_src, "W_dst": W_dst, "att_src": att_src, "att_dst": att_dst,
        "bias": bias, "norm1_scale": norm1_scale, "norm1_bias": norm1_bias,
        "norm2_scale": norm2_scale, "norm2_bias": norm2_bias,
        "ffn_w1": ffn_w1, "ffn_b1": ffn_b1, "ffn_w2": ffn_w2, "ffn_b2": ffn_b2,
    }


def reference(x, edge_index, edge_type, W_src, W_dst, att_src, att_dst, bias,
              norm1_scale, norm1_bias, norm2_scale, norm2_bias,
              ffn_w1, ffn_b1, ffn_w2, ffn_b2):
    num_nodes = x.shape[0]
    xs = (x @ W_src).reshape(num_nodes, H, C)
    xd = (x @ W_dst).reshape(num_nodes, H, C)
    # add self loops with edge type 0
    loop = jnp.arange(num_nodes, dtype=edge_index.dtype)
    ei = jnp.concatenate([edge_index, jnp.stack([loop, loop], axis=0)], axis=1)
    et = jnp.concatenate([edge_type, jnp.zeros((num_nodes,), dtype=edge_type.dtype)], axis=0)
    src = ei[0]
    dst = ei[1]
    x_j = xs[src]            # [E', H, C] gather
    x_i = xd[dst]            # [E', H, C] gather
    a_s = att_src[et]        # [E', H, C] gather
    a_d = att_dst[et]
    alpha = (x_j * a_s).sum(axis=-1) + (x_i * a_d).sum(axis=-1)  # [E', H]
    alpha = jax.nn.leaky_relu(alpha, negative_slope=0.2)
    amax = jax.ops.segment_max(alpha, dst, num_segments=num_nodes)
    alpha = jnp.exp(alpha - amax[dst])
    denom = jax.ops.segment_sum(alpha, dst, num_segments=num_nodes)
    alpha = alpha / (denom[dst] + 1e-16)
    # dropout is identity in eval mode
    msg = x_j * alpha[..., None]
    out = jax.ops.segment_sum(msg, dst, num_segments=num_nodes)  # [N, H, C]
    out = out.reshape(num_nodes, HID) + bias
    # residual (residual_proj is None since in_channels == HID)
    h = layer_norm(out + x, norm1_scale, norm1_bias)
    f = jax.nn.gelu(h @ ffn_w1 + ffn_b1, approximate=False) @ ffn_w2 + ffn_b2
    h = layer_norm(h + f, norm2_scale, norm2_bias)
    return h

if __name__ == "__main__":
    import jax
    _d = setup_inputs()
    print(jax.jit(kernel)(*tuple(_d.values())))

</pallas_src>

<mosaic_0001>
#map = affine_map<(d0, d1) -> (0)>
#map1 = affine_map<(d0, d1) -> (0, 0)>
#map2 = affine_map<(d0, d1) -> (0, 0, 0)>
module attributes {stable_mosaic.version = 14 : i64} {
  func.func @_edge_body(%arg0: i32, %arg1: i32, %arg2: memref<967680xi32, #tpu.memory_space<hbm>>, %arg3: memref<20000x128xf32, #tpu.memory_space<hbm>>, %arg4: memref<20000x128xf32, #tpu.memory_space<hbm>>, %arg5: memref<10000x128xf32, #tpu.memory_space<hbm>>, %arg6: memref<2x10112x128xf32, #tpu.memory_space<hbm>>, %arg7: memref<2x1280x128xf32, #tpu.memory_space<hbm>>, %arg8: memref<144xi32, #tpu.memory_space<vmem>>, %arg9: memref<144xi32, #tpu.memory_space<vmem>>, %arg10: memref<48xi32, #tpu.memory_space<vmem>>, %arg11: memref<48xi32, #tpu.memory_space<vmem>>, %arg12: memref<48xi32, #tpu.memory_space<vmem>>, %arg13: memref<48xi32, #tpu.memory_space<vmem>>, %arg14: memref<48xi32, #tpu.memory_space<vmem>>, %arg15: memref<48xi32, #tpu.memory_space<vmem>>, %arg16: memref<48xi32, #tpu.memory_space<vmem>>, %arg17: memref<48xi32, #tpu.memory_space<vmem>>, %arg18: memref<48xi32, #tpu.memory_space<vmem>>, %arg19: memref<48xi32, #tpu.memory_space<vmem>>, %arg20: memref<48x128xf32, #tpu.memory_space<vmem>>, %arg21: memref<48x128xf32, #tpu.memory_space<vmem>>, %arg22: memref<48x128xf32, #tpu.memory_space<vmem>>, %arg23: memref<48x128xf32, #tpu.memory_space<vmem>>, %arg24: memref<48x128xf32, #tpu.memory_space<vmem>>, %arg25: memref<48x128xf32, #tpu.memory_space<vmem>>, %arg26: memref<10112x128xf32, #tpu.memory_space<vmem_shared>>, %arg27: memref<1280x128xf32, #tpu.memory_space<vmem_shared>>, %arg28: memref<!tpu.dma_semaphore, #tpu.memory_space<semaphore_mem>>, %arg29: memref<!tpu.dma_semaphore, #tpu.memory_space<semaphore_mem>>, %arg30: memref<!tpu.dma_semaphore, #tpu.memory_space<semaphore_mem>>, %arg31: memref<!tpu.dma_semaphore, #tpu.memory_space<semaphore_mem>>, %arg32: memref<!tpu.dma_semaphore, #tpu.memory_space<semaphore_mem>>, %arg33: memref<!tpu.dma_semaphore, #tpu.memory_space<semaphore_mem>>, %arg34: memref<!tpu.dma_semaphore, #tpu.memory_space<semaphore_mem>>, %arg35: memref<!tpu.dma_semaphore, #tpu.memory_space<semaphore_mem>>, %arg36: memref<!tpu.dma_semaphore, #tpu.memory_space<semaphore_mem>>, %arg37: memref<!tpu.dma_semaphore, #tpu.memory_space<semaphore_mem>>) attributes {dimension_semantics = [#tpu.dimension_semantics<core_parallel>, #tpu.dimension_semantics<subcore_parallel>], iteration_bounds = array<i64: 2, 16>, scalar_prefetch = 0 : i64, scratch_operands = 30 : i64, tpu.core_type = #tpu.core_type<sc_vector_subcore>, window_params = [{transform_indices = #map}, {transform_indices = #map1}, {transform_indices = #map1}, {transform_indices = #map1}, {transform_indices = #map2}, {transform_indices = #map2}]} {
    %mul3A = arith.constant 2 : i32
    %mul3A_0 = arith.muli %arg1, %mul3A : i32
    %add3A = arith.addi %mul3A_0, %arg0 : i32
    %scan3A = arith.constant 0 : i32
    %scan3A_1 = arith.constant 48 : i32
    %scan3A_2 = arith.addi %scan3A, %scan3A_1 : i32
    %scan3A_3 = arith.constant 1 : i32
    scf.for %scan3A_209 = %scan3A to %scan3A_2 step %scan3A_3  : i32 {
      %broadcast_in_dim3A_210 = arith.constant 0.000000e+00 : f32
      %broadcast_in_dim3A_211 = vector.broadcast %broadcast_in_dim3A_210 : f32 to vector<16xf32>
      %swap3A_212 = arith.index_cast %scan3A_209 : i32 to index
      %swap3A_213 = arith.constant 0 : index
      %swap3A_214 = tpu.vector_load %arg20[%swap3A_212, %swap3A_213] {strides = array<i32>} : memref<48x128xf32, #tpu.memory_space<vmem>>, vector<1x16xf32>,
      %swap3A_215 = vector.shape_cast %swap3A_214 : vector<1x16xf32> to vector<16xf32>
      %swap3A_216 = vector.shape_cast %broadcast_in_dim3A_211 : vector<16xf32> to vector<1x16xf32>
      tpu.vector_store %arg20[%swap3A_212, %swap3A_213], %swap3A_216 {strides = array<i32>} : memref<48x128xf32, #tpu.memory_space<vmem>>, vector<1x16xf32>,
      %broadcast_in_dim3A_217 = arith.constant 0.000000e+00 : f32
      %broadcast_in_dim3A_218 = vector.broadcast %broadcast_in_dim3A_217 : f32 to vector<16xf32>
      %swap3A_219 = arith.index_cast %scan3A_209 : i32 to index
      %swap3A_220 = arith.constant 16 : index
      %swap3A_221 = tpu.vector_load %arg20[%swap3A_219, %swap3A_220] {strides = array<i32>} : memref<48x128xf32, #tpu.memory_space<vmem>>, vector<1x16xf32>,
      %swap3A_222 = vector.shape_cast %swap3A_221 : vector<1x16xf32> to vector<16xf32>
      %swap3A_223 = vector.shape_cast %broadcast_in_dim3A_218 : vector<16xf32> to vector<1x16xf32>
      tpu.vector_store %arg20[%swap3A_219, %swap3A_220], %swap3A_223 {strides = array<i32>} : memref<48x128xf32, #tpu.memory_space<vmem>>, vector<1x16xf32>,
      %broadcast_in_dim3A_224 = arith.constant 0.000000e+00 : f32
      %broadcast_in_dim3A_225 = vector.broadcast %broadcast_in_dim3A_224 : f32 to vector<16xf32>
      %swap3A_226 = arith.index_cast %scan3A_209 : i32 to index
      %swap3A_227 = arith.constant 32 : index
      %swap3A_228 = tpu.vector_load %arg20[%swap3A_226, %swap3A_227] {strides = array<i32>} : memref<48x128xf32, #tpu.memory_space<vmem>>, vector<1x16xf32>,
      %swap3A_229 = vector.shape_cast %swap3A_228 : vector<1x16xf32> to vector<16xf32>
      %swap3A_230 = vector.shape_cast %broadcast_in_dim3A_225 : vector<16xf32> to vector<1x16xf32>
      tpu.vector_store %arg20[%swap3A_226, %swap3A_227], %swap3A_230 {strides = array<i32>} : memref<48x128xf32, #tpu.memory_space<vmem>>, vector<1x16xf32>,
      %broadcast_in_dim3A_231 = arith.constant 0.000000e+00 : f32
      %broadcast_in_dim3A_232 = vector.broadcast %broadcast_in_dim3A_231 : f32 to vector<16xf32>
      %swap3A_233 = arith.index_cast %scan3A_209 : i32 to index
      %swap3A_234 = arith.constant 48 : index
      %swap3A_235 = tpu.vector_load %arg20[%swap3A_233, %swap3A_234] {strides = array<i32>} : memref<48x128xf32, #tpu.memory_space<vmem>>, vector<1x16xf32>,
      %swap3A_236 = vector.shape_cast %swap3A_235 : vector<1x16xf32> to vector<16xf32>
      %swap3A_237 = vector.shape_cast %broadcast_in_dim3A_232 : vector<16xf32> to vector<1x16xf32>
      tpu.vector_store %arg20[%swap3A_233, %swap3A_234], %swap3A_237 {strides = array<i32>} : memref<48x128xf32, #tpu.memory_space<vmem>>, vector<1x16xf32>,
      %broadcast_in_dim3A_238 = arith.constant 0.000000e+00 : f32
      %broadcast_in_dim3A_239 = vector.broadcast %broadcast_in_dim3A_238 : f32 to vector<16xf32>
      %swap3A_240 = arith.index_cast %scan3A_209 : i32 to index
      %swap3A_241 = arith.constant 64 : index
      %swap3A_242 = tpu.vector_load %arg20[%swap3A_240, %swap3A_241] {strides = array<i32>} : memref<48x128xf32, #tpu.memory_space<vmem>>, vector<1x16xf32>,
      %swap3A_243 = vector.shape_cast %swap3A_242 : vector<1x16xf32> to vector<16xf32>
      %swap3A_244 = vector.shape_cast %broadcast_in_dim3A_239 : vector<16xf32> to vector<1x16xf32>
      tpu.vector_store %arg20[%swap3A_240, %swap3A_241], %swap3A_244 {strides = array<i32>} : memref<48x128xf32, #tpu.memory_space<vmem>>, vector<1x16xf32>,
      %broadcast_in_dim3A_245 = arith.constant 0.000000e+00 : f32
      %broadcast_in_dim3A_246 = vector.broadcast %broadcast_in_dim3A_245 : f32 to vector<16xf32>
      %swap3A_247 = arith.index_cast %scan3A_209 : i32 to index
      %swap3A_248 = arith.constant 80 : index
      %swap3A_249 = tpu.vector_load %arg20[%swap3A_247, %swap3A_248] {strides = array<i32>} : memref<48x128xf32, #tpu.memory_space<vmem>>, vector<1x16xf32>,
      %swap3A_250 = vector.shape_cast %swap3A_249 : vector<1x16xf32> to vector<16xf32>
      %swap3A_251 = vector.shape_cast %broadcast_in_dim3A_246 : vector<16xf32> to vector<1x16xf32>
      tpu.vector_store %arg20[%swap3A_247, %swap3A_248], %swap3A_251 {strides = array<i32>} : memref<48x128xf32, #tpu.memory_space<vmem>>, vector<1x16xf32>,
      %broadcast_in_dim3A_252 = arith.constant 0.000000e+00 : f32
      %broadcast_in_dim3A_253 = vector.broadcast %broadcast_in_dim3A_252 : f32 to vector<16xf32>
      %swap3A_254 = arith.index_cast %scan3A_209 : i32 to index
      %swap3A_255 = arith.constant 96 : index
      %swap3A_256 = tpu.vector_load %arg20[%swap3A_254, %swap3A_255] {strides = array<i32>} : memref<48x128xf32, #tpu.memory_space<vmem>>, vector<1x16xf32>,
      %swap3A_257 = vector.shape_cast %swap3A_256 : vector<1x16xf32> to vector<16xf32>
      %swap3A_258 = vector.shape_cast %broadcast_in_dim3A_253 : vector<16xf32> to vector<1x16xf32>
      tpu.vector_store %arg20[%swap3A_254, %swap3A_255], %swap3A_258 {strides = array<i32>} : memref<48x128xf32, #tpu.memory_space<vmem>>, vector<1x16xf32>,
      %broadcast_in_dim3A_259 = arith.constant 0.000000e+00 : f32
      %broadcast_in_dim3A_260 = vector.broadcast %broadcast_in_dim3A_259 : f32 to vector<16xf32>
      %swap3A_261 = arith.index_cast %scan3A_209 : i32 to index
      %swap3A_262 = arith.constant 112 : index
      %swap3A_263 = tpu.vector_load %arg20[%swap3A_261, %swap3A_262] {strides = array<i32>} : memref<48x128xf32, #tpu.memory_space<vmem>>, vector<1x16xf32>,
      %swap3A_264 = vector.shape_cast %swap3A_263 : vector<1x16xf32> to vector<16xf32>
      %swap3A_265 = vector.shape_cast %broadcast_in_dim3A_260 : vector<16xf32> to vector<1x16xf32>
      tpu.vector_store %arg20[%swap3A_261, %swap3A_262], %swap3A_265 {strides = array<i32>} : memref<48x128xf32, #tpu.memory_space<vmem>>, vector<1x16xf32>,
    }
    %scan3A_4 = arith.constant 48 : i32
    %mul3A_5 = arith.constant 632 : i32
    %mul3A_6 = arith.muli %arg1, %mul3A_5 : i32
    %add3A_7 = arith.constant 0 : i32
    %add3A_8 = arith.addi %mul3A_6, %add3A_7 : i32
    "tpu.region"() ({
      %run_scoped3A = tpu.sem_alloc : memref<!tpu.dma_semaphore, #tpu.memory_space<semaphore_mem>>
      %dma_start3A_209 = arith.constant 0 : i32
      %dma_start3A_210 = tpu.memref_slice %arg26[%add3A_8, %dma_start3A_209] : memref<10112x128xf32, #tpu.memory_space<vmem_shared>> -> memref<48x128xf32, #tpu.memory_space<vmem_shared>>
      %dma_start3A_211 = arith.constant 0 : i32
      %dma_start3A_212 = tpu.memref_slice %arg26[%add3A_8, %dma_start3A_211] : memref<10112x128xf32, #tpu.memory_space<vmem_shared>> -> memref<48x128xf32, #tpu.memory_space<vmem_shared>>
      tpu.enqueue_dma source(%arg20 : memref<48x128xf32, #tpu.memory_space<vmem>>) target(%dma_start3A_212 : memref<48x128xf32, #tpu.memory_space<vmem_shared>>) target_semaphore(%run_scoped3A : memref<!tpu.dma_semaphore, #tpu.memory_space<semaphore_mem>>)
      %dma_wait3A_213 = arith.constant 0 : i32
      %dma_wait3A_214 = tpu.memref_slice %arg26[%add3A_8, %dma_wait3A_213] : memref<10112x128xf32, #tpu.memory_space<vmem_shared>> -> memref<48x128xf32, #tpu.memory_space<vmem_shared>>
      %dma_wait3A_215 = arith.constant 0 : i32
      %dma_wait3A_216 = tpu.memref_slice %arg26[%add3A_8, %dma_wait3A_215] : memref<10112x128xf32, #tpu.memory_space<vmem_shared>> -> memref<48x128xf32, #tpu.memory_space<vmem_shared>>
      tpu.wait_dma2 semaphore(%run_scoped3A : memref<!tpu.dma_semaphore, #tpu.memory_space<semaphore_mem>>) src(%arg20 : memref<48x128xf32, #tpu.memory_space<vmem>>) dst(%dma_wait3A_216 : memref<48x128xf32, #tpu.memory_space<vmem_shared>>)
      tpu.yield
    }) : () -> ()
    %add3A_9 = arith.constant 48 : i32
    %add3A_10 = arith.addi %mul3A_6, %add3A_9 : i32
    "tpu.region"() ({
      %run_scoped3A = tpu.sem_alloc : memref<!tpu.dma_semaphore, #tpu.memory_space<semaphore_mem>>
      %dma_start3A_209 = arith.constant 0 : i32
      %dma_start3A_210 = tpu.memref_slice %arg26[%add3A_10, %dma_start3A_209] : memref<10112x128xf32, #tpu.memory_space<vmem_shared>> -> memref<48x128xf32, #tpu.memory_space<vmem_shared>>
      %dma_start3A_211 = arith.constant 0 : i32
      %dma_start3A_212 = tpu.memref_slice %arg26[%add3A_10, %dma_start3A_211] : memref<10112x128xf32, #tpu.memory_space<vmem_shared>> -> memref<48x128xf32, #tpu.memory_space<vmem_shared>>
      tpu.enqueue_dma source(%arg20 : memref<48x128xf32, #tpu.memory_space<vmem>>) target(%dma_start3A_212 : memref<48x128xf32, #tpu.memory_space<vmem_shared>>) target_semaphore(%run_scoped3A : memref<!tpu.dma_semaphore, #tpu.memory_space<semaphore_mem>>)
      %dma_wait3A_213 = arith.constant 0 : i32
      %dma_wait3A_214 = tpu.memref_slice %arg26[%add3A_10, %dma_wait3A_213] : memref<10112x128xf32, #tpu.memory_space<vmem_shared>> -> memref<48x128xf32, #tpu.memory_space<vmem_shared>>
      %dma_wait3A_215 = arith.constant 0 : i32
      %dma_wait3A_216 = tpu.memref_slice %arg26[%add3A_10, %dma_wait3A_215] : memref<10112x128xf32, #tpu.memory_space<vmem_shared>> -> memref<48x128xf32, #tpu.memory_space<vmem_shared>>
      tpu.wait_dma2 semaphore(%run_scoped3A : memref<!tpu.dma_semaphore, #tpu.memory_space<semaphore_mem>>) src(%arg20 : memref<48x128xf32, #tpu.memory_space<vmem>>) dst(%dma_wait3A_216 : memref<48x128xf32, #tpu.memory_space<vmem_shared>>)
      tpu.yield
    }) : () -> ()
    %add3A_11 = arith.constant 96 : i32
    %add3A_12 = arith.addi %mul3A_6, %add3A_11 : i32
    "tpu.region"() ({
      %run_scoped3A = tpu.sem_alloc : memref<!tpu.dma_semaphore, #tpu.memory_space<semaphore_mem>>
      %dma_start3A_209 = arith.constant 0 : i32
      %dma_start3A_210 = tpu.memref_slice %arg26[%add3A_12, %dma_start3A_209] : memref<10112x128xf32, #tpu.memory_space<vmem_shared>> -> memref<48x128xf32, #tpu.memory_space<vmem_shared>>
      %dma_start3A_211 = arith.constant 0 : i32
      %dma_start3A_212 = tpu.memref_slice %arg26[%add3A_12, %dma_start3A_211] : memref<10112x128xf32, #tpu.memory_space<vmem_shared>> -> memref<48x128xf32, #tpu.memory_space<vmem_shared>>
      tpu.enqueue_dma source(%arg20 : memref<48x128xf32, #tpu.memory_space<vmem>>) target(%dma_start3A_212 : memref<48x128xf32, #tpu.memory_space<vmem_shared>>) target_semaphore(%run_scoped3A : memref<!tpu.dma_semaphore, #tpu.memory_space<semaphore_mem>>)
      %dma_wait3A_213 = arith.constant 0 : i32
      %dma_wait3A_214 = tpu.memref_slice %arg26[%add3A_12, %dma_wait3A_213] : memref<10112x128xf32, #tpu.memory_space<vmem_shared>> -> memref<48x128xf32, #tpu.memory_space<vmem_shared>>
      %dma_wait3A_215 = arith.constant 0 : i32
      %dma_wait3A_216 = tpu.memref_slice %arg26[%add3A_12, %dma_wait3A_215] : memref<10112x128xf32, #tpu.memory_space<vmem_shared>> -> memref<48x128xf32, #tpu.memory_space<vmem_shared>>
      tpu.wait_dma2 semaphore(%run_scoped3A : memref<!tpu.dma_semaphore, #tpu.memory_space<semaphore_mem>>) src(%arg20 : memref<48x128xf32, #tpu.memory_space<vmem>>) dst(%dma_wait3A_216 : memref<48x128xf32, #tpu.memory_space<vmem_shared>>)
      tpu.yield
    }) : () -> ()
    %add3A_13 = arith.constant 144 : i32
    %add3A_14 = arith.addi %mul3A_6, %add3A_13 : i32
    "tpu.region"() ({
      %run_scoped3A = tpu.sem_alloc : memref<!tpu.dma_semaphore, #tpu.memory_space<semaphore_mem>>
      %dma_start3A_209 = arith.constant 0 : i32
      %dma_start3A_210 = tpu.memref_slice %arg26[%add3A_14, %dma_start3A_209] : memref<10112x128xf32, #tpu.memory_space<vmem_shared>> -> memref<48x128xf32, #tpu.memory_space<vmem_shared>>
      %dma_start3A_211 = arith.constant 0 : i32
      %dma_start3A_212 = tpu.memref_slice %arg26[%add3A_14, %dma_start3A_211] : memref<10112x128xf32, #tpu.memory_space<vmem_shared>> -> memref<48x128xf32, #tpu.memory_space<vmem_shared>>
      tpu.enqueue_dma source(%arg20 : memref<48x128xf32, #tpu.memory_space<vmem>>) target(%dma_start3A_212 : memref<48x128xf32, #tpu.memory_space<vmem_shared>>) target_semaphore(%run_scoped3A : memref<!tpu.dma_semaphore, #tpu.memory_space<semaphore_mem>>)
      %dma_wait3A_213 = arith.constant 0 : i32
      %dma_wait3A_214 = tpu.memref_slice %arg26[%add3A_14, %dma_wait3A_213] : memref<10112x128xf32, #tpu.memory_space<vmem_shared>> -> memref<48x128xf32, #tpu.memory_space<vmem_shared>>
      %dma_wait3A_215 = arith.constant 0 : i32
      %dma_wait3A_216 = tpu.memref_slice %arg26[%add3A_14, %dma_wait3A_215] : memref<10112x128xf32, #tpu.memory_space<vmem_shared>> -> memref<48x128xf32, #tpu.memory_space<vmem_shared>>
      tpu.wait_dma2 semaphore(%run_scoped3A : memref<!tpu.dma_semaphore, #tpu.memory_space<semaphore_mem>>) src(%arg20 : memref<48x128xf32, #tpu.memory_space<vmem>>) dst(%dma_wait3A_216 : memref<48x128xf32, #tpu.memory_space<vmem_shared>>)
      tpu.yield
    }) : () -> ()
    %add3A_15 = arith.constant 192 : i32
    %add3A_16 = arith.addi %mul3A_6, %add3A_15 : i32
    "tpu.region"() ({
      %run_scoped3A = tpu.sem_alloc : memref<!tpu.dma_semaphore, #tpu.memory_space<semaphore_mem>>
      %dma_start3A_209 = arith.constant 0 : i32
      %dma_start3A_210 = tpu.memref_slice %arg26[%add3A_16, %dma_start3A_209] : memref<10112x128xf32, #tpu.memory_space<vmem_shared>> -> memref<48x128xf32, #tpu.memory_space<vmem_shared>>
      %dma_start3A_211 = arith.constant 0 : i32
      %dma_start3A_212 = tpu.memref_slice %arg26[%add3A_16, %dma_start3A_211] : memref<10112x128xf32, #tpu.memory_space<vmem_shared>> -> memref<48x128xf32, #tpu.memory_space<vmem_shared>>
      tpu.enqueue_dma source(%arg20 : memref<48x128xf32, #tpu.memory_space<vmem>>) target(%dma_start3A_212 : memref<48x128xf32, #tpu.memory_space<vmem_shared>>) target_semaphore(%run_scoped3A : memref<!tpu.dma_semaphore, #tpu.memory_space<semaphore_mem>>)
      %dma_wait3A_213 = arith.constant 0 : i32
      %dma_wait3A_214 = tpu.memref_slice %arg26[%add3A_16, %dma_wait3A_213] : memref<10112x128xf32, #tpu.memory_space<vmem_shared>> -> memref<48x128xf32, #tpu.memory_space<vmem_shared>>
      %dma_wait3A_215 = arith.constant 0 : i32
      %dma_wait3A_216 = tpu.memref_slice %arg26[%add3A_16, %dma_wait3A_215] : memref<10112x128xf32, #tpu.memory_space<vmem_shared>> -> memref<48x128xf32, #tpu.memory_space<vmem_shared>>
      tpu.wait_dma2 semaphore(%run_scoped3A : memref<!tpu.dma_semaphore, #tpu.memory_space<semaphore_mem>>) src(%arg20 : memref<48x128xf32, #tpu.memory_space<vmem>>) dst(%dma_wait3A_216 : memref<48x128xf32, #tpu.memory_space<vmem_shared>>)
      tpu.yield
    }) : () -> ()
    %add3A_17 = arith.constant 240 : i32
    %add3A_18 = arith.addi %mul3A_6, %add3A_17 : i32
    "tpu.region"() ({
      %run_scoped3A = tpu.sem_alloc : memref<!tpu.dma_semaphore, #tpu.memory_space<semaphore_mem>>
      %dma_start3A_209 = arith.constant 0 : i32
      %dma_start3A_210 = tpu.memref_slice %arg26[%add3A_18, %dma_start3A_209] : memref<10112x128xf32, #tpu.memory_space<vmem_shared>> -> memref<48x128xf32, #tpu.memory_space<vmem_shared>>
      %dma_start3A_211 = arith.constant 0 : i32
      %dma_start3A_212 = tpu.memref_slice %arg26[%add3A_18, %dma_start3A_211] : memref<10112x128xf32, #tpu.memory_space<vmem_shared>> -> memref<48x128xf32, #tpu.memory_space<vmem_shared>>
      tpu.enqueue_dma source(%arg20 : memref<48x128xf32, #tpu.memory_space<vmem>>) target(%dma_start3A_212 : memref<48x128xf32, #tpu.memory_space<vmem_shared>>) target_semaphore(%run_scoped3A : memref<!tpu.dma_semaphore, #tpu.memory_space<semaphore_mem>>)
      %dma_wait3A_213 = arith.constant 0 : i32
      %dma_wait3A_214 = tpu.memref_slice %arg26[%add3A_18, %dma_wait3A_213] : memref<10112x128xf32, #tpu.memory_space<vmem_shared>> -> memref<48x128xf32, #tpu.memory_space<vmem_shared>>
      %dma_wait3A_215 = arith.constant 0 : i32
      %dma_wait3A_216 = tpu.memref_slice %arg26[%add3A_18, %dma_wait3A_215] : memref<10112x128xf32, #tpu.memory_space<vmem_shared>> -> memref<48x128xf32, #tpu.memory_space<vmem_shared>>
      tpu.wait_dma2 semaphore(%run_scoped3A : memref<!tpu.dma_semaphore, #tpu.memory_space<semaphore_mem>>) src(%arg20 : memref<48x128xf32, #tpu.memory_space<vmem>>) dst(%dma_wait3A_216 : memref<48x128xf32, #tpu.memory_space<vmem_shared>>)
      tpu.yield
    }) : () -> ()
    %add3A_19 = arith.constant 288 : i32
    %add3A_20 = arith.addi %mul3A_6, %add3A_19 : i32
    "tpu.region"() ({
      %run_scoped3A = tpu.sem_alloc : memref<!tpu.dma_semaphore, #tpu.memory_space<semaphore_mem>>
      %dma_start3A_209 = arith.constant 0 : i32
      %dma_start3A_210 = tpu.memref_slice %arg26[%add3A_20, %dma_start3A_209] : memref<10112x128xf32, #tpu.memory_space<vmem_shared>> -> memref<48x128xf32, #tpu.memory_space<vmem_shared>>
      %dma_start3A_211 = arith.constant 0 : i32
      %dma_start3A_212 = tpu.memref_slice %arg26[%add3A_20, %dma_start3A_211] : memref<10112x128xf32, #tpu.memory_space<vmem_shared>> -> memref<48x128xf32, #tpu.memory_space<vmem_shared>>
      tpu.enqueue_dma source(%arg20 : memref<48x128xf32, #tpu.memory_space<vmem>>) target(%dma_start3A_212 : memref<48x128xf32, #tpu.memory_space<vmem_shared>>) target_semaphore(%run_scoped3A : memref<!tpu.dma_semaphore, #tpu.memory_space<semaphore_mem>>)
      %dma_wait3A_213 = arith.constant 0 : i32
      %dma_wait3A_214 = tpu.memref_slice %arg26[%add3A_20, %dma_wait3A_213] : memref<10112x128xf32, #tpu.memory_space<vmem_shared>> -> memref<48x128xf32, #tpu.memory_space<vmem_shared>>
      %dma_wait3A_215 = arith.constant 0 : i32
      %dma_wait3A_216 = tpu.memref_slice %arg26[%add3A_20, %dma_wait3A_215] : memref<10112x128xf32, #tpu.memory_space<vmem_shared>> -> memref<48x128xf32, #tpu.memory_space<vmem_shared>>
      tpu.wait_dma2 semaphore(%run_scoped3A : memref<!tpu.dma_semaphore, #tpu.memory_space<semaphore_mem>>) src(%arg20 : memref<48x128xf32, #tpu.memory_space<vmem>>) dst(%dma_wait3A_216 : memref<48x128xf32, #tpu.memory_space<vmem_shared>>)
      tpu.yield
    }) : () -> ()
    %add3A_21 = arith.constant 336 : i32
    %add3A_22 = arith.addi %mul3A_6, %add3A_21 : i32
    "tpu.region"() ({
      %run_scoped3A = tpu.sem_alloc : memref<!tpu.dma_semaphore, #tpu.memory_space<semaphore_mem>>
      %dma_start3A_209 = arith.constant 0 : i32
      %dma_start3A_210 = tpu.memref_slice %arg26[%add3A_22, %dma_start3A_209] : memref<10112x128xf32, #tpu.memory_space<vmem_shared>> -> memref<48x128xf32, #tpu.memory_space<vmem_shared>>
      %dma_start3A_211 = arith.constant 0 : i32
      %dma_start3A_212 = tpu.memref_slice %arg26[%add3A_22, %dma_start3A_211] : memref<10112x128xf32, #tpu.memory_space<vmem_shared>> -> memref<48x128xf32, #tpu.memory_space<vmem_shared>>
      tpu.enqueue_dma source(%arg20 : memref<48x128xf32, #tpu.memory_space<vmem>>) target(%dma_start3A_212 : memref<48x128xf32, #tpu.memory_space<vmem_shared>>) target_semaphore(%run_scoped3A : memref<!tpu.dma_semaphore, #tpu.memory_space<semaphore_mem>>)
      %dma_wait3A_213 = arith.constant 0 : i32
      %dma_wait3A_214 = tpu.memref_slice %arg26[%add3A_22, %dma_wait3A_213] : memref<10112x128xf32, #tpu.memory_space<vmem_shared>> -> memref<48x128xf32, #tpu.memory_space<vmem_shared>>
      %dma_wait3A_215 = arith.constant 0 : i32
      %dma_wait3A_216 = tpu.memref_slice %arg26[%add3A_22, %dma_wait3A_215] : memref<10112x128xf32, #tpu.memory_space<vmem_shared>> -> memref<48x128xf32, #tpu.memory_space<vmem_shared>>
      tpu.wait_dma2 semaphore(%run_scoped3A : memref<!tpu.dma_semaphore, #tpu.memory_space<semaphore_mem>>) src(%arg20 : memref<48x128xf32, #tpu.memory_space<vmem>>) dst(%dma_wait3A_216 : memref<48x128xf32, #tpu.memory_space<vmem_shared>>)
      tpu.yield
    }) : () -> ()
    %add3A_23 = arith.constant 384 : i32
    %add3A_24 = arith.addi %mul3A_6, %add3A_23 : i32
    "tpu.region"() ({
      %run_scoped3A = tpu.sem_alloc : memref<!tpu.dma_semaphore, #tpu.memory_space<semaphore_mem>>
      %dma_start3A_209 = arith.constant 0 : i32
      %dma_start3A_210 = tpu.memref_slice %arg26[%add3A_24, %dma_start3A_209] : memref<10112x128xf32, #tpu.memory_space<vmem_shared>> -> memref<48x128xf32, #tpu.memory_space<vmem_shared>>
      %dma_start3A_211 = arith.constant 0 : i32
      %dma_start3A_212 = tpu.memref_slice %arg26[%add3A_24, %dma_start3A_211] : memref<10112x128xf32, #tpu.memory_space<vmem_shared>> -> memref<48x128xf32, #tpu.memory_space<vmem_shared>>
      tpu.enqueue_dma source(%arg20 : memref<48x128xf32, #tpu.memory_space<vmem>>) target(%dma_start3A_212 : memref<48x128xf32, #tpu.memory_space<vmem_shared>>) target_semaphore(%run_scoped3A : memref<!tpu.dma_semaphore, #tpu.memory_space<semaphore_mem>>)
      %dma_wait3A_213 = arith.constant 0 : i32
      %dma_wait3A_214 = tpu.memref_slice %arg26[%add3A_24, %dma_wait3A_213] : memref<10112x128xf32, #tpu.memory_space<vmem_shared>> -> memref<48x128xf32, #tpu.memory_space<vmem_shared>>
      %dma_wait3A_215 = arith.constant 0 : i32
      %dma_wait3A_216 = tpu.memref_slice %arg26[%add3A_24, %dma_wait3A_215] : memref<10112x128xf32, #tpu.memory_space<vmem_shared>> -> memref<48x128xf32, #tpu.memory_space<vmem_shared>>
      tpu.wait_dma2 semaphore(%run_scoped3A : memref<!tpu.dma_semaphore, #tpu.memory_space<semaphore_mem>>) src(%arg20 : memref<48x128xf32, #tpu.memory_space<vmem>>) dst(%dma_wait3A_216 : memref<48x128xf32, #tpu.memory_space<vmem_shared>>)
      tpu.yield
    }) : () -> ()
    %add3A_25 = arith.constant 432 : i32
    %add3A_26 = arith.addi %mul3A_6, %add3A_25 : i32
    "tpu.region"() ({
      %run_scoped3A = tpu.sem_alloc : memref<!tpu.dma_semaphore, #tpu.memory_space<semaphore_mem>>
      %dma_start3A_209 = arith.constant 0 : i32
      %dma_start3A_210 = tpu.memref_slice %arg26[%add3A_26, %dma_start3A_209] : memref<10112x128xf32, #tpu.memory_space<vmem_shared>> -> memref<48x128xf32, #tpu.memory_space<vmem_shared>>
      %dma_start3A_211 = arith.constant 0 : i32
      %dma_start3A_212 = tpu.memref_slice %arg26[%add3A_26, %dma_start3A_211] : memref<10112x128xf32, #tpu.memory_space<vmem_shared>> -> memref<48x128xf32, #tpu.memory_space<vmem_shared>>
      tpu.enqueue_dma source(%arg20 : memref<48x128xf32, #tpu.memory_space<vmem>>) target(%dma_start3A_212 : memref<48x128xf32, #tpu.memory_space<vmem_shared>>) target_semaphore(%run_scoped3A : memref<!tpu.dma_semaphore, #tpu.memory_space<semaphore_mem>>)
      %dma_wait3A_213 = arith.constant 0 : i32
      %dma_wait3A_214 = tpu.memref_slice %arg26[%add3A_26, %dma_wait3A_213] : memref<10112x128xf32, #tpu.memory_space<vmem_shared>> -> memref<48x128xf32, #tpu.memory_space<vmem_shared>>
      %dma_wait3A_215 = arith.constant 0 : i32
      %dma_wait3A_216 = tpu.memref_slice %arg26[%add3A_26, %dma_wait3A_215] : memref<10112x128xf32, #tpu.memory_space<vmem_shared>> -> memref<48x128xf32, #tpu.memory_space<vmem_shared>>
      tpu.wait_dma2 semaphore(%run_scoped3A : memref<!tpu.dma_semaphore, #tpu.memory_space<semaphore_mem>>) src(%arg20 : memref<48x128xf32, #tpu.memory_space<vmem>>) dst(%dma_wait3A_216 : memref<48x128xf32, #tpu.memory_space<vmem_shared>>)
      tpu.yield
    }) : () -> ()
    %add3A_27 = arith.constant 480 : i32
    %add3A_28 = arith.addi %mul3A_6, %add3A_27 : i32
    "tpu.region"() ({
      %run_scoped3A = tpu.sem_alloc : memref<!tpu.dma_semaphore, #tpu.memory_space<semaphore_mem>>
      %dma_start3A_209 = arith.constant 0 : i32
      %dma_start3A_210 = tpu.memref_slice %arg26[%add3A_28, %dma_start3A_209] : memref<10112x128xf32, #tpu.memory_space<vmem_shared>> -> memref<48x128xf32, #tpu.memory_space<vmem_shared>>
      %dma_start3A_211 = arith.constant 0 : i32
      %dma_start3A_212 = tpu.memref_slice %arg26[%add3A_28, %dma_start3A_211] : memref<10112x128xf32, #tpu.memory_space<vmem_shared>> -> memref<48x128xf32, #tpu.memory_space<vmem_shared>>
      tpu.enqueue_dma source(%arg20 : memref<48x128xf32, #tpu.memory_space<vmem>>) target(%dma_start3A_212 : memref<48x128xf32, #tpu.memory_space<vmem_shared>>) target_semaphore(%run_scoped3A : memref<!tpu.dma_semaphore, #tpu.memory_space<semaphore_mem>>)
      %dma_wait3A_213 = arith.constant 0 : i32
      %dma_wait3A_214 = tpu.memref_slice %arg26[%add3A_28, %dma_wait3A_213] : memref<10112x128xf32, #tpu.memory_space<vmem_shared>> -> memref<48x128xf32, #tpu.memory_space<vmem_shared>>
      %dma_wait3A_215 = arith.constant 0 : i32
      %dma_wait3A_216 = tpu.memref_slice %arg26[%add3A_28, %dma_wait3A_215] : memref<10112x128xf32, #tpu.memory_space<vmem_shared>> -> memref<48x128xf32, #tpu.memory_space<vmem_shared>>
      tpu.wait_dma2 semaphore(%run_scoped3A : memref<!tpu.dma_semaphore, #tpu.memory_space<semaphore_mem>>) src(%arg20 : memref<48x128xf32, #tpu.memory_space<vmem>>) dst(%dma_wait3A_216 : memref<48x128xf32, #tpu.memory_space<vmem_shared>>)
      tpu.yield
    }) : () -> ()
    %add3A_29 = arith.constant 528 : i32
    %add3A_30 = arith.addi %mul3A_6, %add3A_29 : i32
    "tpu.region"() ({
      %run_scoped3A = tpu.sem_alloc : memref<!tpu.dma_semaphore, #tpu.memory_space<semaphore_mem>>
      %dma_start3A_209 = arith.constant 0 : i32
      %dma_start3A_210 = tpu.memref_slice %arg26[%add3A_30, %dma_start3A_209] : memref<10112x128xf32, #tpu.memory_space<vmem_shared>> -> memref<48x128xf32, #tpu.memory_space<vmem_shared>>
      %dma_start3A_211 = arith.constant 0 : i32
      %dma_start3A_212 = tpu.memref_slice %arg26[%add3A_30, %dma_start3A_211] : memref<10112x128xf32, #tpu.memory_space<vmem_shared>> -> memref<48x128xf32, #tpu.memory_space<vmem_shared>>
      tpu.enqueue_dma source(%arg20 : memref<48x128xf32, #tpu.memory_space<vmem>>) target(%dma_start3A_212 : memref<48x128xf32, #tpu.memory_space<vmem_shared>>) target_semaphore(%run_scoped3A : memref<!tpu.dma_semaphore, #tpu.memory_space<semaphore_mem>>)
      %dma_wait3A_213 = arith.constant 0 : i32
      %dma_wait3A_214 = tpu.memref_slice %arg26[%add3A_30, %dma_wait3A_213] : memref<10112x128xf32, #tpu.memory_space<vmem_shared>> -> memref<48x128xf32, #tpu.memory_space<vmem_shared>>
      %dma_wait3A_215 = arith.constant 0 : i32
      %dma_wait3A_216 = tpu.memref_slice %arg26[%add3A_30, %dma_wait3A_215] : memref<10112x128xf32, #tpu.memory_space<vmem_shared>> -> memref<48x128xf32, #tpu.memory_space<vmem_shared>>
      tpu.wait_dma2 semaphore(%run_scoped3A : memref<!tpu.dma_semaphore, #tpu.memory_space<semaphore_mem>>) src(%arg20 : memref<48x128xf32, #tpu.memory_space<vmem>>) dst(%dma_wait3A_216 : memref<48x128xf32, #tpu.memory_space<vmem_shared>>)
      tpu.yield
    }) : () -> ()
    %add3A_31 = arith.constant 576 : i32
    %add3A_32 = arith.addi %mul3A_6, %add3A_31 : i32
    "tpu.region"() ({
      %run_scoped3A = tpu.sem_alloc : memref<!tpu.dma_semaphore, #tpu.memory_space<semaphore_mem>>
      %dma_start3A_209 = arith.constant 0 : i32
      %dma_start3A_210 = tpu.memref_slice %arg26[%add3A_32, %dma_start3A_209] : memref<10112x128xf32, #tpu.memory_space<vmem_shared>> -> memref<48x128xf32, #tpu.memory_space<vmem_shared>>
      %dma_start3A_211 = arith.constant 0 : i32
      %dma_start3A_212 = tpu.memref_slice %arg26[%add3A_32, %dma_start3A_211] : memref<10112x128xf32, #tpu.memory_space<vmem_shared>> -> memref<48x128xf32, #tpu.memory_space<vmem_shared>>
      tpu.enqueue_dma source(%arg20 : memref<48x128xf32, #tpu.memory_space<vmem>>) target(%dma_start3A_212 : memref<48x128xf32, #tpu.memory_space<vmem_shared>>) target_semaphore(%run_scoped3A : memref<!tpu.dma_semaphore, #tpu.memory_space<semaphore_mem>>)
      %dma_wait3A_213 = arith.constant 0 : i32
      %dma_wait3A_214 = tpu.memref_slice %arg26[%add3A_32, %dma_wait3A_213] : memref<10112x128xf32, #tpu.memory_space<vmem_shared>> -> memref<48x128xf32, #tpu.memory_space<vmem_shared>>
      %dma_wait3A_215 = arith.constant 0 : i32
      %dma_wait3A_216 = tpu.memref_slice %arg26[%add3A_32, %dma_wait3A_215] : memref<10112x128xf32, #tpu.memory_space<vmem_shared>> -> memref<48x128xf32, #tpu.memory_space<vmem_shared>>
      tpu.wait_dma2 semaphore(%run_scoped3A : memref<!tpu.dma_semaphore, #tpu.memory_space<semaphore_mem>>) src(%arg20 : memref<48x128xf32, #tpu.memory_space<vmem>>) dst(%dma_wait3A_216 : memref<48x128xf32, #tpu.memory_space<vmem_shared>>)
      tpu.yield
    }) : () -> ()
    %add3A_33 = arith.constant 632 : i32
    %add3A_34 = arith.addi %mul3A_6, %add3A_33 : i32
    %sub3A = arith.constant 8 : i32
    %sub3A_35 = arith.subi %add3A_34, %sub3A : i32
    "tpu.region"() ({
      %run_scoped3A = tpu.sem_alloc : memref<!tpu.dma_semaphore, #tpu.memory_space<semaphore_mem>>
      %dma_start3A_209 = arith.constant 0 : i32
      %dma_start3A_210 = arith.constant 0 : i32
      %dma_start3A_211 = tpu.memref_slice %arg20[%dma_start3A_209, %dma_start3A_210] : memref<48x128xf32, #tpu.memory_space<vmem>> -> memref<8x128xf32, #tpu.memory_space<vmem>>
      %dma_start3A_212 = arith.constant 0 : i32
      %dma_start3A_213 = tpu.memref_slice %arg26[%sub3A_35, %dma_start3A_212] : memref<10112x128xf32, #tpu.memory_space<vmem_shared>> -> memref<8x128xf32, #tpu.memory_space<vmem_shared>>
      %dma_start3A_214 = arith.constant 0 : i32
      %dma_start3A_215 = tpu.memref_slice %arg26[%sub3A_35, %dma_start3A_214] : memref<10112x128xf32, #tpu.memory_space<vmem_shared>> -> memref<8x128xf32, #tpu.memory_space<vmem_shared>>
      %dma_start3A_216 = arith.constant 0 : i32
      %dma_start3A_217 = arith.constant 0 : i32
      %dma_start3A_218 = tpu.memref_slice %arg20[%dma_start3A_216, %dma_start3A_217] : memref<48x128xf32, #tpu.memory_space<vmem>> -> memref<8x128xf32, #tpu.memory_space<vmem>>
      tpu.enqueue_dma source(%dma_start3A_218 : memref<8x128xf32, #tpu.memory_space<vmem>>) target(%dma_start3A_215 : memref<8x128xf32, #tpu.memory_space<vmem_shared>>) target_semaphore(%run_scoped3A : memref<!tpu.dma_semaphore, #tpu.memory_space<semaphore_mem>>)
      %dma_wait3A_219 = arith.constant 0 : i32
      %dma_wait3A_220 = arith.constant 0 : i32
      %dma_wait3A_221 = tpu.memref_slice %arg20[%dma_wait3A_219, %dma_wait3A_220] : memref<48x128xf32, #tpu.memory_space<vmem>> -> memref<8x128xf32, #tpu.memory_space<vmem>>
      %dma_wait3A_222 = arith.constant 0 : i32
      %dma_wait3A_223 = tpu.memref_slice %arg26[%sub3A_35, %dma_wait3A_222] : memref<10112x128xf32, #tpu.memory_space<vmem_shared>> -> memref<8x128xf32, #tpu.memory_space<vmem_shared>>
      %dma_wait3A_224 = arith.constant 0 : i32
      %dma_wait3A_225 = tpu.memref_slice %arg26[%sub3A_35, %dma_wait3A_224] : memref<10112x128xf32, #tpu.memory_space<vmem_shared>> -> memref<8x128xf32, #tpu.memory_space<vmem_shared>>
      %dma_wait3A_226 = arith.constant 0 : i32
      %dma_wait3A_227 = arith.constant 0 : i32
      %dma_wait3A_228 = tpu.memref_slice %arg20[%dma_wait3A_226, %dma_wait3A_227] : memref<48x128xf32, #tpu.memory_space<vmem>> -> memref<8x128xf32, #tpu.memory_space<vmem>>
      tpu.wait_dma2 semaphore(%run_scoped3A : memref<!tpu.dma_semaphore, #tpu.memory_space<semaphore_mem>>) src(%dma_wait3A_228 : memref<8x128xf32, #tpu.memory_space<vmem>>) dst(%dma_wait3A_225 : memref<8x128xf32, #tpu.memory_space<vmem_shared>>)
      tpu.yield
    }) : () -> ()
    %mul3A_36 = arith.constant 80 : i32
    %mul3A_37 = arith.muli %arg1, %mul3A_36 : i32
    %add3A_38 = arith.constant 0 : i32
    %add3A_39 = arith.addi %mul3A_37, %add3A_38 : i32
    "tpu.region"() ({
      %run_scoped3A = tpu.sem_alloc : memref<!tpu.dma_semaphore, #tpu.memory_space<semaphore_mem>>
      %dma_start3A_209 = arith.constant 0 : i32
      %dma_start3A_210 = tpu.memref_slice %arg27[%add3A_39, %dma_start3A_209] : memref<1280x128xf32, #tpu.memory_space<vmem_shared>> -> memref<48x128xf32, #tpu.memory_space<vmem_shared>>
      %dma_start3A_211 = arith.constant 0 : i32
      %dma_start3A_212 = tpu.memref_slice %arg27[%add3A_39, %dma_start3A_211] : memref<1280x128xf32, #tpu.memory_space<vmem_shared>> -> memref<48x128xf32, #tpu.memory_space<vmem_shared>>
      tpu.enqueue_dma source(%arg20 : memref<48x128xf32, #tpu.memory_space<vmem>>) target(%dma_start3A_212 : memref<48x128xf32, #tpu.memory_space<vmem_shared>>) target_semaphore(%run_scoped3A : memref<!tpu.dma_semaphore, #tpu.memory_space<semaphore_mem>>)
      %dma_wait3A_213 = arith.constant 0 : i32
      %dma_wait3A_214 = tpu.memref_slice %arg27[%add3A_39, %dma_wait3A_213] : memref<1280x128xf32, #tpu.memory_space<vmem_shared>> -> memref<48x128xf32, #tpu.memory_space<vmem_shared>>
      %dma_wait3A_215 = arith.constant 0 : i32
      %dma_wait3A_216 = tpu.memref_slice %arg27[%add3A_39, %dma_wait3A_215] : memref<1280x128xf32, #tpu.memory_space<vmem_shared>> -> memref<48x128xf32, #tpu.memory_space<vmem_shared>>
      tpu.wait_dma2 semaphore(%run_scoped3A : memref<!tpu.dma_semaphore, #tpu.memory_space<semaphore_mem>>) src(%arg20 : memref<48x128xf32, #tpu.memory_space<vmem>>) dst(%dma_wait3A_216 : memref<48x128xf32, #tpu.memory_space<vmem_shared>>)
      tpu.yield
    }) : () -> ()
    %add3A_40 = arith.constant 80 : i32
    %add3A_41 = arith.addi %mul3A_37, %add3A_40 : i32
    %sub3A_42 = arith.constant 32 : i32
    %sub3A_43 = arith.subi %add3A_41, %sub3A_42 : i32
    "tpu.region"() ({
      %run_scoped3A = tpu.sem_alloc : memref<!tpu.dma_semaphore, #tpu.memory_space<semaphore_mem>>
      %dma_start3A_209 = arith.constant 0 : i32
      %dma_start3A_210 = arith.constant 0 : i32
      %dma_start3A_211 = tpu.memref_slice %arg20[%dma_start3A_209, %dma_start3A_210] : memref<48x128xf32, #tpu.memory_space<vmem>> -> memref<32x128xf32, #tpu.memory_space<vmem>>
      %dma_start3A_212 = arith.constant 0 : i32
      %dma_start3A_213 = tpu.memref_slice %arg27[%sub3A_43, %dma_start3A_212] : memref<1280x128xf32, #tpu.memory_space<vmem_shared>> -> memref<32x128xf32, #tpu.memory_space<vmem_shared>>
      %dma_start3A_214 = arith.constant 0 : i32
      %dma_start3A_215 = tpu.memref_slice %arg27[%sub3A_43, %dma_start3A_214] : memref<1280x128xf32, #tpu.memory_space<vmem_shared>> -> memref<32x128xf32, #tpu.memory_space<vmem_shared>>
      %dma_start3A_216 = arith.constant 0 : i32
      %dma_start3A_217 = arith.constant 0 : i32
      %dma_start3A_218 = tpu.memref_slice %arg20[%dma_start3A_216, %dma_start3A_217] : memref<48x128xf32, #tpu.memory_space<vmem>> -> memref<32x128xf32, #tpu.memory_space<vmem>>
      tpu.enqueue_dma source(%dma_start3A_218 : memref<32x128xf32, #tpu.memory_space<vmem>>) target(%dma_start3A_215 : memref<32x128xf32, #tpu.memory_space<vmem_shared>>) target_semaphore(%run_scoped3A : memref<!tpu.dma_semaphore, #tpu.memory_space<semaphore_mem>>)
      %dma_wait3A_219 = arith.constant 0 : i32
      %dma_wait3A_220 = arith.constant 0 : i32
      %dma_wait3A_221 = tpu.memref_slice %arg20[%dma_wait3A_219, %dma_wait3A_220] : memref<48x128xf32, #tpu.memory_space<vmem>> -> memref<32x128xf32, #tpu.memory_space<vmem>>
      %dma_wait3A_222 = arith.constant 0 : i32
      %dma_wait3A_223 = tpu.memref_slice %arg27[%sub3A_43, %dma_wait3A_222] : memref<1280x128xf32, #tpu.memory_space<vmem_shared>> -> memref<32x128xf32, #tpu.memory_space<vmem_shared>>
      %dma_wait3A_224 = arith.constant 0 : i32
      %dma_wait3A_225 = tpu.memref_slice %arg27[%sub3A_43, %dma_wait3A_224] : memref<1280x128xf32, #tpu.memory_space<vmem_shared>> -> memref<32x128xf32, #tpu.memory_space<vmem_shared>>
      %dma_wait3A_226 = arith.constant 0 : i32
      %dma_wait3A_227 = arith.constant 0 : i32
      %dma_wait3A_228 = tpu.memref_slice %arg20[%dma_wait3A_226, %dma_wait3A_227] : memref<48x128xf32, #tpu.memory_space<vmem>> -> memref<32x128xf32, #tpu.memory_space<vmem>>
      tpu.wait_dma2 semaphore(%run_scoped3A : memref<!tpu.dma_semaphore, #tpu.memory_space<semaphore_mem>>) src(%dma_wait3A_228 : memref<32x128xf32, #tpu.memory_space<vmem>>) dst(%dma_wait3A_225 : memref<32x128xf32, #tpu.memory_space<vmem_shared>>)
      tpu.yield
    }) : () -> ()
    %barrier3A = arith.constant 0 : index
    tpu.barrier barrier_id(%barrier3A)
    %iota3A = tpu.iota {dimensions = array<i32: 0>} : vector<16xi32>
    %lt3A = arith.constant 8 : i32
    %lt3A_44 = vector.broadcast %lt3A : i32 to vector<16xi32>
    %lt3A_45 = arith.cmpi slt, %iota3A, %lt3A_44 : vector<16xi32>
    %broadcast_in_dim3A = arith.constant 0 : i32
    %broadcast_in_dim3A_46 = vector.broadcast %broadcast_in_dim3A : i32 to vector<16xi32>
    %broadcast_in_dim3A_47 = arith.constant 1 : i32
    %broadcast_in_dim3A_48 = vector.broadcast %broadcast_in_dim3A_47 : i32 to vector<16xi32>
    %broadcast_in_dim3A_49 = arith.constant 2 : i32
    %broadcast_in_dim3A_50 = vector.broadcast %broadcast_in_dim3A_49 : i32 to vector<16xi32>
    %broadcast_in_dim3A_51 = arith.constant 3 : i32
    %broadcast_in_dim3A_52 = vector.broadcast %broadcast_in_dim3A_51 : i32 to vector<16xi32>
    %broadcast_in_dim3A_53 = arith.constant 4 : i32
    %broadcast_in_dim3A_54 = vector.broadcast %broadcast_in_dim3A_53 : i32 to vector<16xi32>
    %broadcast_in_dim3A_55 = arith.constant 5 : i32
    %broadcast_in_dim3A_56 = vector.broadcast %broadcast_in_dim3A_55 : i32 to vector<16xi32>
    %broadcast_in_dim3A_57 = arith.constant 6 : i32
    %broadcast_in_dim3A_58 = vector.broadcast %broadcast_in_dim3A_57 : i32 to vector<16xi32>
    %broadcast_in_dim3A_59 = arith.constant 7 : i32
    %broadcast_in_dim3A_60 = vector.broadcast %broadcast_in_dim3A_59 : i32 to vector<16xi32>
    %mul3A_61 = arith.constant 210 : i32
    %mul3A_62 = arith.muli %add3A, %mul3A_61 : i32
    %add3A_63 = arith.constant 0 : i32
    %add3A_64 = arith.addi %mul3A_62, %add3A_63 : i32
    %mul3A_65 = arith.constant 144 : i32
    %mul3A_66 = arith.muli %add3A_64, %mul3A_65 : i32
    "tpu.region"() ({
      %run_scoped3A = tpu.sem_alloc : memref<!tpu.dma_semaphore, #tpu.memory_space<semaphore_mem>>
      %dma_start3A_209 = tpu.memref_slice %arg2[%mul3A_66] : memref<967680xi32, #tpu.memory_space<hbm>> -> memref<144xi32, #tpu.memory_space<hbm>>
      %dma_start3A_210 = tpu.memref_slice %arg2[%mul3A_66] : memref<967680xi32, #tpu.memory_space<hbm>> -> memref<144xi32, #tpu.memory_space<hbm>>
      tpu.enqueue_dma source(%dma_start3A_210 : memref<144xi32, #tpu.memory_space<hbm>>) target(%arg8 : memref<144xi32, #tpu.memory_space<vmem>>) target_semaphore(%run_scoped3A : memref<!tpu.dma_semaphore, #tpu.memory_space<semaphore_mem>>)
      %dma_wait3A_211 = tpu.memref_slice %arg2[%mul3A_66] : memref<967680xi32, #tpu.memory_space<hbm>> -> memref<144xi32, #tpu.memory_space<hbm>>
      %dma_wait3A_212 = tpu.memref_slice %arg2[%mul3A_66] : memref<967680xi32, #tpu.memory_space<hbm>> -> memref<144xi32, #tpu.memory_space<hbm>>
      tpu.wait_dma2 semaphore(%run_scoped3A : memref<!tpu.dma_semaphore, #tpu.memory_space<semaphore_mem>>) src(%dma_wait3A_212 : memref<144xi32, #tpu.memory_space<hbm>>) dst(%arg8 : memref<144xi32, #tpu.memory_space<vmem>>)
      tpu.yield
    }) : () -> ()
    %get3A = arith.constant 0 : index
    %get3A_67 = tpu.vector_load %arg8[%get3A] {strides = array<i32>} : memref<144xi32, #tpu.memory_space<vmem>>, vector<16xi32>,
    %get3A_68 = vector.shape_cast %get3A_67 : vector<16xi32> to vector<16xi32>
    %get3A_69 = arith.constant 48 : index
    %get3A_70 = tpu.vector_load %arg8[%get3A_69] {strides = array<i32>} : memref<144xi32, #tpu.memory_space<vmem>>, vector<16xi32>,
    %get3A_71 = vector.shape_cast %get3A_70 : vector<16xi32> to vector<16xi32>
    %get3A_72 = arith.constant 96 : index
    %get3A_73 = tpu.vector_load %arg8[%get3A_72] {strides = array<i32>} : memref<144xi32, #tpu.memory_space<vmem>>, vector<16xi32>,
    %get3A_74 = vector.shape_cast %get3A_73 : vector<16xi32> to vector<16xi32>
    %swap3A = arith.constant 0 : index
    %swap3A_75 = tpu.vector_load %arg10[%swap3A] {strides = array<i32>} : memref<48xi32, #tpu.memory_space<vmem>>, vector<16xi32>,
    %swap3A_76 = vector.shape_cast %swap3A_75 : vector<16xi32> to vector<16xi32>
    %swap3A_77 = vector.shape_cast %get3A_68 : vector<16xi32> to vector<16xi32>
    tpu.vector_store %arg10[%swap3A], %swap3A_77 {strides = array<i32>} : memref<48xi32, #tpu.memory_space<vmem>>, vector<16xi32>,
    %mul3A_78 = arith.constant 2 : i32
    %mul3A_79 = vector.broadcast %mul3A_78 : i32 to vector<16xi32>
    %mul3A_80 = arith.muli %get3A_68, %mul3A_79 : vector<16xi32>
    %add3A_81 = arith.addi %mul3A_80, %get3A_74 : vector<16xi32>
    %swap3A_82 = arith.constant 0 : index
    %swap3A_83 = tpu.vector_load %arg14[%swap3A_82] {strides = array<i32>} : memref<48xi32, #tpu.memory_space<vmem>>, vector<16xi32>,
    %swap3A_84 = vector.shape_cast %swap3A_83 : vector<16xi32> to vector<16xi32>
    %swap3A_85 = vector.shape_cast %add3A_81 : vector<16xi32> to vector<16xi32>
    tpu.vector_store %arg14[%swap3A_82], %swap3A_85 {strides = array<i32>} : memref<48xi32, #tpu.memory_space<vmem>>, vector<16xi32>,
    %swap3A_86 = arith.constant 0 : index
    %swap3A_87 = tpu.vector_load %arg12[%swap3A_86] {strides = array<i32>} : memref<48xi32, #tpu.memory_space<vmem>>, vector<16xi32>,
    %swap3A_88 = vector.shape_cast %swap3A_87 : vector<16xi32> to vector<16xi32>
    %swap3A_89 = vector.shape_cast %get3A_71 : vector<16xi32> to vector<16xi32>
    tpu.vector_store %arg12[%swap3A_86], %swap3A_89 {strides = array<i32>} : memref<48xi32, #tpu.memory_space<vmem>>, vector<16xi32>,
    %mul3A_90 = arith.constant 2 : i32
    %mul3A_91 = vector.broadcast %mul3A_90 : i32 to vector<16xi32>
    %mul3A_92 = arith.muli %get3A_71, %mul3A_91 : vector<16xi32>
    %add3A_93 = arith.addi %mul3A_92, %get3A_74 : vector<16xi32>
    %swap3A_94 = arith.constant 0 : index
    %swap3A_95 = tpu.vector_load %arg16[%swap3A_94] {strides = array<i32>} : memref<48xi32, #tpu.memory_space<vmem>>, vector<16xi32>,
    %swap3A_96 = vector.shape_cast %swap3A_95 : vector<16xi32> to vector<16xi32>
    %swap3A_97 = vector.shape_cast %add3A_93 : vector<16xi32> to vector<16xi32>
    tpu.vector_store %arg16[%swap3A_94], %swap3A_97 {strides = array<i32>} : memref<48xi32, #tpu.memory_space<vmem>>, vector<16xi32>,
    %shift_right_logical3A = arith.constant 3 : i32
    %shift_right_logical3A_98 = vector.broadcast %shift_right_logical3A : i32 to vector<16xi32>
    %shift_right_logical3A_99 = arith.shrui %get3A_71, %shift_right_logical3A_98 : vector<16xi32>
    %swap3A_100 = arith.constant 0 : index
    %swap3A_101 = tpu.vector_load %arg18[%swap3A_100] {strides = array<i32>} : memref<48xi32, #tpu.memory_space<vmem>>, vector<16xi32>,
    %swap3A_102 = vector.shape_cast %swap3A_101 : vector<16xi32> to vector<16xi32>
    %swap3A_103 = vector.shape_cast %shift_right_logical3A_99 : vector<16xi32> to vector<16xi32>
    tpu.vector_store %arg18[%swap3A_100], %swap3A_103 {strides = array<i32>} : memref<48xi32, #tpu.memory_space<vmem>>, vector<16xi32>,
    %get3A_104 = arith.constant 16 : index
    %get3A_105 = tpu.vector_load %arg8[%get3A_104] {strides = array<i32>} : memref<144xi32, #tpu.memory_space<vmem>>, vector<16xi32>,
    %get3A_106 = vector.shape_cast %get3A_105 : vector<16xi32> to vector<16xi32>
    %get3A_107 = arith.constant 64 : index
    %get3A_108 = tpu.vector_load %arg8[%get3A_107] {strides = array<i32>} : memref<144xi32, #tpu.memory_space<vmem>>, vector<16xi32>,
    %get3A_109 = vector.shape_cast %get3A_108 : vector<16xi32> to vector<16xi32>
    %get3A_110 = arith.constant 112 : index
    %get3A_111 = tpu.vector_load %arg8[%get3A_110] {strides = array<i32>} : memref<144xi32, #tpu.memory_space<vmem>>, vector<16xi32>,
    %get3A_112 = vector.shape_cast %get3A_111 : vector<16xi32> to vector<16xi32>
    %swap3A_113 = arith.constant 16 : index
    %swap3A_114 = tpu.vector_load %arg10[%swap3A_113] {strides = array<i32>} : memref<48xi32, #tpu.memory_space<vmem>>, vector<16xi32>,
    %swap3A_115 = vector.shape_cast %swap3A_114 : vector<16xi32> to vector<16xi32>
    %swap3A_116 = vector.shape_cast %get3A_106 : vector<16xi32> to vector<16xi32>
    tpu.vector_store %arg10[%swap3A_113], %swap3A_116 {strides = array<i32>} : memref<48xi32, #tpu.memory_space<vmem>>, vector<16xi32>,
    %mul3A_117 = arith.constant 2 : i32
    %mul3A_118 = vector.broadcast %mul3A_117 : i32 to vector<16xi32>
    %mul3A_119 = arith.muli %get3A_106, %mul3A_118 : vector<16xi32>
    %add3A_120 = arith.addi %mul3A_119, %get3A_112 : vector<16xi32>
    %swap3A_121 = arith.constant 16 : index
    %swap3A_122 = tpu.vector_load %arg14[%swap3A_121] {strides = array<i32>} : memref<48xi32, #tpu.memory_space<vmem>>, vector<16xi32>,
    %swap3A_123 = vector.shape_cast %swap3A_122 : vector<16xi32> to vector<16xi32>
    %swap3A_124 = vector.shape_cast %add3A_120 : vector<16xi32> to vector<16xi32>
    tpu.vector_store %arg14[%swap3A_121], %swap3A_124 {strides = array<i32>} : memref<48xi32, #tpu.memory_space<vmem>>, vector<16xi32>,
    %swap3A_125 = arith.constant 16 : index
    %swap3A_126 = tpu.vector_load %arg12[%swap3A_125] {strides = array<i32>} : memref<48xi32, #tpu.memory_space<vmem>>, vector<16xi32>,
    %swap3A_127 = vector.shape_cast %swap3A_126 : vector<16xi32> to vector<16xi32>
    %swap3A_128 = vector.shape_cast %get3A_109 : vector<16xi32> to vector<16xi32>
    tpu.vector_store %arg12[%swap3A_125], %swap3A_128 {strides = array<i32>} : memref<48xi32, #tpu.memory_space<vmem>>, vector<16xi32>,
    %mul3A_129 = arith.constant 2 : i32
    %mul3A_130 = vector.broadcast %mul3A_129 : i32 to vector<16xi32>
    %mul3A_131 = arith.muli %get3A_109, %mul3A_130 : vector<16xi32>
    %add3A_132 = arith.addi %mul3A_131, %get3A_112 : vector<16xi32>
    %swap3A_133 = arith.constant 16 : index
    %swap3A_134 = tpu.vector_load %arg16[%swap3A_133] {strides = array<i32>} : memref<48xi32, #tpu.memory_space<vmem>>, vector<16xi32>,
    %swap3A_135 = vector.shape_cast %swap3A_134 : vector<16xi32> to vector<16xi32>
    %swap3A_136 = vector.shape_cast %add3A_132 : vector<16xi32> to vector<16xi32>
    tpu.vector_store %arg16[%swap3A_133], %swap3A_136 {strides = array<i32>} : memref<48xi32, #tpu.memory_space<vmem>>, vector<16xi32>,
    %shift_right_logical3A_137 = arith.constant 3 : i32
    %shift_right_logical3A_138 = vector.broadcast %shift_right_logical3A_137 : i32 to vector<16xi32>
    %shift_right_logical3A_139 = arith.shrui %get3A_109, %shift_right_logical3A_138 : vector<16xi32>
    %swap3A_140 = arith.constant 16 : index
    %swap3A_141 = tpu.vector_load %arg18[%swap3A_140] {strides = array<i32>} : memref<48xi32, #tpu.memory_space<vmem>>, vector<16xi32>,
    %swap3A_142 = vector.shape_cast %swap3A_141 : vector<16xi32> to vector<16xi32>
    %swap3A_143 = vector.shape_cast %shift_right_logical3A_139 : vector<16xi32> to vector<16xi32>
    tpu.vector_store %arg18[%swap3A_140], %swap3A_143 {strides = array<i32>} : memref<48xi32, #tpu.memory_space<vmem>>, vector<16xi32>,
    %get3A_144 = arith.constant 32 : index
    %get3A_145 = tpu.vector_load %arg8[%get3A_144] {strides = array<i32>} : memref<144xi32, #tpu.memory_space<vmem>>, vector<16xi32>,
    %get3A_146 = vector.shape_cast %get3A_145 : vector<16xi32> to vector<16xi32>
    %get3A_147 = arith.constant 80 : index
    %get3A_148 = tpu.vector_load %arg8[%get3A_147] {strides = array<i32>} : memref<144xi32, #tpu.memory_space<vmem>>, vector<16xi32>,
    %get3A_149 = vector.shape_cast %get3A_148 : vector<16xi32> to vector<16xi32>
    %get3A_150 = arith.constant 128 : index
    %get3A_151 = tpu.vector_load %arg8[%get3A_150] {strides = array<i32>} : memref<144xi32, #tpu.memory_space<vmem>>, vector<16xi32>,
    %get3A_152 = vector.shape_cast %get3A_151 : vector<16xi32> to vector<16xi32>
    %swap3A_153 = arith.constant 32 : index
    %swap3A_154 = tpu.vector_load %arg10[%swap3A_153] {strides = array<i32>} : memref<48xi32, #tpu.memory_space<vmem>>, vector<16xi32>,
    %swap3A_155 = vector.shape_cast %swap3A_154 : vector<16xi32> to vector<16xi32>
    %swap3A_156 = vector.shape_cast %get3A_146 : vector<16xi32> to vector<16xi32>
    tpu.vector_store %arg10[%swap3A_153], %swap3A_156 {strides = array<i32>} : memref<48xi32, #tpu.memory_space<vmem>>, vector<16xi32>,
    %mul3A_157 = arith.constant 2 : i32
    %mul3A_158 = vector.broadcast %mul3A_157 : i32 to vector<16xi32>
    %mul3A_159 = arith.muli %get3A_146, %mul3A_158 : vector<16xi32>
    %add3A_160 = arith.addi %mul3A_159, %get3A_152 : vector<16xi32>
    %swap3A_161 = arith.constant 32 : index
    %swap3A_162 = tpu.vector_load %arg14[%swap3A_161] {strides = array<i32>} : memref<48xi32, #tpu.memory_space<vmem>>, vector<16xi32>,
    %swap3A_163 = vector.shape_cast %swap3A_162 : vector<16xi32> to vector<16xi32>
    %swap3A_164 = vector.shape_cast %add3A_160 : vector<16xi32> to vector<16xi32>
    tpu.vector_store %arg14[%swap3A_161], %swap3A_164 {strides = array<i32>} : memref<48xi32, #tpu.memory_space<vmem>>, vector<16xi32>,
    %swap3A_165 = arith.constant 32 : index
    %swap3A_166 = tpu.vector_load %arg12[%swap3A_165] {strides = array<i32>} : memref<48xi32, #tpu.memory_space<vmem>>, vector<16xi32>,
    %swap3A_167 = vector.shape_cast %swap3A_166 : vector<16xi32> to vector<16xi32>
    %swap3A_168 = vector.shape_cast %get3A_149 : vector<16xi32> to vector<16xi32>
    tpu.vector_store %arg12[%swap3A_165], %swap3A_168 {strides = array<i32>} : memref<48xi32, #tpu.memory_space<vmem>>, vector<16xi32>,
    %mul3A_169 = arith.constant 2 : i32
    %mul3A_170 = vector.broadcast %mul3A_169 : i32 to vector<16xi32>
    %mul3A_171 = arith.muli %get3A_149, %mul3A_170 : vector<16xi32>
    %add3A_172 = arith.addi %mul3A_171, %get3A_152 : vector<16xi32>
    %swap3A_173 = arith.constant 32 : index
    %swap3A_174 = tpu.vector_load %arg16[%swap3A_173] {strides = array<i32>} : memref<48xi32, #tpu.memory_space<vmem>>, vector<16xi32>,
    %swap3A_175 = vector.shape_cast %swap3A_174 : vector<16xi32> to vector<16xi32>
    %swap3A_176 = vector.shape_cast %add3A_172 : vector<16xi32> to vector<16xi32>
    tpu.vector_store %arg16[%swap3A_173], %swap3A_176 {strides = array<i32>} : memref<48xi32, #tpu.memory_space<vmem>>, vector<16xi32>,
    %shift_right_logical3A_177 = arith.constant 3 : i32
    %shift_right_logical3A_178 = vector.broadcast %shift_right_logical3A_177 : i32 to vector<16xi32>
    %shift_right_logical3A_179 = arith.shrui %get3A_149, %shift_right_logical3A_178 : vector<16xi32>
    %swap3A_180 = arith.constant 32 : index
    %swap3A_181 = tpu.vector_load %arg18[%swap3A_180] {strides = array<i32>} : memref<48xi32, #tpu.memory_space<vmem>>, vector<16xi32>,
    %swap3A_182 = vector.shape_cast %swap3A_181 : vector<16xi32> to vector<16xi32>
    %swap3A_183 = vector.shape_cast %shift_right_logical3A_179 : vector<16xi32> to vector<16xi32>
    tpu.vector_store %arg18[%swap3A_180], %swap3A_183 {strides = array<i32>} : memref<48xi32, #tpu.memory_space<vmem>>, vector<16xi32>,
    %dma_start3A = arith.constant 0 : i32
    %dma_start3A_184 = arith.constant 0 : i32
    %dma_start3A_185 = tpu.memref_slice %arg3[%dma_start3A, %dma_start3A_184] : memref<20000x128xf32, #tpu.memory_space<hbm>> -> memref<20000x128xf32, #tpu.memory_space<hbm>>
    tpu.enqueue_indirect_dma source(%dma_start3A_185 : memref<20000x128xf32, #tpu.memory_space<hbm>>) target(%arg20 : memref<48x128xf32, #tpu.memory_space<vmem>>) offsets(%arg14 : memref<48xi32, #tpu.memory_space<vmem>>) semaphore(%arg28 : memref<!tpu.dma_semaphore, #tpu.memory_space<semaphore_mem>>)
    %dma_start3A_186 = arith.constant 0 : i32
    %dma_start3A_187 = arith.constant 0 : i32
    %dma_start3A_188 = tpu.memref_slice %arg4[%dma_start3A_186, %dma_start3A_187] : memref<20000x128xf32, #tpu.memory_space<hbm>> -> memref<20000x128xf32, #tpu.memory_space<hbm>>
    tpu.enqueue_indirect_dma source(%dma_start3A_188 : memref<20000x128xf32, #tpu.memory_space<hbm>>) target(%arg22 : memref<48x128xf32, #tpu.memory_space<vmem>>) offsets(%arg16 : memref<48xi32, #tpu.memory_space<vmem>>) semaphore(%arg29 : memref<!tpu.dma_semaphore, #tpu.memory_space<semaphore_mem>>)
    %dma_start3A_189 = arith.constant 0 : i32
    %dma_start3A_190 = arith.constant 0 : i32
    %dma_start3A_191 = tpu.memref_slice %arg5[%dma_start3A_189, %dma_start3A_190] : memref<10000x128xf32, #tpu.memory_space<hbm>> -> memref<10000x128xf32, #tpu.memory_space<hbm>>
    tpu.enqueue_indirect_dma source(%dma_start3A_191 : memref<10000x128xf32, #tpu.memory_space<hbm>>) target(%arg24 : memref<48x128xf32, #tpu.memory_space<vmem>>) offsets(%arg10 : memref<48xi32, #tpu.memory_space<vmem>>) semaphore(%arg30 : memref<!tpu.dma_semaphore, #tpu.memory_space<semaphore_mem>>)
    %scan3A_192 = arith.constant 0 : i32
    %scan3A_193 = arith.constant 105 : i32
    %scan3A_194 = arith.addi %scan3A_192, %scan3A_193 : i32
    %scan3A_195 = arith.constant 1 : i32
    scf.for %scan3A_209 = %scan3A_192 to %scan3A_194 step %scan3A_195  : i32 {
      %mul3A_210 = arith.constant 2 : i32
      %mul3A_211 = arith.muli %mul3A_210, %scan3A_209 : i32
      %add3A_212 = arith.constant 1 : i32
      %add3A_213 = arith.addi %mul3A_211, %add3A_212 : i32
      %gt3A = arith.constant 0 : i32
      %gt3A_214 = arith.cmpi sgt, %scan3A_209, %gt3A : i32
      %mul3A_215 = arith.constant 210 : i32
      %mul3A_216 = arith.muli %add3A, %mul3A_215 : i32
      %add3A_217 = arith.addi %mul3A_216, %add3A_213 : i32
      %mul3A_218 = arith.constant 144 : i32
      %mul3A_219 = arith.muli %add3A_217, %mul3A_218 : i32
      "tpu.region"() ({
        %run_scoped3A = tpu.sem_alloc : memref<!tpu.dma_semaphore, #tpu.memory_space<semaphore_mem>>
        %dma_start3A_402 = tpu.memref_slice %arg2[%mul3A_219] : memref<967680xi32, #tpu.memory_space<hbm>> -> memref<144xi32, #tpu.memory_space<hbm>>
        %dma_start3A_403 = tpu.memref_slice %arg2[%mul3A_219] : memref<967680xi32, #tpu.memory_space<hbm>> -> memref<144xi32, #tpu.memory_space<hbm>>
        tpu.enqueue_dma source(%dma_start3A_403 : memref<144xi32, #tpu.memory_space<hbm>>) target(%arg9 : memref<144xi32, #tpu.memory_space<vmem>>) target_semaphore(%run_scoped3A : memref<!tpu.dma_semaphore, #tpu.memory_space<semaphore_mem>>)
        %dma_wait3A_404 = tpu.memref_slice %arg2[%mul3A_219] : memref<967680xi32, #tpu.memory_space<hbm>> -> memref<144xi32, #tpu.memory_space<hbm>>
        %dma_wait3A_405 = tpu.memref_slice %arg2[%mul3A_219] : memref<967680xi32, #tpu.memory_space<hbm>> -> memref<144xi32, #tpu.memory_space<hbm>>
        tpu.wait_dma2 semaphore(%run_scoped3A : memref<!tpu.dma_semaphore, #tpu.memory_space<semaphore_mem>>) src(%dma_wait3A_405 : memref<144xi32, #tpu.memory_space<hbm>>) dst(%arg9 : memref<144xi32, #tpu.memory_space<vmem>>)
        tpu.yield
      }) : () -> ()
      %convert_element_type3A = arith.extui %gt3A_214 : i1 to i32
      %cond3A = arith.constant 0 : i32
      %cond3A_220 = arith.cmpi ne, %convert_element_type3A, %cond3A : i32
      scf.if %cond3A_220 {
        %dma_wait3A_402 = arith.constant 0 : i32
        %dma_wait3A_403 = arith.constant 0 : i32
        %dma_wait3A_404 = tpu.memref_slice %arg26[%dma_wait3A_402, %dma_wait3A_403] : memref<10112x128xf32, #tpu.memory_space<vmem_shared>> -> memref<10112x128xf32, #tpu.memory_space<vmem_shared>>
        tpu.wait_indirect_dma semaphore(%arg36 : memref<!tpu.dma_semaphore, #tpu.memory_space<semaphore_mem>>) src(%arg25 : memref<48x128xf32, #tpu.memory_space<vmem>>) dst(%dma_wait3A_404 : memref<10112x128xf32, #tpu.memory_space<vmem_shared>>)
        %dma_wait3A_405 = arith.constant 0 : i32
        %dma_wait3A_406 = arith.constant 0 : i32
        %dma_wait3A_407 = tpu.memref_slice %arg27[%dma_wait3A_405, %dma_wait3A_406] : memref<1280x128xf32, #tpu.memory_space<vmem_shared>> -> memref<1280x128xf32, #tpu.memory_space<vmem_shared>>
        tpu.wait_indirect_dma semaphore(%arg37 : memref<!tpu.dma_semaphore, #tpu.memory_space<semaphore_mem>>) src(%arg21 : memref<48x128xf32, #tpu.memory_space<vmem>>) dst(%dma_wait3A_407 : memref<1280x128xf32, #tpu.memory_space<vmem_shared>>)
      } else {
      }
      %get3A_221 = arith.constant 0 : index
      %get3A_222 = tpu.vector_load %arg9[%get3A_221] {strides = array<i32>} : memref<144xi32, #tpu.memory_space<vmem>>, vector<16xi32>,
      %get3A_223 = vector.shape_cast %get3A_222 : vector<16xi32> to vector<16xi32>
      %get3A_224 = arith.constant 48 : index
      %get3A_225 = tpu.vector_load %arg9[%get3A_224] {strides = array<i32>} : memref<144xi32, #tpu.memory_space<vmem>>, vector<16xi32>,
      %get3A_226 = vector.shape_cast %get3A_225 : vector<16xi32> to vector<16xi32>
      %get3A_227 = arith.constant 96 : index
      %get3A_228 = tpu.vector_load %arg9[%get3A_227] {strides = array<i32>} : memref<144xi32, #tpu.memory_space<vmem>>, vector<16xi32>,
      %get3A_229 = vector.shape_cast %get3A_228 : vector<16xi32> to vector<16xi32>
      %swap3A_230 = arith.constant 0 : index
      %swap3A_231 = tpu.vector_load %arg11[%swap3A_230] {strides = array<i32>} : memref<48xi32, #tpu.memory_space<vmem>>, vector<16xi32>,
      %swap3A_232 = vector.shape_cast %swap3A_231 : vector<16xi32> to vector<16xi32>
      %swap3A_233 = vector.shape_cast %get3A_223 : vector<16xi32> to vector<16xi32>
      tpu.vector_store %arg11[%swap3A_230], %swap3A_233 {strides = array<i32>} : memref<48xi32, #tpu.memory_space<vmem>>, vector<16xi32>,
      %mul3A_234 = arith.constant 2 : i32
      %mul3A_235 = vector.broadcast %mul3A_234 : i32 to vector<16xi32>
      %mul3A_236 = arith.muli %get3A_223, %mul3A_235 : vector<16xi32>
      %add3A_237 = arith.addi %mul3A_236, %get3A_229 : vector<16xi32>
      %swap3A_238 = arith.constant 0 : index
      %swap3A_239 = tpu.vector_load %arg15[%swap3A_238] {strides = array<i32>} : memref<48xi32, #tpu.memory_space<vmem>>, vector<16xi32>,
      %swap3A_240 = vector.shape_cast %swap3A_239 : vector<16xi32> to vector<16xi32>
      %swap3A_241 = vector.shape_cast %add3A_237 : vector<16xi32> to vector<16xi32>
      tpu.vector_store %arg15[%swap3A_238], %swap3A_241 {strides = array<i32>} : memref<48xi32, #tpu.memory_space<vmem>>, vector<16xi32>,
      %swap3A_242 = arith.constant 0 : index
      %swap3A_243 = tpu.vector_load %arg13[%swap3A_242] {strides = array<i32>} : memref<48xi32, #tpu.memory_space<vmem>>, vector<16xi32>,
      %swap3A_244 = vector.shape_cast %swap3A_243 : vector<16xi32> to vector<16xi32>
      %swap3A_245 = vector.shape_cast %get3A_226 : vector<16xi32> to vector<16xi32>
      tpu.vector_store %arg13[%swap3A_242], %swap3A_245 {strides = array<i32>} : memref<48xi32, #tpu.memory_space<vmem>>, vector<16xi32>,
      %mul3A_246 = arith.constant 2 : i32
      %mul3A_247 = vector.broadcast %mul3A_246 : i32 to vector<16xi32>
      %mul3A_248 = arith.muli %get3A_226, %mul3A_247 : vector<16xi32>
      %add3A_249 = arith.addi %mul3A_248, %get3A_229 : vector<16xi32>
      %swap3A_250 = arith.constant 0 : index
      %swap3A_251 = tpu.vector_load %arg17[%swap3A_250] {strides = array<i32>} : memref<48xi32, #tpu.memory_space<vmem>>, vector<16xi32>,
      %swap3A_252 = vector.shape_cast %swap3A_251 : vector<16xi32> to vector<16xi32>
      %swap3A_253 = vector.shape_cast %add3A_249 : vector<16xi32> to vector<16xi32>
      tpu.vector_store %arg17[%swap3A_250], %swap3A_253 {strides = array<i32>} : memref<48xi32, #tpu.memory_space<vmem>>, vector<16xi32>,
      %shift_right_logical3A_254 = arith.constant 3 : i32
      %shift_right_logical3A_255 = vector.broadcast %shift_right_logical3A_254 : i32 to vector<16xi32>
      %shift_right_logical3A_256 = arith.shrui %get3A_226, %shift_right_logical3A_255 : vector<16xi32>
      %swap3A_257 = arith.constant 0 : index
      %swap3A_258 = tpu.vector_load %arg19[%swap3A_257] {strides = array<i32>} : memref<48xi32, #tpu.memory_space<vmem>>, vector<16xi32>,
      %swap3A_259 = vector.shape_cast %swap3A_258 : vector<16xi32> to vector<16xi32>
      %swap3A_260 = vector.shape_cast %shift_right_logical3A_256 : vector<16xi32> to vector<16xi32>
      tpu.vector_store %arg19[%swap3A_257], %swap3A_260 {strides = array<i32>} : memref<48xi32, #tpu.memory_space<vmem>>, vector<16xi32>,
      %get3A_261 = arith.constant 16 : index
      %get3A_262 = tpu.vector_load %arg9[%get3A_261] {strides = array<i32>} : memref<144xi32, #tpu.memory_space<vmem>>, vector<16xi32>,
      %get3A_263 = vector.shape_cast %get3A_262 : vector<16xi32> to vector<16xi32>
      %get3A_264 = arith.constant 64 : index
      %get3A_265 = tpu.vector_load %arg9[%get3A_264] {strides = array<i32>} : memref<144xi32, #tpu.memory_space<vmem>>, vector<16xi32>,
      %get3A_266 = vector.shape_cast %get3A_265 : vector<16xi32> to vector<16xi32>
      %get3A_267 = arith.constant 112 : index
      %get3A_268 = tpu.vector_load %arg9[%get3A_267] {strides = array<i32>} : memref<144xi32, #tpu.memory_space<vmem>>, vector<16xi32>,
      %get3A_269 = vector.shape_cast %get3A_268 : vector<16xi32> to vector<16xi32>
      %swap3A_270 = arith.constant 16 : index
      %swap3A_271 = tpu.vector_load %arg11[%swap3A_270] {strides = array<i32>} : memref<48xi32, #tpu.memory_space<vmem>>, vector<16xi32>,
      %swap3A_272 = vector.shape_cast %swap3A_271 : vector<16xi32> to vector<16xi32>
      %swap3A_273 = vector.shape_cast %get3A_263 : vector<16xi32> to vector<16xi32>
      tpu.vector_store %arg11[%swap3A_270], %swap3A_273 {strides = array<i32>} : memref<48xi32, #tpu.memory_space<vmem>>, vector<16xi32>,
      %mul3A_274 = arith.constant 2 : i32
      %mul3A_275 = vector.broadcast %mul3A_274 : i32 to vector<16xi32>
      %mul3A_276 = arith.muli %get3A_263, %mul3A_275 : vector<16xi32>
      %add3A_277 = arith.addi %mul3A_276, %get3A_269 : vector<16xi32>
      %swap3A_278 = arith.constant 16 : index
      %swap3A_279 = tpu.vector_load %arg15[%swap3A_278] {strides = array<i32>} : memref<48xi32, #tpu.memory_space<vmem>>, vector<16xi32>,
      %swap3A_280 = vector.shape_cast %swap3A_279 : vector<16xi32> to vector<16xi32>
      %swap3A_281 = vector.shape_cast %add3A_277 : vector<16xi32> to vector<16xi32>
      tpu.vector_store %arg15[%swap3A_278], %swap3A_281 {strides = array<i32>} : memref<48xi32, #tpu.memory_space<vmem>>, vector<16xi32>,
      %swap3A_282 = arith.constant 16 : index
      %swap3A_283 = tpu.vector_load %arg13[%swap3A_282] {strides = array<i32>} : memref<48xi32, #tpu.memory_space<vmem>>, vector<16xi32>,
      %swap3A_284 = vector.shape_cast %swap3A_283 : vector<16xi32> to vector<16xi32>
      %swap3A_285 = vector.shape_cast %get3A_266 : vector<16xi32> to vector<16xi32>
      tpu.vector_store %arg13[%swap3A_282], %swap3A_285 {strides = array<i32>} : memref<48xi32, #tpu.memory_space<vmem>>, vector<16xi32>,
      %mul3A_286 = arith.constant 2 : i32
      %mul3A_287 = vector.broadcast %mul3A_286 : i32 to vector<16xi32>
      %mul3A_288 = arith.muli %get3A_266, %mul3A_287 : vector<16xi32>
      %add3A_289 = arith.addi %mul3A_288, %get3A_269 : vector<16xi32>
      %swap3A_290 = arith.constant 16 : index
      %swap3A_291 = tpu.vector_load %arg17[%swap3A_290] {strides = array<i32>} : memref<48xi32, #tpu.memory_space<vmem>>, vector<16xi32>,
      %swap3A_292 = vector.shape_cast %swap3A_291 : vector<16xi32> to vector<16xi32>
      %swap3A_293 = vector.shape_cast %add3A_289 : vector<16xi32> to vector<16xi32>
      tpu.vector_store %arg17[%swap3A_290], %swap3A_293 {strides = array<i32>} : memref<48xi32, #tpu.memory_space<vmem>>, vector<16xi32>,
      %shift_right_logical3A_294 = arith.constant 3 : i32
      %shift_right_logical3A_295 = vector.broadcast %shift_right_logical3A_294 : i32 to vector<16xi32>
      %shift_right_logical3A_296 = arith.shrui %get3A_266, %shift_right_logical3A_295 : vector<16xi32>
      %swap3A_297 = arith.constant 16 : index
      %swap3A_298 = tpu.vector_load %arg19[%swap3A_297] {strides = array<i32>} : memref<48xi32, #tpu.memory_space<vmem>>, vector<16xi32>,
      %swap3A_299 = vector.shape_cast %swap3A_298 : vector<16xi32> to vector<16xi32>
      %swap3A_300 = vector.shape_cast %shift_right_logical3A_296 : vector<16xi32> to vector<16xi32>
      tpu.vector_store %arg19[%swap3A_297], %swap3A_300 {strides = array<i32>} : memref<48xi32, #tpu.memory_space<vmem>>, vector<16xi32>,
      %get3A_301 = arith.constant 32 : index
      %get3A_302 = tpu.vector_load %arg9[%get3A_301] {strides = array<i32>} : memref<144xi32, #tpu.memory_space<vmem>>, vector<16xi32>,
      %get3A_303 = vector.shape_cast %get3A_302 : vector<16xi32> to vector<16xi32>
      %get3A_304 = arith.constant 80 : index
      %get3A_305 = tpu.vector_load %arg9[%get3A_304] {strides = array<i32>} : memref<144xi32, #tpu.memory_space<vmem>>, vector<16xi32>,
      %get3A_306 = vector.shape_cast %get3A_305 : vector<16xi32> to vector<16xi32>
      %get3A_307 = arith.constant 128 : index
      %get3A_308 = tpu.vector_load %arg9[%get3A_307] {strides = array<i32>} : memref<144xi32, #tpu.memory_space<vmem>>, vector<16xi32>,
      %get3A_309 = vector.shape_cast %get3A_308 : vector<16xi32> to vector<16xi32>
      %swap3A_310 = arith.constant 32 : index
      %swap3A_311 = tpu.vector_load %arg11[%swap3A_310] {strides = array<i32>} : memref<48xi32, #tpu.memory_space<vmem>>, vector<16xi32>,
      %swap3A_312 = vector.shape_cast %swap3A_311 : vector<16xi32> to vector<16xi32>
      %swap3A_313 = vector.shape_cast %get3A_303 : vector<16xi32> to vector<16xi32>
      tpu.vector_store %arg11[%swap3A_310], %swap3A_313 {strides = array<i32>} : memref<48xi32, #tpu.memory_space<vmem>>, vector<16xi32>,
      %mul3A_314 = arith.constant 2 : i32
      %mul3A_315 = vector.broadcast %mul3A_314 : i32 to vector<16xi32>
      %mul3A_316 = arith.muli %get3A_303, %mul3A_315 : vector<16xi32>
      %add3A_317 = arith.addi %mul3A_316, %get3A_309 : vector<16xi32>
      %swap3A_318 = arith.constant 32 : index
      %swap3A_319 = tpu.vector_load %arg15[%swap3A_318] {strides = array<i32>} : memref<48xi32, #tpu.memory_space<vmem>>, vector<16xi32>,
      %swap3A_320 = vector.shape_cast %swap3A_319 : vector<16xi32> to vector<16xi32>
      %swap3A_321 = vector.shape_cast %add3A_317 : vector<16xi32> to vector<16xi32>
      tpu.vector_store %arg15[%swap3A_318], %swap3A_321 {strides = array<i32>} : memref<48xi32, #tpu.memory_space<vmem>>, vector<16xi32>,
      %swap3A_322 = arith.constant 32 : index
      %swap3A_323 = tpu.vector_load %arg13[%swap3A_322] {strides = array<i32>} : memref<48xi32, #tpu.memory_space<vmem>>, vector<16xi32>,
      %swap3A_324 = vector.shape_cast %swap3A_323 : vector<16xi32> to vector<16xi32>
      %swap3A_325 = vector.shape_cast %get3A_306 : vector<16xi32> to vector<16xi32>
      tpu.vector_store %arg13[%swap3A_322], %swap3A_325 {strides = array<i32>} : memref<48xi32, #tpu.memory_space<vmem>>, vector<16xi32>,
      %mul3A_326 = arith.constant 2 : i32
      %mul3A_327 = vector.broadcast %mul3A_326 : i32 to vector<16xi32>
      %mul3A_328 = arith.muli %get3A_306, %mul3A_327 : vector<16xi32>
      %add3A_329 = arith.addi %mul3A_328, %get3A_309 : vector<16xi32>
      %swap3A_330 = arith.constant 32 : index
      %swap3A_331 = tpu.vector_load %arg17[%swap3A_330] {strides = array<i32>} : memref<48xi32, #tpu.memory_space<vmem>>, vector<16xi32>,
      %swap3A_332 = vector.shape_cast %swap3A_331 : vector<16xi32> to vector<16xi32>
      %swap3A_333 = vector.shape_cast %add3A_329 : vector<16xi32> to vector<16xi32>
      tpu.vector_store %arg17[%swap3A_330], %swap3A_333 {strides = array<i32>} : memref<48xi32, #tpu.memory_space<vmem>>, vector<16xi32>,
      %shift_right_logical3A_334 = arith.constant 3 : i32
      %shift_right_logical3A_335 = vector.broadcast %shift_right_logical3A_334 : i32 to vector<16xi32>
      %shift_right_logical3A_336 = arith.shrui %get3A_306, %shift_right_logical3A_335 : vector<16xi32>
      %swap3A_337 = arith.constant 32 : index
      %swap3A_338 = tpu.vector_load %arg19[%swap3A_337] {strides = array<i32>} : memref<48xi32, #tpu.memory_space<vmem>>, vector<16xi32>,
      %swap3A_339 = vector.shape_cast %swap3A_338 : vector<16xi32> to vector<16xi32>
      %swap3A_340 = vector.shape_cast %shift_right_logical3A_336 : vector<16xi32> to vector<16xi32>
      tpu.vector_store %arg19[%swap3A_337], %swap3A_340 {strides = array<i32>} : memref<48xi32, #tpu.memory_space<vmem>>, vector<16xi32>,
      %dma_start3A_341 = arith.constant 0 : i32
      %dma_start3A_342 = arith.constant 0 : i32
      %dma_start3A_343 = tpu.memref_slice %arg3[%dma_start3A_341, %dma_start3A_342] : memref<20000x128xf32, #tpu.memory_space<hbm>> -> memref<20000x128xf32, #tpu.memory_space<hbm>>
      tpu.enqueue_indirect_dma source(%dma_start3A_343 : memref<20000x128xf32, #tpu.memory_space<hbm>>) target(%arg21 : memref<48x128xf32, #tpu.memory_space<vmem>>) offsets(%arg15 : memref<48xi32, #tpu.memory_space<vmem>>) semaphore(%arg31 : memref<!tpu.dma_semaphore, #tpu.memory_space<semaphore_mem>>)
      %dma_start3A_344 = arith.constant 0 : i32
      %dma_start3A_345 = arith.constant 0 : i32
      %dma_start3A_346 = tpu.memref_slice %arg4[%dma_start3A_344, %dma_start3A_345] : memref<20000x128xf32, #tpu.memory_space<hbm>> -> memref<20000x128xf32, #tpu.memory_space<hbm>>
      tpu.enqueue_indirect_dma source(%dma_start3A_346 : memref<20000x128xf32, #tpu.memory_space<hbm>>) target(%arg23 : memref<48x128xf32, #tpu.memory_space<vmem>>) offsets(%arg17 : memref<48xi32, #tpu.memory_space<vmem>>) semaphore(%arg32 : memref<!tpu.dma_semaphore, #tpu.memory_space<semaphore_mem>>)
      %dma_start3A_347 = arith.constant 0 : i32
      %dma_start3A_348 = arith.constant 0 : i32
      %dma_start3A_349 = tpu.memref_slice %arg5[%dma_start3A_347, %dma_start3A_348] : memref<10000x128xf32, #tpu.memory_space<hbm>> -> memref<10000x128xf32, #tpu.memory_space<hbm>>
      tpu.enqueue_indirect_dma source(%dma_start3A_349 : memref<10000x128xf32, #tpu.memory_space<hbm>>) target(%arg25 : memref<48x128xf32, #tpu.memory_space<vmem>>) offsets(%arg11 : memref<48xi32, #tpu.memory_space<vmem>>) semaphore(%arg33 : memref<!tpu.dma_semaphore, #tpu.memory_space<semaphore_mem>>)
      %dma_wait3A_350 = arith.constant 0 : i32
      %dma_wait3A_351 = arith.constant 0 : i32
      %dma_wait3A_352 = tpu.memref_slice %arg3[%dma_wait3A_350, %dma_wait3A_351] : memref<20000x128xf32, #tpu.memory_space<hbm>> -> memref<20000x128xf32, #tpu.memory_space<hbm>>
      tpu.wait_indirect_dma semaphore(%arg28 : memref<!tpu.dma_semaphore, #tpu.memory_space<semaphore_mem>>) src(%dma_wait3A_352 : memref<20000x128xf32, #tpu.memory_space<hbm>>) dst(%arg20 : memref<48x128xf32, #tpu.memory_space<vmem>>)
      %dma_wait3A_353 = arith.constant 0 : i32
      %dma_wait3A_354 = arith.constant 0 : i32
      %dma_wait3A_355 = tpu.memref_slice %arg4[%dma_wait3A_353, %dma_wait3A_354] : memref<20000x128xf32, #tpu.memory_space<hbm>> -> memref<20000x128xf32, #tpu.memory_space<hbm>>
      tpu.wait_indirect_dma semaphore(%arg29 : memref<!tpu.dma_semaphore, #tpu.memory_space<semaphore_mem>>) src(%dma_wait3A_355 : memref<20000x128xf32, #tpu.memory_space<hbm>>) dst(%arg22 : memref<48x128xf32, #tpu.memory_space<vmem>>)
      %dma_wait3A_356 = arith.constant 0 : i32
      %dma_wait3A_357 = arith.constant 0 : i32
      %dma_wait3A_358 = tpu.memref_slice %arg5[%dma_wait3A_356, %dma_wait3A_357] : memref<10000x128xf32, #tpu.memory_space<hbm>> -> memref<10000x128xf32, #tpu.memory_space<hbm>>
      tpu.wait_indirect_dma semaphore(%arg30 : memref<!tpu.dma_semaphore, #tpu.memory_space<semaphore_mem>>) src(%dma_wait3A_358 : memref<10000x128xf32, #tpu.memory_space<hbm>>) dst(%arg24 : memref<48x128xf32, #tpu.memory_space<vmem>>)
      %mul3A_359 = arith.constant 10080 : i32
      %mul3A_360 = arith.muli %add3A, %mul3A_359 : i32
      %mul3A_361 = arith.constant 48 : i32
      %mul3A_362 = arith.muli %mul3A_211, %mul3A_361 : i32
      %add3A_363 = arith.addi %mul3A_360, %mul3A_362 : i32
      %parallel_loop3A = arith.constant 0 : i32
      %parallel_loop3A_364 = arith.constant 48 : i32
      %parallel_loop3A_365 = arith.constant 1 : i32
      scf.for %parallel_loop3A_402 = %parallel_loop3A to %parallel_loop3A_364 step %parallel_loop3A_365  : i32 {
        %parallel_loop3A_403 = arith.index_cast %parallel_loop3A_402 : i32 to index
        %parallel_loop3A_404 = arith.constant 0 : index
        %parallel_loop3A_405 = tpu.vector_load %arg20[%parallel_loop3A_403, %parallel_loop3A_404] {strides = array<i32>} : memref<48x128xf32, #tpu.memory_space<vmem>>, vector<1x16xf32>,
        %parallel_loop3A_406 = vector.shape_cast %parallel_loop3A_405 : vector<1x16xf32> to vector<16xf32>
        %parallel_loop3A_407 = arith.index_cast %parallel_loop3A_402 : i32 to index
        %parallel_loop3A_408 = arith.constant 0 : index
        %parallel_loop3A_409 = tpu.vector_load %arg22[%parallel_loop3A_407, %parallel_loop3A_408] {strides = array<i32>} : memref<48x128xf32, #tpu.memory_space<vmem>>, vector<1x16xf32>,
        %parallel_loop3A_410 = vector.shape_cast %parallel_loop3A_409 : vector<1x16xf32> to vector<16xf32>
        %parallel_loop3A_411 = arith.addf %parallel_loop3A_406, %parallel_loop3A_410 : vector<16xf32>
        %parallel_loop3A_412 = arith.constant 0.000000e+00 : f32
        %parallel_loop3A_413 = vector.broadcast %parallel_loop3A_412 : f32 to vector<16xf32>
        %parallel_loop3A_414 = arith.cmpf oge, %parallel_loop3A_411, %parallel_loop3A_413 : vector<16xf32>
        %parallel_loop3A_415 = arith.constant 2.000000e-01 : f32
        %parallel_loop3A_416 = vector.broadcast %parallel_loop3A_415 : f32 to vector<16xf32>
        %parallel_loop3A_417 = arith.mulf %parallel_loop3A_416, %parallel_loop3A_411 : vector<16xf32>
        %parallel_loop3A_418 = arith.select %parallel_loop3A_414, %parallel_loop3A_411, %parallel_loop3A_417 : vector<16xi1>, vector<16xf32>
        %parallel_loop3A_419 = math.exp %parallel_loop3A_418 : vector<16xf32>
        %parallel_loop3A_420 = arith.constant 0.000000e+00 : f32
        %parallel_loop3A_421 = vector.broadcast %parallel_loop3A_420 : f32 to vector<16xf32>
        %parallel_loop3A_422 = arith.select %lt3A_45, %parallel_loop3A_419, %parallel_loop3A_421 : vector<16xi1>, vector<16xf32>
        %parallel_loop3A_423 = arith.addi %add3A_363, %parallel_loop3A_402 : i32
        %parallel_loop3A_424 = arith.constant 320000 : i32
        %parallel_loop3A_425 = arith.cmpi slt, %parallel_loop3A_423, %parallel_loop3A_424 : i32
        %parallel_loop3A_426 = arith.constant 0.000000e+00 : f32
        %parallel_loop3A_427 = vector.broadcast %parallel_loop3A_426 : f32 to vector<16xf32>
        %parallel_loop3A_428 = arith.select %parallel_loop3A_425, %parallel_loop3A_422, %parallel_loop3A_427 : vector<16xf32>
        %parallel_loop3A_429 = arith.index_cast %parallel_loop3A_402 : i32 to index
        %parallel_loop3A_430 = arith.constant 16 : index
        %parallel_loop3A_431 = tpu.vector_load %arg22[%parallel_loop3A_429, %parallel_loop3A_430] {strides = array<i32>} : memref<48x128xf32, #tpu.memory_space<vmem>>, vector<1x16xf32>,
        %parallel_loop3A_432 = vector.shape_cast %parallel_loop3A_431 : vector<1x16xf32> to vector<16xf32>
        %parallel_loop3A_433 = vector.shape_cast %broadcast_in_dim3A_46 : vector<16xi32> to vector<16x1xi32>
        %parallel_loop3A_434 = vector.shape_cast %parallel_loop3A_433 : vector<16x1xi32> to vector<16xi32>
        %parallel_loop3A_435 = tpu.dynamic_gather %parallel_loop3A_428[%parallel_loop3A_434] in [0] : vector<16xf32>, vector<16xi32> -> vector<16xf32>
        %parallel_loop3A_436 = arith.index_cast %parallel_loop3A_402 : i32 to index
        %parallel_loop3A_437 = arith.constant 0 : index
        %parallel_loop3A_438 = tpu.vector_load %arg24[%parallel_loop3A_436, %parallel_loop3A_437] {strides = array<i32>} : memref<48x128xf32, #tpu.memory_space<vmem>>, vector<1x16xf32>,
        %parallel_loop3A_439 = vector.shape_cast %parallel_loop3A_438 : vector<1x16xf32> to vector<16xf32>
        %parallel_loop3A_440 = arith.mulf %parallel_loop3A_439, %parallel_loop3A_435 : vector<16xf32>
        %parallel_loop3A_441 = arith.index_cast %parallel_loop3A_402 : i32 to index
        %parallel_loop3A_442 = arith.constant 0 : index
        %parallel_loop3A_443 = tpu.vector_load %arg24[%parallel_loop3A_441, %parallel_loop3A_442] {strides = array<i32>} : memref<48x128xf32, #tpu.memory_space<vmem>>, vector<1x16xf32>,
        %parallel_loop3A_444 = vector.shape_cast %parallel_loop3A_443 : vector<1x16xf32> to vector<16xf32>
        %parallel_loop3A_445 = vector.shape_cast %parallel_loop3A_440 : vector<16xf32> to vector<1x16xf32>
        tpu.vector_store %arg24[%parallel_loop3A_441, %parallel_loop3A_442], %parallel_loop3A_445 {strides = array<i32>} : memref<48x128xf32, #tpu.memory_space<vmem>>, vector<1x16xf32>,
        %parallel_loop3A_446 = arith.mulf %parallel_loop3A_435, %parallel_loop3A_432 : vector<16xf32>
        %parallel_loop3A_447 = arith.index_cast %parallel_loop3A_402 : i32 to index
        %parallel_loop3A_448 = arith.constant 0 : index
        %parallel_loop3A_449 = tpu.vector_load %arg20[%parallel_loop3A_447, %parallel_loop3A_448] {strides = array<i32>} : memref<48x128xf32, #tpu.memory_space<vmem>>, vector<1x16xf32>,
        %parallel_loop3A_450 = vector.shape_cast %parallel_loop3A_449 : vector<1x16xf32> to vector<16xf32>
        %parallel_loop3A_451 = vector.shape_cast %parallel_loop3A_446 : vector<16xf32> to vector<1x16xf32>
        tpu.vector_store %arg20[%parallel_loop3A_447, %parallel_loop3A_448], %parallel_loop3A_451 {strides = array<i32>} : memref<48x128xf32, #tpu.memory_space<vmem>>, vector<1x16xf32>,
        %parallel_loop3A_452 = vector.shape_cast %broadcast_in_dim3A_48 : vector<16xi32> to vector<16x1xi32>
        %parallel_loop3A_453 = vector.shape_cast %parallel_loop3A_452 : vector<16x1xi32> to vector<16xi32>
        %parallel_loop3A_454 = tpu.dynamic_gather %parallel_loop3A_428[%parallel_loop3A_453] in [0] : vector<16xf32>, vector<16xi32> -> vector<16xf32>
        %parallel_loop3A_455 = arith.index_cast %parallel_loop3A_402 : i32 to index
        %parallel_loop3A_456 = arith.constant 16 : index
        %parallel_loop3A_457 = tpu.vector_load %arg24[%parallel_loop3A_455, %parallel_loop3A_456] {strides = array<i32>} : memref<48x128xf32, #tpu.memory_space<vmem>>, vector<1x16xf32>,
        %parallel_loop3A_458 = vector.shape_cast %parallel_loop3A_457 : vector<1x16xf32> to vector<16xf32>
        %parallel_loop3A_459 = arith.mulf %parallel_loop3A_458, %parallel_loop3A_454 : vector<16xf32>
        %parallel_loop3A_460 = arith.index_cast %parallel_loop3A_402 : i32 to index
        %parallel_loop3A_461 = arith.constant 16 : index
        %parallel_loop3A_462 = tpu.vector_load %arg24[%parallel_loop3A_460, %parallel_loop3A_461] {strides = array<i32>} : memref<48x128xf32, #tpu.memory_space<vmem>>, vector<1x16xf32>,
        %parallel_loop3A_463 = vector.shape_cast %parallel_loop3A_462 : vector<1x16xf32> to vector<16xf32>
        %parallel_loop3A_464 = vector.shape_cast %parallel_loop3A_459 : vector<16xf32> to vector<1x16xf32>
        tpu.vector_store %arg24[%parallel_loop3A_460, %parallel_loop3A_461], %parallel_loop3A_464 {strides = array<i32>} : memref<48x128xf32, #tpu.memory_space<vmem>>, vector<1x16xf32>,
        %parallel_loop3A_465 = arith.mulf %parallel_loop3A_454, %parallel_loop3A_432 : vector<16xf32>
        %parallel_loop3A_466 = arith.index_cast %parallel_loop3A_402 : i32 to index
        %parallel_loop3A_467 = arith.constant 16 : index
        %parallel_loop3A_468 = tpu.vector_load %arg20[%parallel_loop3A_466, %parallel_loop3A_467] {strides = array<i32>} : memref<48x128xf32, #tpu.memory_space<vmem>>, vector<1x16xf32>,
        %parallel_loop3A_469 = vector.shape_cast %parallel_loop3A_468 : vector<1x16xf32> to vector<16xf32>
        %parallel_loop3A_470 = vector.shape_cast %parallel_loop3A_465 : vector<16xf32> to vector<1x16xf32>
        tpu.vector_store %arg20[%parallel_loop3A_466, %parallel_loop3A_467], %parallel_loop3A_470 {strides = array<i32>} : memref<48x128xf32, #tpu.memory_space<vmem>>, vector<1x16xf32>,
        %parallel_loop3A_471 = vector.shape_cast %broadcast_in_dim3A_50 : vector<16xi32> to vector<16x1xi32>
        %parallel_loop3A_472 = vector.shape_cast %parallel_loop3A_471 : vector<16x1xi32> to vector<16xi32>
        %parallel_loop3A_473 = tpu.dynamic_gather %parallel_loop3A_428[%parallel_loop3A_472] in [0] : vector<16xf32>, vector<16xi32> -> vector<16xf32>
        %parallel_loop3A_474 = arith.index_cast %parallel_loop3A_402 : i32 to index
        %parallel_loop3A_475 = arith.constant 32 : index
        %parallel_loop3A_476 = tpu.vector_load %arg24[%parallel_loop3A_474, %parallel_loop3A_475] {strides = array<i32>} : memref<48x128xf32, #tpu.memory_space<vmem>>, vector<1x16xf32>,
        %parallel_loop3A_477 = vector.shape_cast %parallel_loop3A_476 : vector<1x16xf32> to vector<16xf32>
        %parallel_loop3A_478 = arith.mulf %parallel_loop3A_477, %parallel_loop3A_473 : vector<16xf32>
        %parallel_loop3A_479 = arith.index_cast %parallel_loop3A_402 : i32 to index
        %parallel_loop3A_480 = arith.constant 32 : index
        %parallel_loop3A_481 = tpu.vector_load %arg24[%parallel_loop3A_479, %parallel_loop3A_480] {strides = array<i32>} : memref<48x128xf32, #tpu.memory_space<vmem>>, vector<1x16xf32>,
        %parallel_loop3A_482 = vector.shape_cast %parallel_loop3A_481 : vector<1x16xf32> to vector<16xf32>
        %parallel_loop3A_483 = vector.shape_cast %parallel_loop3A_478 : vector<16xf32> to vector<1x16xf32>
        tpu.vector_store %arg24[%parallel_loop3A_479, %parallel_loop3A_480], %parallel_loop3A_483 {strides = array<i32>} : memref<48x128xf32, #tpu.memory_space<vmem>>, vector<1x16xf32>,
        %parallel_loop3A_484 = arith.mulf %parallel_loop3A_473, %parallel_loop3A_432 : vector<16xf32>
        %parallel_loop3A_485 = arith.index_cast %parallel_loop3A_402 : i32 to index
        %parallel_loop3A_486 = arith.constant 32 : index
        %parallel_loop3A_487 = tpu.vector_load %arg20[%parallel_loop3A_485, %parallel_loop3A_486] {strides = array<i32>} : memref<48x128xf32, #tpu.memory_space<vmem>>, vector<1x16xf32>,
        %parallel_loop3A_488 = vector.shape_cast %parallel_loop3A_487 : vector<1x16xf32> to vector<16xf32>
        %parallel_loop3A_489 = vector.shape_cast %parallel_loop3A_484 : vector<16xf32> to vector<1x16xf32>
        tpu.vector_store %arg20[%parallel_loop3A_485, %parallel_loop3A_486], %parallel_loop3A_489 {strides = array<i32>} : memref<48x128xf32, #tpu.memory_space<vmem>>, vector<1x16xf32>,
        %parallel_loop3A_490 = vector.shape_cast %broadcast_in_dim3A_52 : vector<16xi32> to vector<16x1xi32>
        %parallel_loop3A_491 = vector.shape_cast %parallel_loop3A_490 : vector<16x1xi32> to vector<16xi32>
        %parallel_loop3A_492 = tpu.dynamic_gather %parallel_loop3A_428[%parallel_loop3A_491] in [0] : vector<16xf32>, vector<16xi32> -> vector<16xf32>
        %parallel_loop3A_493 = arith.index_cast %parallel_loop3A_402 : i32 to index
        %parallel_loop3A_494 = arith.constant 48 : index
        %parallel_loop3A_495 = tpu.vector_load %arg24[%parallel_loop3A_493, %parallel_loop3A_494] {strides = array<i32>} : memref<48x128xf32, #tpu.memory_space<vmem>>, vector<1x16xf32>,
        %parallel_loop3A_496 = vector.shape_cast %parallel_loop3A_495 : vector<1x16xf32> to vector<16xf32>
        %parallel_loop3A_497 = arith.mulf %parallel_loop3A_496, %parallel_loop3A_492 : vector<16xf32>
        %parallel_loop3A_498 = arith.index_cast %parallel_loop3A_402 : i32 to index
        %parallel_loop3A_499 = arith.constant 48 : index
        %parallel_loop3A_500 = tpu.vector_load %arg24[%parallel_loop3A_498, %parallel_loop3A_499] {strides = array<i32>} : memref<48x128xf32, #tpu.memory_space<vmem>>, vector<1x16xf32>,
        %parallel_loop3A_501 = vector.shape_cast %parallel_loop3A_500 : vector<1x16xf32> to vector<16xf32>
        %parallel_loop3A_502 = vector.shape_cast %parallel_loop3A_497 : vector<16xf32> to vector<1x16xf32>
        tpu.vector_store %arg24[%parallel_loop3A_498, %parallel_loop3A_499], %parallel_loop3A_502 {strides = array<i32>} : memref<48x128xf32, #tpu.memory_space<vmem>>, vector<1x16xf32>,
        %parallel_loop3A_503 = arith.mulf %parallel_loop3A_492, %parallel_loop3A_432 : vector<16xf32>
        %parallel_loop3A_504 = arith.index_cast %parallel_loop3A_402 : i32 to index
        %parallel_loop3A_505 = arith.constant 48 : index
        %parallel_loop3A_506 = tpu.vector_load %arg20[%parallel_loop3A_504, %parallel_loop3A_505] {strides = array<i32>} : memref<48x128xf32, #tpu.memory_space<vmem>>, vector<1x16xf32>,
        %parallel_loop3A_507 = vector.shape_cast %parallel_loop3A_506 : vector<1x16xf32> to vector<16xf32>
        %parallel_loop3A_508 = vector.shape_cast %parallel_loop3A_503 : vector<16xf32> to vector<1x16xf32>
        tpu.vector_store %arg20[%parallel_loop3A_504, %parallel_loop3A_505], %parallel_loop3A_508 {strides = array<i32>} : memref<48x128xf32, #tpu.memory_space<vmem>>, vector<1x16xf32>,
        %parallel_loop3A_509 = vector.shape_cast %broadcast_in_dim3A_54 : vector<16xi32> to vector<16x1xi32>
        %parallel_loop3A_510 = vector.shape_cast %parallel_loop3A_509 : vector<16x1xi32> to vector<16xi32>
        %parallel_loop3A_511 = tpu.dynamic_gather %parallel_loop3A_428[%parallel_loop3A_510] in [0] : vector<16xf32>, vector<16xi32> -> vector<16xf32>
        %parallel_loop3A_512 = arith.index_cast %parallel_loop3A_402 : i32 to index
        %parallel_loop3A_513 = arith.constant 64 : index
        %parallel_loop3A_514 = tpu.vector_load %arg24[%parallel_loop3A_512, %parallel_loop3A_513] {strides = array<i32>} : memref<48x128xf32, #tpu.memory_space<vmem>>, vector<1x16xf32>,
        %parallel_loop3A_515 = vector.shape_cast %parallel_loop3A_514 : vector<1x16xf32> to vector<16xf32>
        %parallel_loop3A_516 = arith.mulf %parallel_loop3A_515, %parallel_loop3A_511 : vector<16xf32>
        %parallel_loop3A_517 = arith.index_cast %parallel_loop3A_402 : i32 to index
        %parallel_loop3A_518 = arith.constant 64 : index
        %parallel_loop3A_519 = tpu.vector_load %arg24[%parallel_loop3A_517, %parallel_loop3A_518] {strides = array<i32>} : memref<48x128xf32, #tpu.memory_space<vmem>>, vector<1x16xf32>,
        %parallel_loop3A_520 = vector.shape_cast %parallel_loop3A_519 : vector<1x16xf32> to vector<16xf32>
        %parallel_loop3A_521 = vector.shape_cast %parallel_loop3A_516 : vector<16xf32> to vector<1x16xf32>
        tpu.vector_store %arg24[%parallel_loop3A_517, %parallel_loop3A_518], %parallel_loop3A_521 {strides = array<i32>} : memref<48x128xf32, #tpu.memory_space<vmem>>, vector<1x16xf32>,
        %parallel_loop3A_522 = arith.mulf %parallel_loop3A_511, %parallel_loop3A_432 : vector<16xf32>
        %parallel_loop3A_523 = arith.index_cast %parallel_loop3A_402 : i32 to index
        %parallel_loop3A_524 = arith.constant 64 : index
        %parallel_loop3A_525 = tpu.vector_load %arg20[%parallel_loop3A_523, %parallel_loop3A_524] {strides = array<i32>} : memref<48x128xf32, #tpu.memory_space<vmem>>, vector<1x16xf32>,
        %parallel_loop3A_526 = vector.shape_cast %parallel_loop3A_525 : vector<1x16xf32> to vector<16xf32>
        %parallel_loop3A_527 = vector.shape_cast %parallel_loop3A_522 : vector<16xf32> to vector<1x16xf32>
        tpu.vector_store %arg20[%parallel_loop3A_523, %parallel_loop3A_524], %parallel_loop3A_527 {strides = array<i32>} : memref<48x128xf32, #tpu.memory_space<vmem>>, vector<1x16xf32>,
        %parallel_loop3A_528 = vector.shape_cast %broadcast_in_dim3A_56 : vector<16xi32> to vector<16x1xi32>
        %parallel_loop3A_529 = vector.shape_cast %parallel_loop3A_528 : vector<16x1xi32> to vector<16xi32>
        %parallel_loop3A_530 = tpu.dynamic_gather %parallel_loop3A_428[%parallel_loop3A_529] in [0] : vector<16xf32>, vector<16xi32> -> vector<16xf32>
        %parallel_loop3A_531 = arith.index_cast %parallel_loop3A_402 : i32 to index
        %parallel_loop3A_532 = arith.constant 80 : index
        %parallel_loop3A_533 = tpu.vector_load %arg24[%parallel_loop3A_531, %parallel_loop3A_532] {strides = array<i32>} : memref<48x128xf32, #tpu.memory_space<vmem>>, vector<1x16xf32>,
        %parallel_loop3A_534 = vector.shape_cast %parallel_loop3A_533 : vector<1x16xf32> to vector<16xf32>
        %parallel_loop3A_535 = arith.mulf %parallel_loop3A_534, %parallel_loop3A_530 : vector<16xf32>
        %parallel_loop3A_536 = arith.index_cast %parallel_loop3A_402 : i32 to index
        %parallel_loop3A_537 = arith.constant 80 : index
        %parallel_loop3A_538 = tpu.vector_load %arg24[%parallel_loop3A_536, %parallel_loop3A_537] {strides = array<i32>} : memref<48x128xf32, #tpu.memory_space<vmem>>, vector<1x16xf32>,
        %parallel_loop3A_539 = vector.shape_cast %parallel_loop3A_538 : vector<1x16xf32> to vector<16xf32>
        %parallel_loop3A_540 = vector.shape_cast %parallel_loop3A_535 : vector<16xf32> to vector<1x16xf32>
        tpu.vector_store %arg24[%parallel_loop3A_536, %parallel_loop3A_537], %parallel_loop3A_540 {strides = array<i32>} : memref<48x128xf32, #tpu.memory_space<vmem>>, vector<1x16xf32>,
        %parallel_loop3A_541 = arith.mulf %parallel_loop3A_530, %parallel_loop3A_432 : vector<16xf32>
        %parallel_loop3A_542 = arith.index_cast %parallel_loop3A_402 : i32 to index
        %parallel_loop3A_543 = arith.constant 80 : index
        %parallel_loop3A_544 = tpu.vector_load %arg20[%parallel_loop3A_542, %parallel_loop3A_543] {strides = array<i32>} : memref<48x128xf32, #tpu.memory_space<vmem>>, vector<1x16xf32>,
        %parallel_loop3A_545 = vector.shape_cast %parallel_loop3A_544 : vector<1x16xf32> to vector<16xf32>
        %parallel_loop3A_546 = vector.shape_cast %parallel_loop3A_541 : vector<16xf32> to vector<1x16xf32>
        tpu.vector_store %arg20[%parallel_loop3A_542, %parallel_loop3A_543], %parallel_loop3A_546 {strides = array<i32>} : memref<48x128xf32, #tpu.memory_space<vmem>>, vector<1x16xf32>,
        %parallel_loop3A_547 = vector.shape_cast %broadcast_in_dim3A_58 : vector<16xi32> to vector<16x1xi32>
        %parallel_loop3A_548 = vector.shape_cast %parallel_loop3A_547 : vector<16x1xi32> to vector<16xi32>
        %parallel_loop3A_549 = tpu.dynamic_gather %parallel_loop3A_428[%parallel_loop3A_548] in [0] : vector<16xf32>, vector<16xi32> -> vector<16xf32>
        %parallel_loop3A_550 = arith.index_cast %parallel_loop3A_402 : i32 to index
        %parallel_loop3A_551 = arith.constant 96 : index
        %parallel_loop3A_552 = tpu.vector_load %arg24[%parallel_loop3A_550, %parallel_loop3A_551] {strides = array<i32>} : memref<48x128xf32, #tpu.memory_space<vmem>>, vector<1x16xf32>,
        %parallel_loop3A_553 = vector.shape_cast %parallel_loop3A_552 : vector<1x16xf32> to vector<16xf32>
        %parallel_loop3A_554 = arith.mulf %parallel_loop3A_553, %parallel_loop3A_549 : vector<16xf32>
        %parallel_loop3A_555 = arith.index_cast %parallel_loop3A_402 : i32 to index
        %parallel_loop3A_556 = arith.constant 96 : index
        %parallel_loop3A_557 = tpu.vector_load %arg24[%parallel_loop3A_555, %parallel_loop3A_556] {strides = array<i32>} : memref<48x128xf32, #tpu.memory_space<vmem>>, vector<1x16xf32>,
        %parallel_loop3A_558 = vector.shape_cast %parallel_loop3A_557 : vector<1x16xf32> to vector<16xf32>
        %parallel_loop3A_559 = vector.shape_cast %parallel_loop3A_554 : vector<16xf32> to vector<1x16xf32>
        tpu.vector_store %arg24[%parallel_loop3A_555, %parallel_loop3A_556], %parallel_loop3A_559 {strides = array<i32>} : memref<48x128xf32, #tpu.memory_space<vmem>>, vector<1x16xf32>,
        %parallel_loop3A_560 = arith.mulf %parallel_loop3A_549, %parallel_loop3A_432 : vector<16xf32>
        %parallel_loop3A_561 = arith.index_cast %parallel_loop3A_402 : i32 to index
        %parallel_loop3A_562 = arith.constant 96 : index
        %parallel_loop3A_563 = tpu.vector_load %arg20[%parallel_loop3A_561, %parallel_loop3A_562] {strides = array<i32>} : memref<48x128xf32, #tpu.memory_space<vmem>>, vector<1x16xf32>,
        %parallel_loop3A_564 = vector.shape_cast %parallel_loop3A_563 : vector<1x16xf32> to vector<16xf32>
        %parallel_loop3A_565 = vector.shape_cast %parallel_loop3A_560 : vector<16xf32> to vector<1x16xf32>
        tpu.vector_store %arg20[%parallel_loop3A_561, %parallel_loop3A_562], %parallel_loop3A_565 {strides = array<i32>} : memref<48x128xf32, #tpu.memory_space<vmem>>, vector<1x16xf32>,
        %parallel_loop3A_566 = vector.shape_cast %broadcast_in_dim3A_60 : vector<16xi32> to vector<16x1xi32>
        %parallel_loop3A_567 = vector.shape_cast %parallel_loop3A_566 : vector<16x1xi32> to vector<16xi32>
        %parallel_loop3A_568 = tpu.dynamic_gather %parallel_loop3A_428[%parallel_loop3A_567] in [0] : vector<16xf32>, vector<16xi32> -> vector<16xf32>
        %parallel_loop3A_569 = arith.index_cast %parallel_loop3A_402 : i32 to index
        %parallel_loop3A_570 = arith.constant 112 : index
        %parallel_loop3A_571 = tpu.vector_load %arg24[%parallel_loop3A_569, %parallel_loop3A_570] {strides = array<i32>} : memref<48x128xf32, #tpu.memory_space<vmem>>, vector<1x16xf32>,
        %parallel_loop3A_572 = vector.shape_cast %parallel_loop3A_571 : vector<1x16xf32> to vector<16xf32>
        %parallel_loop3A_573 = arith.mulf %parallel_loop3A_572, %parallel_loop3A_568 : vector<16xf32>
        %parallel_loop3A_574 = arith.index_cast %parallel_loop3A_402 : i32 to index
        %parallel_loop3A_575 = arith.constant 112 : index
        %parallel_loop3A_576 = tpu.vector_load %arg24[%parallel_loop3A_574, %parallel_loop3A_575] {strides = array<i32>} : memref<48x128xf32, #tpu.memory_space<vmem>>, vector<1x16xf32>,
        %parallel_loop3A_577 = vector.shape_cast %parallel_loop3A_576 : vector<1x16xf32> to vector<16xf32>
        %parallel_loop3A_578 = vector.shape_cast %parallel_loop3A_573 : vector<16xf32> to vector<1x16xf32>
        tpu.vector_store %arg24[%parallel_loop3A_574, %parallel_loop3A_575], %parallel_loop3A_578 {strides = array<i32>} : memref<48x128xf32, #tpu.memory_space<vmem>>, vector<1x16xf32>,
        %parallel_loop3A_579 = arith.mulf %parallel_loop3A_568, %parallel_loop3A_432 : vector<16xf32>
        %parallel_loop3A_580 = arith.index_cast %parallel_loop3A_402 : i32 to index
        %parallel_loop3A_581 = arith.constant 112 : index
        %parallel_loop3A_582 = tpu.vector_load %arg20[%parallel_loop3A_580, %parallel_loop3A_581] {strides = array<i32>} : memref<48x128xf32, #tpu.memory_space<vmem>>, vector<1x16xf32>,
        %parallel_loop3A_583 = vector.shape_cast %parallel_loop3A_582 : vector<1x16xf32> to vector<16xf32>
        %parallel_loop3A_584 = vector.shape_cast %parallel_loop3A_579 : vector<16xf32> to vector<1x16xf32>
        tpu.vector_store %arg20[%parallel_loop3A_580, %parallel_loop3A_581], %parallel_loop3A_584 {strides = array<i32>} : memref<48x128xf32, #tpu.memory_space<vmem>>, vector<1x16xf32>,
      } {sc.loop_unroll_factor = 8 : i64, sc.parallel_access}
      %dma_start3A_366 = arith.constant 0 : i32
      %dma_start3A_367 = arith.constant 0 : i32
      %dma_start3A_368 = tpu.memref_slice %arg26[%dma_start3A_366, %dma_start3A_367] : memref<10112x128xf32, #tpu.memory_space<vmem_shared>> -> memref<10112x128xf32, #tpu.memory_space<vmem_shared>>
      tpu.enqueue_indirect_dma source(%arg24 : memref<48x128xf32, #tpu.memory_space<vmem>>) target(%dma_start3A_368 : memref<10112x128xf32, #tpu.memory_space<vmem_shared>>) offsets(%arg12 : memref<48xi32, #tpu.memory_space<vmem>>) semaphore(%arg34 : memref<!tpu.dma_semaphore, #tpu.memory_space<semaphore_mem>>) {add = true}
      %dma_start3A_369 = arith.constant 0 : i32
      %dma_start3A_370 = arith.constant 0 : i32
      %dma_start3A_371 = tpu.memref_slice %arg27[%dma_start3A_369, %dma_start3A_370] : memref<1280x128xf32, #tpu.memory_space<vmem_shared>> -> memref<1280x128xf32, #tpu.memory_space<vmem_shared>>
      tpu.enqueue_indirect_dma source(%arg20 : memref<48x128xf32, #tpu.memory_space<vmem>>) target(%dma_start3A_371 : memref<1280x128xf32, #tpu.memory_space<vmem_shared>>) offsets(%arg18 : memref<48xi32, #tpu.memory_space<vmem>>) semaphore(%arg35 : memref<!tpu.dma_semaphore, #tpu.memory_space<semaphore_mem>>) {add = true}
      %lt3A_372 = arith.constant 104 : i32
      %lt3A_373 = arith.cmpi slt, %scan3A_209, %lt3A_372 : i32
      %convert_element_type3A_374 = arith.extui %lt3A_373 : i1 to i32
      %cond3A_375 = arith.constant 0 : i32
      %cond3A_376 = arith.cmpi ne, %convert_element_type3A_374, %cond3A_375 : i32
      scf.if %cond3A_376 {
        %add3A_402 = arith.constant 2 : i32
        %add3A_403 = arith.addi %mul3A_211, %add3A_402 : i32
        %mul3A_404 = arith.constant 210 : i32
        %mul3A_405 = arith.muli %add3A, %mul3A_404 : i32
        %add3A_406 = arith.addi %mul3A_405, %add3A_403 : i32
        %mul3A_407 = arith.constant 144 : i32
        %mul3A_408 = arith.muli %add3A_406, %mul3A_407 : i32
        "tpu.region"() ({
          %run_scoped3A = tpu.sem_alloc : memref<!tpu.dma_semaphore, #tpu.memory_space<semaphore_mem>>
          %dma_start3A_544 = tpu.memref_slice %arg2[%mul3A_408] : memref<967680xi32, #tpu.memory_space<hbm>> -> memref<144xi32, #tpu.memory_space<hbm>>
          %dma_start3A_545 = tpu.memref_slice %arg2[%mul3A_408] : memref<967680xi32, #tpu.memory_space<hbm>> -> memref<144xi32, #tpu.memory_space<hbm>>
          tpu.enqueue_dma source(%dma_start3A_545 : memref<144xi32, #tpu.memory_space<hbm>>) target(%arg8 : memref<144xi32, #tpu.memory_space<vmem>>) target_semaphore(%run_scoped3A : memref<!tpu.dma_semaphore, #tpu.memory_space<semaphore_mem>>)
          %dma_wait3A_546 = tpu.memref_slice %arg2[%mul3A_408] : memref<967680xi32, #tpu.memory_space<hbm>> -> memref<144xi32, #tpu.memory_space<hbm>>
          %dma_wait3A_547 = tpu.memref_slice %arg2[%mul3A_408] : memref<967680xi32, #tpu.memory_space<hbm>> -> memref<144xi32, #tpu.memory_space<hbm>>
          tpu.wait_dma2 semaphore(%run_scoped3A : memref<!tpu.dma_semaphore, #tpu.memory_space<semaphore_mem>>) src(%dma_wait3A_547 : memref<144xi32, #tpu.memory_space<hbm>>) dst(%arg8 : memref<144xi32, #tpu.memory_space<vmem>>)
          tpu.yield
        }) : () -> ()
        %dma_wait3A_409 = arith.constant 0 : i32
        %dma_wait3A_410 = arith.constant 0 : i32
        %dma_wait3A_411 = tpu.memref_slice %arg26[%dma_wait3A_409, %dma_wait3A_410] : memref<10112x128xf32, #tpu.memory_space<vmem_shared>> -> memref<10112x128xf32, #tpu.memory_space<vmem_shared>>
        tpu.wait_indirect_dma semaphore(%arg34 : memref<!tpu.dma_semaphore, #tpu.memory_space<semaphore_mem>>) src(%arg24 : memref<48x128xf32, #tpu.memory_space<vmem>>) dst(%dma_wait3A_411 : memref<10112x128xf32, #tpu.memory_space<vmem_shared>>)
        %dma_wait3A_412 = arith.constant 0 : i32
        %dma_wait3A_413 = arith.constant 0 : i32
        %dma_wait3A_414 = tpu.memref_slice %arg27[%dma_wait3A_412, %dma_wait3A_413] : memref<1280x128xf32, #tpu.memory_space<vmem_shared>> -> memref<1280x128xf32, #tpu.memory_space<vmem_shared>>
        tpu.wait_indirect_dma semaphore(%arg35 : memref<!tpu.dma_semaphore, #tpu.memory_space<semaphore_mem>>) src(%arg20 : memref<48x128xf32, #tpu.memory_space<vmem>>) dst(%dma_wait3A_414 : memref<1280x128xf32, #tpu.memory_space<vmem_shared>>)
        %get3A_415 = arith.constant 0 : index
        %get3A_416 = tpu.vector_load %arg8[%get3A_415] {strides = array<i32>} : memref<144xi32, #tpu.memory_space<vmem>>, vector<16xi32>,
        %get3A_417 = vector.shape_cast %get3A_416 : vector<16xi32> to vector<16xi32>
        %get3A_418 = arith.constant 48 : index
        %get3A_419 = tpu.vector_load %arg8[%get3A_418] {strides = array<i32>} : memref<144xi32, #tpu.memory_space<vmem>>, vector<16xi32>,
        %get3A_420 = vector.shape_cast %get3A_419 : vector<16xi32> to vector<16xi32>
        %get3A_421 = arith.constant 96 : index
        %get3A_422 = tpu.vector_load %arg8[%get3A_421] {strides = array<i32>} : memref<144xi32, #tpu.memory_space<vmem>>, vector<16xi32>,
        %get3A_423 = vector.shape_cast %get3A_422 : vector<16xi32> to vector<16xi32>
        %swap3A_424 = arith.constant 0 : index
        %swap3A_425 = tpu.vector_load %arg10[%swap3A_424] {strides = array<i32>} : memref<48xi32, #tpu.memory_space<vmem>>, vector<16xi32>,
        %swap3A_426 = vector.shape_cast %swap3A_425 : vector<16xi32> to vector<16xi32>
        %swap3A_427 = vector.shape_cast %get3A_417 : vector<16xi32> to vector<16xi32>
        tpu.vector_store %arg10[%swap3A_424], %swap3A_427 {strides = array<i32>} : memref<48xi32, #tpu.memory_space<vmem>>, vector<16xi32>,
        %mul3A_428 = arith.constant 2 : i32
        %mul3A_429 = vector.broadcast %mul3A_428 : i32 to vector<16xi32>
        %mul3A_430 = arith.muli %get3A_417, %mul3A_429 : vector<16xi32>
        %add3A_431 = arith.addi %mul3A_430, %get3A_423 : vector<16xi32>
        %swap3A_432 = arith.constant 0 : index
        %swap3A_433 = tpu.vector_load %arg14[%swap3A_432] {strides = array<i32>} : memref<48xi32, #tpu.memory_space<vmem>>, vector<16xi32>,
        %swap3A_434 = vector.shape_cast %swap3A_433 : vector<16xi32> to vector<16xi32>
        %swap3A_435 = vector.shape_cast %add3A_431 : vector<16xi32> to vector<16xi32>
        tpu.vector_store %arg14[%swap3A_432], %swap3A_435 {strides = array<i32>} : memref<48xi32, #tpu.memory_space<vmem>>, vector<16xi32>,
        %swap3A_436 = arith.constant 0 : index
        %swap3A_437 = tpu.vector_load %arg12[%swap3A_436] {strides = array<i32>} : memref<48xi32, #tpu.memory_space<vmem>>, vector<16xi32>,
        %swap3A_438 = vector.shape_cast %swap3A_437 : vector<16xi32> to vector<16xi32>
        %swap3A_439 = vector.shape_cast %get3A_420 : vector<16xi32> to vector<16xi32>
        tpu.vector_store %arg12[%swap3A_436], %swap3A_439 {strides = array<i32>} : memref<48xi32, #tpu.memory_space<vmem>>, vector<16xi32>,
        %mul3A_440 = arith.constant 2 : i32
        %mul3A_441 = vector.broadcast %mul3A_440 : i32 to vector<16xi32>
        %mul3A_442 = arith.muli %get3A_420, %mul3A_441 : vector<16xi32>
        %add3A_443 = arith.addi %mul3A_442, %get3A_423 : vector<16xi32>
        %swap3A_444 = arith.constant 0 : index
        %swap3A_445 = tpu.vector_load %arg16[%swap3A_444] {strides = array<i32>} : memref<48xi32, #tpu.memory_space<vmem>>, vector<16xi32>,
        %swap3A_446 = vector.shape_cast %swap3A_445 : vector<16xi32> to vector<16xi32>
        %swap3A_447 = vector.shape_cast %add3A_443 : vector<16xi32> to vector<16xi32>
        tpu.vector_store %arg16[%swap3A_444], %swap3A_447 {strides = array<i32>} : memref<48xi32, #tpu.memory_space<vmem>>, vector<16xi32>,
        %shift_right_logical3A_448 = arith.constant 3 : i32
        %shift_right_logical3A_449 = vector.broadcast %shift_right_logical3A_448 : i32 to vector<16xi32>
        %shift_right_logical3A_450 = arith.shrui %get3A_420, %shift_right_logical3A_449 : vector<16xi32>
        %swap3A_451 = arith.constant 0 : index
        %swap3A_452 = tpu.vector_load %arg18[%swap3A_451] {strides = array<i32>} : memref<48xi32, #tpu.memory_space<vmem>>, vector<16xi32>,
        %swap3A_453 = vector.shape_cast %swap3A_452 : vector<16xi32> to vector<16xi32>
        %swap3A_454 = vector.shape_cast %shift_right_logical3A_450 : vector<16xi32> to vector<16xi32>
        tpu.vector_store %arg18[%swap3A_451], %swap3A_454 {strides = array<i32>} : memref<48xi32, #tpu.memory_space<vmem>>, vector<16xi32>,
        %get3A_455 = arith.constant 16 : index
        %get3A_456 = tpu.vector_load %arg8[%get3A_455] {strides = array<i32>} : memref<144xi32, #tpu.memory_space<vmem>>, vector<16xi32>,
        %get3A_457 = vector.shape_cast %get3A_456 : vector<16xi32> to vector<16xi32>
        %get3A_458 = arith.constant 64 : index
        %get3A_459 = tpu.vector_load %arg8[%get3A_458] {strides = array<i32>} : memref<144xi32, #tpu.memory_space<vmem>>, vector<16xi32>,
        %get3A_460 = vector.shape_cast %get3A_459 : vector<16xi32> to vector<16xi32>
        %get3A_461 = arith.constant 112 : index
        %get3A_462 = tpu.vector_load %arg8[%get3A_461] {strides = array<i32>} : memref<144xi32, #tpu.memory_space<vmem>>, vector<16xi32>,
        %get3A_463 = vector.shape_cast %get3A_462 : vector<16xi32> to vector<16xi32>
        %swap3A_464 = arith.constant 16 : index
        %swap3A_465 = tpu.vector_load %arg10[%swap3A_464] {strides = array<i32>} : memref<48xi32, #tpu.memory_space<vmem>>, vector<16xi32>,
        %swap3A_466 = vector.shape_cast %swap3A_465 : vector<16xi32> to vector<16xi32>
        %swap3A_467 = vector.shape_cast %get3A_457 : vector<16xi32> to vector<16xi32>
        tpu.vector_store %arg10[%swap3A_464], %swap3A_467 {strides = array<i32>} : memref<48xi32, #tpu.memory_space<vmem>>, vector<16xi32>,
        %mul3A_468 = arith.constant 2 : i32
        %mul3A_469 = vector.broadcast %mul3A_468 : i32 to vector<16xi32>
        %mul3A_470 = arith.muli %get3A_457, %mul3A_469 : vector<16xi32>
        %add3A_471 = arith.addi %mul3A_470, %get3A_463 : vector<16xi32>
        %swap3A_472 = arith.constant 16 : index
        %swap3A_473 = tpu.vector_load %arg14[%swap3A_472] {strides = array<i32>} : memref<48xi32, #tpu.memory_space<vmem>>, vector<16xi32>,
        %swap3A_474 = vector.shape_cast %swap3A_473 : vector<16xi32> to vector<16xi32>
        %swap3A_475 = vector.shape_cast %add3A_471 : vector<16xi32> to vector<16xi32>
        tpu.vector_store %arg14[%swap3A_472], %swap3A_475 {strides = array<i32>} : memref<48xi32, #tpu.memory_space<vmem>>, vector<16xi32>,
        %swap3A_476 = arith.constant 16 : index
        %swap3A_477 = tpu.vector_load %arg12[%swap3A_476] {strides = array<i32>} : memref<48xi32, #tpu.memory_space<vmem>>, vector<16xi32>,
        %swap3A_478 = vector.shape_cast %swap3A_477 : vector<16xi32> to vector<16xi32>
        %swap3A_479 = vector.shape_cast %get3A_460 : vector<16xi32> to vector<16xi32>
        tpu.vector_store %arg12[%swap3A_476], %swap3A_479 {strides = array<i32>} : memref<48xi32, #tpu.memory_space<vmem>>, vector<16xi32>,
        %mul3A_480 = arith.constant 2 : i32
        %mul3A_481 = vector.broadcast %mul3A_480 : i32 to vector<16xi32>
        %mul3A_482 = arith.muli %get3A_460, %mul3A_481 : vector<16xi32>
        %add3A_483 = arith.addi %mul3A_482, %get3A_463 : vector<16xi32>
        %swap3A_484 = arith.constant 16 : index
        %swap3A_485 = tpu.vector_load %arg16[%swap3A_484] {strides = array<i32>} : memref<48xi32, #tpu.memory_space<vmem>>, vector<16xi32>,
        %swap3A_486 = vector.shape_cast %swap3A_485 : vector<16xi32> to vector<16xi32>
        %swap3A_487 = vector.shape_cast %add3A_483 : vector<16xi32> to vector<16xi32>
        tpu.vector_store %arg16[%swap3A_484], %swap3A_487 {strides = array<i32>} : memref<48xi32, #tpu.memory_space<vmem>>, vector<16xi32>,
        %shift_right_logical3A_488 = arith.constant 3 : i32
        %shift_right_logical3A_489 = vector.broadcast %shift_right_logical3A_488 : i32 to vector<16xi32>
        %shift_right_logical3A_490 = arith.shrui %get3A_460, %shift_right_logical3A_489 : vector<16xi32>
        %swap3A_491 = arith.constant 16 : index
        %swap3A_492 = tpu.vector_load %arg18[%swap3A_491] {strides = array<i32>} : memref<48xi32, #tpu.memory_space<vmem>>, vector<16xi32>,
        %swap3A_493 = vector.shape_cast %swap3A_492 : vector<16xi32> to vector<16xi32>
        %swap3A_494 = vector.shape_cast %shift_right_logical3A_490 : vector<16xi32> to vector<16xi32>
        tpu.vector_store %arg18[%swap3A_491], %swap3A_494 {strides = array<i32>} : memref<48xi32, #tpu.memory_space<vmem>>, vector<16xi32>,
        %get3A_495 = arith.constant 32 : index
        %get3A_496 = tpu.vector_load %arg8[%get3A_495] {strides = array<i32>} : memref<144xi32, #tpu.memory_space<vmem>>, vector<16xi32>,
        %get3A_497 = vector.shape_cast %get3A_496 : vector<16xi32> to vector<16xi32>
        %get3A_498 = arith.constant 80 : index
        %get3A_499 = tpu.vector_load %arg8[%get3A_498] {strides = array<i32>} : memref<144xi32, #tpu.memory_space<vmem>>, vector<16xi32>,
        %get3A_500 = vector.shape_cast %get3A_499 : vector<16xi32> to vector<16xi32>
        %get3A_501 = arith.constant 128 : index
        %get3A_502 = tpu.vector_load %arg8[%get3A_501] {strides = array<i32>} : memref<144xi32, #tpu.memory_space<vmem>>, vector<16xi32>,
        %get3A_503 = vector.shape_cast %get3A_502 : vector<16xi32> to vector<16xi32>
        %swap3A_504 = arith.constant 32 : index
        %swap3A_505 = tpu.vector_load %arg10[%swap3A_504] {strides = array<i32>} : memref<48xi32, #tpu.memory_space<vmem>>, vector<16xi32>,
        %swap3A_506 = vector.shape_cast %swap3A_505 : vector<16xi32> to vector<16xi32>
        %swap3A_507 = vector.shape_cast %get3A_497 : vector<16xi32> to vector<16xi32>
        tpu.vector_store %arg10[%swap3A_504], %swap3A_507 {strides = array<i32>} : memref<48xi32, #tpu.memory_space<vmem>>, vector<16xi32>,
        %mul3A_508 = arith.constant 2 : i32
        %mul3A_509 = vector.broadcast %mul3A_508 : i32 to vector<16xi32>
        %mul3A_510 = arith.muli %get3A_497, %mul3A_509 : vector<16xi32>
        %add3A_511 = arith.addi %mul3A_510, %get3A_503 : vector<16xi32>
        %swap3A_512 = arith.constant 32 : index
        %swap3A_513 = tpu.vector_load %arg14[%swap3A_512] {strides = array<i32>} : memref<48xi32, #tpu.memory_space<vmem>>, vector<16xi32>,
        %swap3A_514 = vector.shape_cast %swap3A_513 : vector<16xi32> to vector<16xi32>
        %swap3A_515 = vector.shape_cast %add3A_511 : vector<16xi32> to vector<16xi32>
        tpu.vector_store %arg14[%swap3A_512], %swap3A_515 {strides = array<i32>} : memref<48xi32, #tpu.memory_space<vmem>>, vector<16xi32>,
        %swap3A_516 = arith.constant 32 : index
        %swap3A_517 = tpu.vector_load %arg12[%swap3A_516] {strides = array<i32>} : memref<48xi32, #tpu.memory_space<vmem>>, vector<16xi32>,
        %swap3A_518 = vector.shape_cast %swap3A_517 : vector<16xi32> to vector<16xi32>
        %swap3A_519 = vector.shape_cast %get3A_500 : vector<16xi32> to vector<16xi32>
        tpu.vector_store %arg12[%swap3A_516], %swap3A_519 {strides = array<i32>} : memref<48xi32, #tpu.memory_space<vmem>>, vector<16xi32>,
        %mul3A_520 = arith.constant 2 : i32
        %mul3A_521 = vector.broadcast %mul3A_520 : i32 to vector<16xi32>
        %mul3A_522 = arith.muli %get3A_500, %mul3A_521 : vector<16xi32>
        %add3A_523 = arith.addi %mul3A_522, %get3A_503 : vector<16xi32>
        %swap3A_524 = arith.constant 32 : index
        %swap3A_525 = tpu.vector_load %arg16[%swap3A_524] {strides = array<i32>} : memref<48xi32, #tpu.memory_space<vmem>>, vector<16xi32>,
        %swap3A_526 = vector.shape_cast %swap3A_525 : vector<16xi32> to vector<16xi32>
        %swap3A_527 = vector.shape_cast %add3A_523 : vector<16xi32> to vector<16xi32>
        tpu.vector_store %arg16[%swap3A_524], %swap3A_527 {strides = array<i32>} : memref<48xi32, #tpu.memory_space<vmem>>, vector<16xi32>,
        %shift_right_logical3A_528 = arith.constant 3 : i32
        %shift_right_logical3A_529 = vector.broadcast %shift_right_logical3A_528 : i32 to vector<16xi32>
        %shift_right_logical3A_530 = arith.shrui %get3A_500, %shift_right_logical3A_529 : vector<16xi32>
        %swap3A_531 = arith.constant 32 : index
        %swap3A_532 = tpu.vector_load %arg18[%swap3A_531] {strides = array<i32>} : memref<48xi32, #tpu.memory_space<vmem>>, vector<16xi32>,
        %swap3A_533 = vector.shape_cast %swap3A_532 : vector<16xi32> to vector<16xi32>
        %swap3A_534 = vector.shape_cast %shift_right_logical3A_530 : vector<16xi32> to vector<16xi32>
        tpu.vector_store %arg18[%swap3A_531], %swap3A_534 {strides = array<i32>} : memref<48xi32, #tpu.memory_space<vmem>>, vector<16xi32>,
        %dma_start3A_535 = arith.constant 0 : i32
        %dma_start3A_536 = arith.constant 0 : i32
        %dma_start3A_537 = tpu.memref_slice %arg3[%dma_start3A_535, %dma_start3A_536] : memref<20000x128xf32, #tpu.memory_space<hbm>> -> memref<20000x128xf32, #tpu.memory_space<hbm>>
        tpu.enqueue_indirect_dma source(%dma_start3A_537 : memref<20000x128xf32, #tpu.memory_space<hbm>>) target(%arg20 : memref<48x128xf32, #tpu.memory_space<vmem>>) offsets(%arg14 : memref<48xi32, #tpu.memory_space<vmem>>) semaphore(%arg28 : memref<!tpu.dma_semaphore, #tpu.memory_space<semaphore_mem>>)
        %dma_start3A_538 = arith.constant 0 : i32
        %dma_start3A_539 = arith.constant 0 : i32
        %dma_start3A_540 = tpu.memref_slice %arg4[%dma_start3A_538, %dma_start3A_539] : memref<20000x128xf32, #tpu.memory_space<hbm>> -> memref<20000x128xf32, #tpu.memory_space<hbm>>
        tpu.enqueue_indirect_dma source(%dma_start3A_540 : memref<20000x128xf32, #tpu.memory_space<hbm>>) target(%arg22 : memref<48x128xf32, #tpu.memory_space<vmem>>) offsets(%arg16 : memref<48xi32, #tpu.memory_space<vmem>>) semaphore(%arg29 : memref<!tpu.dma_semaphore, #tpu.memory_space<semaphore_mem>>)
        %dma_start3A_541 = arith.constant 0 : i32
        %dma_start3A_542 = arith.constant 0 : i32
        %dma_start3A_543 = tpu.memref_slice %arg5[%dma_start3A_541, %dma_start3A_542] : memref<10000x128xf32, #tpu.memory_space<hbm>> -> memref<10000x128xf32, #tpu.memory_space<hbm>>
        tpu.enqueue_indirect_dma source(%dma_start3A_543 : memref<10000x128xf32, #tpu.memory_space<hbm>>) target(%arg24 : memref<48x128xf32, #tpu.memory_space<vmem>>) offsets(%arg10 : memref<48xi32, #tpu.memory_space<vmem>>) semaphore(%arg30 : memref<!tpu.dma_semaphore, #tpu.memory_space<semaphore_mem>>)
      } else {
      }
      %add3A_377 = arith.constant 1 : i32
      %add3A_378 = arith.addi %mul3A_211, %add3A_377 : i32
      %dma_wait3A_379 = arith.constant 0 : i32
      %dma_wait3A_380 = arith.constant 0 : i32
      %dma_wait3A_381 = tpu.memref_slice %arg3[%dma_wait3A_379, %dma_wait3A_380] : memref<20000x128xf32, #tpu.memory_space<hbm>> -> memref<20000x128xf32, #tpu.memory_space<hbm>>
      tpu.wait_indirect_dma semaphore(%arg31 : memref<!tpu.dma_semaphore, #tpu.memory_space<semaphore_mem>>) src(%dma_wait3A_381 : memref<20000x128xf32, #tpu.memory_space<hbm>>) dst(%arg21 : memref<48x128xf32, #tpu.memory_space<vmem>>)
      %dma_wait3A_382 = arith.constant 0 : i32
      %dma_wait3A_383 = arith.constant 0 : i32
      %dma_wait3A_384 = tpu.memref_slice %arg4[%dma_wait3A_382, %dma_wait3A_383] : memref<20000x128xf32, #tpu.memory_space<hbm>> -> memref<20000x128xf32, #tpu.memory_space<hbm>>
      tpu.wait_indirect_dma semaphore(%arg32 : memref<!tpu.dma_semaphore, #tpu.memory_space<semaphore_mem>>) src(%dma_wait3A_384 : memref<20000x128xf32, #tpu.memory_space<hbm>>) dst(%arg23 : memref<48x128xf32, #tpu.memory_space<vmem>>)
      %dma_wait3A_385 = arith.constant 0 : i32
      %dma_wait3A_386 = arith.constant 0 : i32
      %dma_wait3A_387 = tpu.memref_slice %arg5[%dma_wait3A_385, %dma_wait3A_386] : memref<10000x128xf32, #tpu.memory_space<hbm>> -> memref<10000x128xf32, #tpu.memory_space<hbm>>
      tpu.wait_indirect_dma semaphore(%arg33 : memref<!tpu.dma_semaphore, #tpu.memory_space<semaphore_mem>>) src(%dma_wait3A_387 : memref<10000x128xf32, #tpu.memory_space<hbm>>) dst(%arg25 : memref<48x128xf32, #tpu.memory_space<vmem>>)
      %mul3A_388 = arith.constant 10080 : i32
      %mul3A_389 = arith.muli %add3A, %mul3A_388 : i32
      %mul3A_390 = arith.constant 48 : i32
      %mul3A_391 = arith.muli %add3A_378, %mul3A_390 : i32
      %add3A_392 = arith.addi %mul3A_389, %mul3A_391 : i32
      %parallel_loop3A_393 = arith.constant 0 : i32
      %parallel_loop3A_394 = arith.constant 48 : i32
      %parallel_loop3A_395 = arith.constant 1 : i32
      scf.for %parallel_loop3A_402 = %parallel_loop3A_393 to %parallel_loop3A_394 step %parallel_loop3A_395  : i32 {
        %parallel_loop3A_403 = arith.index_cast %parallel_loop3A_402 : i32 to index
        %parallel_loop3A_404 = arith.constant 0 : index
        %parallel_loop3A_405 = tpu.vector_load %arg21[%parallel_loop3A_403, %parallel_loop3A_404] {strides = array<i32>} : memref<48x128xf32, #tpu.memory_space<vmem>>, vector<1x16xf32>,
        %parallel_loop3A_406 = vector.shape_cast %parallel_loop3A_405 : vector<1x16xf32> to vector<16xf32>
        %parallel_loop3A_407 = arith.index_cast %parallel_loop3A_402 : i32 to index
        %parallel_loop3A_408 = arith.constant 0 : index
        %parallel_loop3A_409 = tpu.vector_load %arg23[%parallel_loop3A_407, %parallel_loop3A_408] {strides = array<i32>} : memref<48x128xf32, #tpu.memory_space<vmem>>, vector<1x16xf32>,
        %parallel_loop3A_410 = vector.shape_cast %parallel_loop3A_409 : vector<1x16xf32> to vector<16xf32>
        %parallel_loop3A_411 = arith.addf %parallel_loop3A_406, %parallel_loop3A_410 : vector<16xf32>
        %parallel_loop3A_412 = arith.constant 0.000000e+00 : f32
        %parallel_loop3A_413 = vector.broadcast %parallel_loop3A_412 : f32 to vector<16xf32>
        %parallel_loop3A_414 = arith.cmpf oge, %parallel_loop3A_411, %parallel_loop3A_413 : vector<16xf32>
        %parallel_loop3A_415 = arith.constant 2.000000e-01 : f32
        %parallel_loop3A_416 = vector.broadcast %parallel_loop3A_415 : f32 to vector<16xf32>
        %parallel_loop3A_417 = arith.mulf %parallel_loop3A_416, %parallel_loop3A_411 : vector<16xf32>
        %parallel_loop3A_418 = arith.select %parallel_loop3A_414, %parallel_loop3A_411, %parallel_loop3A_417 : vector<16xi1>, vector<16xf32>
        %parallel_loop3A_419 = math.exp %parallel_loop3A_418 : vector<16xf32>
        %parallel_loop3A_420 = arith.constant 0.000000e+00 : f32
        %parallel_loop3A_421 = vector.broadcast %parallel_loop3A_420 : f32 to vector<16xf32>
        %parallel_loop3A_422 = arith.select %lt3A_45, %parallel_loop3A_419, %parallel_loop3A_421 : vector<16xi1>, vector<16xf32>
        %parallel_loop3A_423 = arith.addi %add3A_392, %parallel_loop3A_402 : i32
        %parallel_loop3A_424 = arith.constant 320000 : i32
        %parallel_loop3A_425 = arith.cmpi slt, %parallel_loop3A_423, %parallel_loop3A_424 : i32
        %parallel_loop3A_426 = arith.constant 0.000000e+00 : f32
        %parallel_loop3A_427 = vector.broadcast %parallel_loop3A_426 : f32 to vector<16xf32>
        %parallel_loop3A_428 = arith.select %parallel_loop3A_425, %parallel_loop3A_422, %parallel_loop3A_427 : vector<16xf32>
        %parallel_loop3A_429 = arith.index_cast %parallel_loop3A_402 : i32 to index
        %parallel_loop3A_430 = arith.constant 16 : index
        %parallel_loop3A_431 = tpu.vector_load %arg23[%parallel_loop3A_429, %parallel_loop3A_430] {strides = array<i32>} : memref<48x128xf32, #tpu.memory_space<vmem>>, vector<1x16xf32>,
        %parallel_loop3A_432 = vector.shape_cast %parallel_loop3A_431 : vector<1x16xf32> to vector<16xf32>
        %parallel_loop3A_433 = vector.shape_cast %broadcast_in_dim3A_46 : vector<16xi32> to vector<16x1xi32>
        %parallel_loop3A_434 = vector.shape_cast %parallel_loop3A_433 : vector<16x1xi32> to vector<16xi32>
        %parallel_loop3A_435 = tpu.dynamic_gather %parallel_loop3A_428[%parallel_loop3A_434] in [0] : vector<16xf32>, vector<16xi32> -> vector<16xf32>
        %parallel_loop3A_436 = arith.index_cast %parallel_loop3A_402 : i32 to index
        %parallel_loop3A_437 = arith.constant 0 : index
        %parallel_loop3A_438 = tpu.vector_load %arg25[%parallel_loop3A_436, %parallel_loop3A_437] {strides = array<i32>} : memref<48x128xf32, #tpu.memory_space<vmem>>, vector<1x16xf32>,
        %parallel_loop3A_439 = vector.shape_cast %parallel_loop3A_438 : vector<1x16xf32> to vector<16xf32>
        %parallel_loop3A_440 = arith.mulf %parallel_loop3A_439, %parallel_loop3A_435 : vector<16xf32>
        %parallel_loop3A_441 = arith.index_cast %parallel_loop3A_402 : i32 to index
        %parallel_loop3A_442 = arith.constant 0 : index
        %parallel_loop3A_443 = tpu.vector_load %arg25[%parallel_loop3A_441, %parallel_loop3A_442] {strides = array<i32>} : memref<48x128xf32, #tpu.memory_space<vmem>>, vector<1x16xf32>,
        %parallel_loop3A_444 = vector.shape_cast %parallel_loop3A_443 : vector<1x16xf32> to vector<16xf32>
        %parallel_loop3A_445 = vector.shape_cast %parallel_loop3A_440 : vector<16xf32> to vector<1x16xf32>
        tpu.vector_store %arg25[%parallel_loop3A_441, %parallel_loop3A_442], %parallel_loop3A_445 {strides = array<i32>} : memref<48x128xf32, #tpu.memory_space<vmem>>, vector<1x16xf32>,
        %parallel_loop3A_446 = arith.mulf %parallel_loop3A_435, %parallel_loop3A_432 : vector<16xf32>
        %parallel_loop3A_447 = arith.index_cast %parallel_loop3A_402 : i32 to index
        %parallel_loop3A_448 = arith.constant 0 : index
        %parallel_loop3A_449 = tpu.vector_load %arg21[%parallel_loop3A_447, %parallel_loop3A_448] {strides = array<i32>} : memref<48x128xf32, #tpu.memory_space<vmem>>, vector<1x16xf32>,
        %parallel_loop3A_450 = vector.shape_cast %parallel_loop3A_449 : vector<1x16xf32> to vector<16xf32>
        %parallel_loop3A_451 = vector.shape_cast %parallel_loop3A_446 : vector<16xf32> to vector<1x16xf32>
        tpu.vector_store %arg21[%parallel_loop3A_447, %parallel_loop3A_448], %parallel_loop3A_451 {strides = array<i32>} : memref<48x128xf32, #tpu.memory_space<vmem>>, vector<1x16xf32>,
        %parallel_loop3A_452 = vector.shape_cast %broadcast_in_dim3A_48 : vector<16xi32> to vector<16x1xi32>
        %parallel_loop3A_453 = vector.shape_cast %parallel_loop3A_452 : vector<16x1xi32> to vector<16xi32>
        %parallel_loop3A_454 = tpu.dynamic_gather %parallel_loop3A_428[%parallel_loop3A_453] in [0] : vector<16xf32>, vector<16xi32> -> vector<16xf32>
        %parallel_loop3A_455 = arith.index_cast %parallel_loop3A_402 : i32 to index
        %parallel_loop3A_456 = arith.constant 16 : index
        %parallel_loop3A_457 = tpu.vector_load %arg25[%parallel_loop3A_455, %parallel_loop3A_456] {strides = array<i32>} : memref<48x128xf32, #tpu.memory_space<vmem>>, vector<1x16xf32>,
        %parallel_loop3A_458 = vector.shape_cast %parallel_loop3A_457 : vector<1x16xf32> to vector<16xf32>
        %parallel_loop3A_459 = arith.mulf %parallel_loop3A_458, %parallel_loop3A_454 : vector<16xf32>
        %parallel_loop3A_460 = arith.index_cast %parallel_loop3A_402 : i32 to index
        %parallel_loop3A_461 = arith.constant 16 : index
        %parallel_loop3A_462 = tpu.vector_load %arg25[%parallel_loop3A_460, %parallel_loop3A_461] {strides = array<i32>} : memref<48x128xf32, #tpu.memory_space<vmem>>, vector<1x16xf32>,
        %parallel_loop3A_463 = vector.shape_cast %parallel_loop3A_462 : vector<1x16xf32> to vector<16xf32>
        %parallel_loop3A_464 = vector.shape_cast %parallel_loop3A_459 : vector<16xf32> to vector<1x16xf32>
        tpu.vector_store %arg25[%parallel_loop3A_460, %parallel_loop3A_461], %parallel_loop3A_464 {strides = array<i32>} : memref<48x128xf32, #tpu.memory_space<vmem>>, vector<1x16xf32>,
        %parallel_loop3A_465 = arith.mulf %parallel_loop3A_454, %parallel_loop3A_432 : vector<16xf32>
        %parallel_loop3A_466 = arith.index_cast %parallel_loop3A_402 : i32 to index
        %parallel_loop3A_467 = arith.constant 16 : index
        %parallel_loop3A_468 = tpu.vector_load %arg21[%parallel_loop3A_466, %parallel_loop3A_467] {strides = array<i32>} : memref<48x128xf32, #tpu.memory_space<vmem>>, vector<1x16xf32>,
        %parallel_loop3A_469 = vector.shape_cast %parallel_loop3A_468 : vector<1x16xf32> to vector<16xf32>
        %parallel_loop3A_470 = vector.shape_cast %parallel_loop3A_465 : vector<16xf32> to vector<1x16xf32>
        tpu.vector_store %arg21[%parallel_loop3A_466, %parallel_loop3A_467], %parallel_loop3A_470 {strides = array<i32>} : memref<48x128xf32, #tpu.memory_space<vmem>>, vector<1x16xf32>,
        %parallel_loop3A_471 = vector.shape_cast %broadcast_in_dim3A_50 : vector<16xi32> to vector<16x1xi32>
        %parallel_loop3A_472 = vector.shape_cast %parallel_loop3A_471 : vector<16x1xi32> to vector<16xi32>
        %parallel_loop3A_473 = tpu.dynamic_gather %parallel_loop3A_428[%parallel_loop3A_472] in [0] : vector<16xf32>, vector<16xi32> -> vector<16xf32>
        %parallel_loop3A_474 = arith.index_cast %parallel_loop3A_402 : i32 to index
        %parallel_loop3A_475 = arith.constant 32 : index
        %parallel_loop3A_476 = tpu.vector_load %arg25[%parallel_loop3A_474, %parallel_loop3A_475] {strides = array<i32>} : memref<48x128xf32, #tpu.memory_space<vmem>>, vector<1x16xf32>,
        %parallel_loop3A_477 = vector.shape_cast %parallel_loop3A_476 : vector<1x16xf32> to vector<16xf32>
        %parallel_loop3A_478 = arith.mulf %parallel_loop3A_477, %parallel_loop3A_473 : vector<16xf32>
        %parallel_loop3A_479 = arith.index_cast %parallel_loop3A_402 : i32 to index
        %parallel_loop3A_480 = arith.constant 32 : index
        %parallel_loop3A_481 = tpu.vector_load %arg25[%parallel_loop3A_479, %parallel_loop3A_480] {strides = array<i32>} : memref<48x128xf32, #tpu.memory_space<vmem>>, vector<1x16xf32>,
        %parallel_loop3A_482 = vector.shape_cast %parallel_loop3A_481 : vector<1x16xf32> to vector<16xf32>
        %parallel_loop3A_483 = vector.shape_cast %parallel_loop3A_478 : vector<16xf32> to vector<1x16xf32>
        tpu.vector_store %arg25[%parallel_loop3A_479, %parallel_loop3A_480], %parallel_loop3A_483 {strides = array<i32>} : memref<48x128xf32, #tpu.memory_space<vmem>>, vector<1x16xf32>,
        %parallel_loop3A_484 = arith.mulf %parallel_loop3A_473, %parallel_loop3A_432 : vector<16xf32>
        %parallel_loop3A_485 = arith.index_cast %parallel_loop3A_402 : i32 to index
        %parallel_loop3A_486 = arith.constant 32 : index
        %parallel_loop3A_487 = tpu.vector_load %arg21[%parallel_loop3A_485, %parallel_loop3A_486] {strides = array<i32>} : memref<48x128xf32, #tpu.memory_space<vmem>>, vector<1x16xf32>,
        %parallel_loop3A_488 = vector.shape_cast %parallel_loop3A_487 : vector<1x16xf32> to vector<16xf32>
        %parallel_loop3A_489 = vector.shape_cast %parallel_loop3A_484 : vector<16xf32> to vector<1x16xf32>
        tpu.vector_store %arg21[%parallel_loop3A_485, %parallel_loop3A_486], %parallel_loop3A_489 {strides = array<i32>} : memref<48x128xf32, #tpu.memory_space<vmem>>, vector<1x16xf32>,
        %parallel_loop3A_490 = vector.shape_cast %broadcast_in_dim3A_52 : vector<16xi32> to vector<16x1xi32>
        %parallel_loop3A_491 = vector.shape_cast %parallel_loop3A_490 : vector<16x1xi32> to vector<16xi32>
        %parallel_loop3A_492 = tpu.dynamic_gather %parallel_loop3A_428[%parallel_loop3A_491] in [0] : vector<16xf32>, vector<16xi32> -> vector<16xf32>
        %parallel_loop3A_493 = arith.index_cast %parallel_loop3A_402 : i32 to index
        %parallel_loop3A_494 = arith.constant 48 : index
        %parallel_loop3A_495 = tpu.vector_load %arg25[%parallel_loop3A_493, %parallel_loop3A_494] {strides = array<i32>} : memref<48x128xf32, #tpu.memory_space<vmem>>, vector<1x16xf32>,
        %parallel_loop3A_496 = vector.shape_cast %parallel_loop3A_495 : vector<1x16xf32> to vector<16xf32>
        %parallel_loop3A_497 = arith.mulf %parallel_loop3A_496, %parallel_loop3A_492 : vector<16xf32>
        %parallel_loop3A_498 = arith.index_cast %parallel_loop3A_402 : i32 to index
        %parallel_loop3A_499 = arith.constant 48 : index
        %parallel_loop3A_500 = tpu.vector_load %arg25[%parallel_loop3A_498, %parallel_loop3A_499] {strides = array<i32>} : memref<48x128xf32, #tpu.memory_space<vmem>>, vector<1x16xf32>,
        %parallel_loop3A_501 = vector.shape_cast %parallel_loop3A_500 : vector<1x16xf32> to vector<16xf32>
        %parallel_loop3A_502 = vector.shape_cast %parallel_loop3A_497 : vector<16xf32> to vector<1x16xf32>
        tpu.vector_store %arg25[%parallel_loop3A_498, %parallel_loop3A_499], %parallel_loop3A_502 {strides = array<i32>} : memref<48x128xf32, #tpu.memory_space<vmem>>, vector<1x16xf32>,
        %parallel_loop3A_503 = arith.mulf %parallel_loop3A_492, %parallel_loop3A_432 : vector<16xf32>
        %parallel_loop3A_504 = arith.index_cast %parallel_loop3A_402 : i32 to index
        %parallel_loop3A_505 = arith.constant 48 : index
        %parallel_loop3A_506 = tpu.vector_load %arg21[%parallel_loop3A_504, %parallel_loop3A_505] {strides = array<i32>} : memref<48x128xf32, #tpu.memory_space<vmem>>, vector<1x16xf32>,
        %parallel_loop3A_507 = vector.shape_cast %parallel_loop3A_506 : vector<1x16xf32> to vector<16xf32>
        %parallel_loop3A_508 = vector.shape_cast %parallel_loop3A_503 : vector<16xf32> to vector<1x16xf32>
        tpu.vector_store %arg21[%parallel_loop3A_504, %parallel_loop3A_505], %parallel_loop3A_508 {strides = array<i32>} : memref<48x128xf32, #tpu.memory_space<vmem>>, vector<1x16xf32>,
        %parallel_loop3A_509 = vector.shape_cast %broadcast_in_dim3A_54 : vector<16xi32> to vector<16x1xi32>
        %parallel_loop3A_510 = vector.shape_cast %parallel_loop3A_509 : vector<16x1xi32> to vector<16xi32>
        %parallel_loop3A_511 = tpu.dynamic_gather %parallel_loop3A_428[%parallel_loop3A_510] in [0] : vector<16xf32>, vector<16xi32> -> vector<16xf32>
        %parallel_loop3A_512 = arith.index_cast %parallel_loop3A_402 : i32 to index
        %parallel_loop3A_513 = arith.constant 64 : index
        %parallel_loop3A_514 = tpu.vector_load %arg25[%parallel_loop3A_512, %parallel_loop3A_513] {strides = array<i32>} : memref<48x128xf32, #tpu.memory_space<vmem>>, vector<1x16xf32>,
        %parallel_loop3A_515 = vector.shape_cast %parallel_loop3A_514 : vector<1x16xf32> to vector<16xf32>
        %parallel_loop3A_516 = arith.mulf %parallel_loop3A_515, %parallel_loop3A_511 : vector<16xf32>
        %parallel_loop3A_517 = arith.index_cast %parallel_loop3A_402 : i32 to index
        %parallel_loop3A_518 = arith.constant 64 : index
        %parallel_loop3A_519 = tpu.vector_load %arg25[%parallel_loop3A_517, %parallel_loop3A_518] {strides = array<i32>} : memref<48x128xf32, #tpu.memory_space<vmem>>, vector<1x16xf32>,
        %parallel_loop3A_520 = vector.shape_cast %parallel_loop3A_519 : vector<1x16xf32> to vector<16xf32>
        %parallel_loop3A_521 = vector.shape_cast %parallel_loop3A_516 : vector<16xf32> to vector<1x16xf32>
        tpu.vector_store %arg25[%parallel_loop3A_517, %parallel_loop3A_518], %parallel_loop3A_521 {strides = array<i32>} : memref<48x128xf32, #tpu.memory_space<vmem>>, vector<1x16xf32>,
        %parallel_loop3A_522 = arith.mulf %parallel_loop3A_511, %parallel_loop3A_432 : vector<16xf32>
        %parallel_loop3A_523 = arith.index_cast %parallel_loop3A_402 : i32 to index
        %parallel_loop3A_524 = arith.constant 64 : index
        %parallel_loop3A_525 = tpu.vector_load %arg21[%parallel_loop3A_523, %parallel_loop3A_524] {strides = array<i32>} : memref<48x128xf32, #tpu.memory_space<vmem>>, vector<1x16xf32>,
        %parallel_loop3A_526 = vector.shape_cast %parallel_loop3A_525 : vector<1x16xf32> to vector<16xf32>
        %parallel_loop3A_527 = vector.shape_cast %parallel_loop3A_522 : vector<16xf32> to vector<1x16xf32>
        tpu.vector_store %arg21[%parallel_loop3A_523, %parallel_loop3A_524], %parallel_loop3A_527 {strides = array<i32>} : memref<48x128xf32, #tpu.memory_space<vmem>>, vector<1x16xf32>,
        %parallel_loop3A_528 = vector.shape_cast %broadcast_in_dim3A_56 : vector<16xi32> to vector<16x1xi32>
        %parallel_loop3A_529 = vector.shape_cast %parallel_loop3A_528 : vector<16x1xi32> to vector<16xi32>
        %parallel_loop3A_530 = tpu.dynamic_gather %parallel_loop3A_428[%parallel_loop3A_529] in [0] : vector<16xf32>, vector<16xi32> -> vector<16xf32>
        %parallel_loop3A_531 = arith.index_cast %parallel_loop3A_402 : i32 to index
        %parallel_loop3A_532 = arith.constant 80 : index
        %parallel_loop3A_533 = tpu.vector_load %arg25[%parallel_loop3A_531, %parallel_loop3A_532] {strides = array<i32>} : memref<48x128xf32, #tpu.memory_space<vmem>>, vector<1x16xf32>,
        %parallel_loop3A_534 = vector.shape_cast %parallel_loop3A_533 : vector<1x16xf32> to vector<16xf32>
        %parallel_loop3A_535 = arith.mulf %parallel_loop3A_534, %parallel_loop3A_530 : vector<16xf32>
        %parallel_loop3A_536 = arith.index_cast %parallel_loop3A_402 : i32 to index
        %parallel_loop3A_537 = arith.constant 80 : index
        %parallel_loop3A_538 = tpu.vector_load %arg25[%parallel_loop3A_536, %parallel_loop3A_537] {strides = array<i32>} : memref<48x128xf32, #tpu.memory_space<vmem>>, vector<1x16xf32>,
        %parallel_loop3A_539 = vector.shape_cast %parallel_loop3A_538 : vector<1x16xf32> to vector<16xf32>
        %parallel_loop3A_540 = vector.shape_cast %parallel_loop3A_535 : vector<16xf32> to vector<1x16xf32>
        tpu.vector_store %arg25[%parallel_loop3A_536, %parallel_loop3A_537], %parallel_loop3A_540 {strides = array<i32>} : memref<48x128xf32, #tpu.memory_space<vmem>>, vector<1x16xf32>,
        %parallel_loop3A_541 = arith.mulf %parallel_loop3A_530, %parallel_loop3A_432 : vector<16xf32>
        %parallel_loop3A_542 = arith.index_cast %parallel_loop3A_402 : i32 to index
        %parallel_loop3A_543 = arith.constant 80 : index
        %parallel_loop3A_544 = tpu.vector_load %arg21[%parallel_loop3A_542, %parallel_loop3A_543] {strides = array<i32>} : memref<48x128xf32, #tpu.memory_space<vmem>>, vector<1x16xf32>,
        %parallel_loop3A_545 = vector.shape_cast %parallel_loop3A_544 : vector<1x16xf32> to vector<16xf32>
        %parallel_loop3A_546 = vector.shape_cast %parallel_loop3A_541 : vector<16xf32> to vector<1x16xf32>
        tpu.vector_store %arg21[%parallel_loop3A_542, %parallel_loop3A_543], %parallel_loop3A_546 {strides = array<i32>} : memref<48x128xf32, #tpu.memory_space<vmem>>, vector<1x16xf32>,
        %parallel_loop3A_547 = vector.shape_cast %broadcast_in_dim3A_58 : vector<16xi32> to vector<16x1xi32>
        %parallel_loop3A_548 = vector.shape_cast %parallel_loop3A_547 : vector<16x1xi32> to vector<16xi32>
        %parallel_loop3A_549 = tpu.dynamic_gather %parallel_loop3A_428[%parallel_loop3A_548] in [0] : vector<16xf32>, vector<16xi32> -> vector<16xf32>
        %parallel_loop3A_550 = arith.index_cast %parallel_loop3A_402 : i32 to index
        %parallel_loop3A_551 = arith.constant 96 : index
        %parallel_loop3A_552 = tpu.vector_load %arg25[%parallel_loop3A_550, %parallel_loop3A_551] {strides = array<i32>} : memref<48x128xf32, #tpu.memory_space<vmem>>, vector<1x16xf32>,
        %parallel_loop3A_553 = vector.shape_cast %parallel_loop3A_552 : vector<1x16xf32> to vector<16xf32>
        %parallel_loop3A_554 = arith.mulf %parallel_loop3A_553, %parallel_loop3A_549 : vector<16xf32>
        %parallel_loop3A_555 = arith.index_cast %parallel_loop3A_402 : i32 to index
        %parallel_loop3A_556 = arith.constant 96 : index
        %parallel_loop3A_557 = tpu.vector_load %arg25[%parallel_loop3A_555, %parallel_loop3A_556] {strides = array<i32>} : memref<48x128xf32, #tpu.memory_space<vmem>>, vector<1x16xf32>,
        %parallel_loop3A_558 = vector.shape_cast %parallel_loop3A_557 : vector<1x16xf32> to vector<16xf32>
        %parallel_loop3A_559 = vector.shape_cast %parallel_loop3A_554 : vector<16xf32> to vector<1x16xf32>
        tpu.vector_store %arg25[%parallel_loop3A_555, %parallel_loop3A_556], %parallel_loop3A_559 {strides = array<i32>} : memref<48x128xf32, #tpu.memory_space<vmem>>, vector<1x16xf32>,
        %parallel_loop3A_560 = arith.mulf %parallel_loop3A_549, %parallel_loop3A_432 : vector<16xf32>
        %parallel_loop3A_561 = arith.index_cast %parallel_loop3A_402 : i32 to index
        %parallel_loop3A_562 = arith.constant 96 : index
        %parallel_loop3A_563 = tpu.vector_load %arg21[%parallel_loop3A_561, %parallel_loop3A_562] {strides = array<i32>} : memref<48x128xf32, #tpu.memory_space<vmem>>, vector<1x16xf32>,
        %parallel_loop3A_564 = vector.shape_cast %parallel_loop3A_563 : vector<1x16xf32> to vector<16xf32>
        %parallel_loop3A_565 = vector.shape_cast %parallel_loop3A_560 : vector<16xf32> to vector<1x16xf32>
        tpu.vector_store %arg21[%parallel_loop3A_561, %parallel_loop3A_562], %parallel_loop3A_565 {strides = array<i32>} : memref<48x128xf32, #tpu.memory_space<vmem>>, vector<1x16xf32>,
        %parallel_loop3A_566 = vector.shape_cast %broadcast_in_dim3A_60 : vector<16xi32> to vector<16x1xi32>
        %parallel_loop3A_567 = vector.shape_cast %parallel_loop3A_566 : vector<16x1xi32> to vector<16xi32>
        %parallel_loop3A_568 = tpu.dynamic_gather %parallel_loop3A_428[%parallel_loop3A_567] in [0] : vector<16xf32>, vector<16xi32> -> vector<16xf32>
        %parallel_loop3A_569 = arith.index_cast %parallel_loop3A_402 : i32 to index
        %parallel_loop3A_570 = arith.constant 112 : index
        %parallel_loop3A_571 = tpu.vector_load %arg25[%parallel_loop3A_569, %parallel_loop3A_570] {strides = array<i32>} : memref<48x128xf32, #tpu.memory_space<vmem>>, vector<1x16xf32>,
        %parallel_loop3A_572 = vector.shape_cast %parallel_loop3A_571 : vector<1x16xf32> to vector<16xf32>
        %parallel_loop3A_573 = arith.mulf %parallel_loop3A_572, %parallel_loop3A_568 : vector<16xf32>
        %parallel_loop3A_574 = arith.index_cast %parallel_loop3A_402 : i32 to index
        %parallel_loop3A_575 = arith.constant 112 : index
        %parallel_loop3A_576 = tpu.vector_load %arg25[%parallel_loop3A_574, %parallel_loop3A_575] {strides = array<i32>} : memref<48x128xf32, #tpu.memory_space<vmem>>, vector<1x16xf32>,
        %parallel_loop3A_577 = vector.shape_cast %parallel_loop3A_576 : vector<1x16xf32> to vector<16xf32>
        %parallel_loop3A_578 = vector.shape_cast %parallel_loop3A_573 : vector<16xf32> to vector<1x16xf32>
        tpu.vector_store %arg25[%parallel_loop3A_574, %parallel_loop3A_575], %parallel_loop3A_578 {strides = array<i32>} : memref<48x128xf32, #tpu.memory_space<vmem>>, vector<1x16xf32>,
        %parallel_loop3A_579 = arith.mulf %parallel_loop3A_568, %parallel_loop3A_432 : vector<16xf32>
        %parallel_loop3A_580 = arith.index_cast %parallel_loop3A_402 : i32 to index
        %parallel_loop3A_581 = arith.constant 112 : index
        %parallel_loop3A_582 = tpu.vector_load %arg21[%parallel_loop3A_580, %parallel_loop3A_581] {strides = array<i32>} : memref<48x128xf32, #tpu.memory_space<vmem>>, vector<1x16xf32>,
        %parallel_loop3A_583 = vector.shape_cast %parallel_loop3A_582 : vector<1x16xf32> to vector<16xf32>
        %parallel_loop3A_584 = vector.shape_cast %parallel_loop3A_579 : vector<16xf32> to vector<1x16xf32>
        tpu.vector_store %arg21[%parallel_loop3A_580, %parallel_loop3A_581], %parallel_loop3A_584 {strides = array<i32>} : memref<48x128xf32, #tpu.memory_space<vmem>>, vector<1x16xf32>,
      } {sc.loop_unroll_factor = 8 : i64, sc.parallel_access}
      %dma_start3A_396 = arith.constant 0 : i32
      %dma_start3A_397 = arith.constant 0 : i32
      %dma_start3A_398 = tpu.memref_slice %arg26[%dma_start3A_396, %dma_start3A_397] : memref<10112x128xf32, #tpu.memory_space<vmem_shared>> -> memref<10112x128xf32, #tpu.memory_space<vmem_shared>>
      tpu.enqueue_indirect_dma source(%arg25 : memref<48x128xf32, #tpu.memory_space<vmem>>) target(%dma_start3A_398 : memref<10112x128xf32, #tpu.memory_space<vmem_shared>>) offsets(%arg13 : memref<48xi32, #tpu.memory_space<vmem>>) semaphore(%arg36 : memref<!tpu.dma_semaphore, #tpu.memory_space<semaphore_mem>>) {add = true}
      %dma_start3A_399 = arith.constant 0 : i32
      %dma_start3A_400 = arith.constant 0 : i32
      %dma_start3A_401 = tpu.memref_slice %arg27[%dma_start3A_399, %dma_start3A_400] : memref<1280x128xf32, #tpu.memory_space<vmem_shared>> -> memref<1280x128xf32, #tpu.memory_space<vmem_shared>>
      tpu.enqueue_indirect_dma source(%arg21 : memref<48x128xf32, #tpu.memory_space<vmem>>) target(%dma_start3A_401 : memref<1280x128xf32, #tpu.memory_space<vmem_shared>>) offsets(%arg19 : memref<48xi32, #tpu.memory_space<vmem>>) semaphore(%arg37 : memref<!tpu.dma_semaphore, #tpu.memory_space<semaphore_mem>>) {add = true}
    }
    %scan3A_196 = arith.constant 105 : i32
    %dma_wait3A = arith.constant 0 : i32
    %dma_wait3A_197 = arith.constant 0 : i32
    %dma_wait3A_198 = tpu.memref_slice %arg26[%dma_wait3A, %dma_wait3A_197] : memref<10112x128xf32, #tpu.memory_space<vmem_shared>> -> memref<10112x128xf32, #tpu.memory_space<vmem_shared>>
    tpu.wait_indirect_dma semaphore(%arg34 : memref<!tpu.dma_semaphore, #tpu.memory_space<semaphore_mem>>) src(%arg24 : memref<48x128xf32, #tpu.memory_space<vmem>>) dst(%dma_wait3A_198 : memref<10112x128xf32, #tpu.memory_space<vmem_shared>>)
    %dma_wait3A_199 = arith.constant 0 : i32
    %dma_wait3A_200 = arith.constant 0 : i32
    %dma_wait3A_201 = tpu.memref_slice %arg27[%dma_wait3A_199, %dma_wait3A_200] : memref<1280x128xf32, #tpu.memory_space<vmem_shared>> -> memref<1280x128xf32, #tpu.memory_space<vmem_shared>>
    tpu.wait_indirect_dma semaphore(%arg35 : memref<!tpu.dma_semaphore, #tpu.memory_space<semaphore_mem>>) src(%arg20 : memref<48x128xf32, #tpu.memory_space<vmem>>) dst(%dma_wait3A_201 : memref<1280x128xf32, #tpu.memory_space<vmem_shared>>)
    %dma_wait3A_202 = arith.constant 0 : i32
    %dma_wait3A_203 = arith.constant 0 : i32
    %dma_wait3A_204 = tpu.memref_slice %arg26[%dma_wait3A_202, %dma_wait3A_203] : memref<10112x128xf32, #tpu.memory_space<vmem_shared>> -> memref<10112x128xf32, #tpu.memory_space<vmem_shared>>
    tpu.wait_indirect_dma semaphore(%arg36 : memref<!tpu.dma_semaphore, #tpu.memory_space<semaphore_mem>>) src(%arg25 : memref<48x128xf32, #tpu.memory_space<vmem>>) dst(%dma_wait3A_204 : memref<10112x128xf32, #tpu.memory_space<vmem_shared>>)
    %dma_wait3A_205 = arith.constant 0 : i32
    %dma_wait3A_206 = arith.constant 0 : i32
    %dma_wait3A_207 = tpu.memref_slice %arg27[%dma_wait3A_205, %dma_wait3A_206] : memref<1280x128xf32, #tpu.memory_space<vmem_shared>> -> memref<1280x128xf32, #tpu.memory_space<vmem_shared>>
    tpu.wait_indirect_dma semaphore(%arg37 : memref<!tpu.dma_semaphore, #tpu.memory_space<semaphore_mem>>) src(%arg21 : memref<48x128xf32, #tpu.memory_space<vmem>>) dst(%dma_wait3A_207 : memref<1280x128xf32, #tpu.memory_space<vmem_shared>>)
    %barrier3A_208 = arith.constant 0 : index
    tpu.barrier barrier_id(%barrier3A_208)
    "tpu.region"() ({
      %run_scoped3A = tpu.sem_alloc : memref<!tpu.dma_semaphore, #tpu.memory_space<semaphore_mem>>
      %dma_start3A_209 = arith.constant 0 : i32
      %dma_start3A_210 = tpu.memref_slice %arg6[%arg0, %mul3A_6, %dma_start3A_209] : memref<2x10112x128xf32, #tpu.memory_space<hbm>> -> memref<1x632x128xf32, #tpu.memory_space<hbm>>
      %dma_start3A_211 = tpu.memref_squeeze %dma_start3A_210 : memref<1x632x128xf32, #tpu.memory_space<hbm>> -> memref<632x128xf32, #tpu.memory_space<hbm>>
      %dma_start3A_212 = arith.constant 0 : i32
      %dma_start3A_213 = tpu.memref_slice %arg26[%mul3A_6, %dma_start3A_212] : memref<10112x128xf32, #tpu.memory_space<vmem_shared>> -> memref<632x128xf32, #tpu.memory_space<vmem_shared>>
      tpu.enqueue_dma source(%dma_start3A_213 : memref<632x128xf32, #tpu.memory_space<vmem_shared>>) target(%dma_start3A_211 : memref<632x128xf32, #tpu.memory_space<hbm>>) target_semaphore(%run_scoped3A : memref<!tpu.dma_semaphore, #tpu.memory_space<semaphore_mem>>)
      %dma_wait3A_214 = arith.constant 0 : i32
      %dma_wait3A_215 = tpu.memref_slice %arg6[%arg0, %mul3A_6, %dma_wait3A_214] : memref<2x10112x128xf32, #tpu.memory_space<hbm>> -> memref<1x632x128xf32, #tpu.memory_space<hbm>>
      %dma_wait3A_216 = tpu.memref_squeeze %dma_wait3A_215 : memref<1x632x128xf32, #tpu.memory_space<hbm>> -> memref<632x128xf32, #tpu.memory_space<hbm>>
      %dma_wait3A_217 = arith.constant 0 : i32
      %dma_wait3A_218 = tpu.memref_slice %arg26[%mul3A_6, %dma_wait3A_217] : memref<10112x128xf32, #tpu.memory_space<vmem_shared>> -> memref<632x128xf32, #tpu.memory_space<vmem_shared>>
      tpu.wait_dma2 semaphore(%run_scoped3A : memref<!tpu.dma_semaphore, #tpu.memory_space<semaphore_mem>>) src(%dma_wait3A_218 : memref<632x128xf32, #tpu.memory_space<vmem_shared>>) dst(%dma_wait3A_216 : memref<632x128xf32, #tpu.memory_space<hbm>>)
      tpu.yield
    }) : () -> ()
    "tpu.region"() ({
      %run_scoped3A = tpu.sem_alloc : memref<!tpu.dma_semaphore, #tpu.memory_space<semaphore_mem>>
      %dma_start3A_209 = arith.constant 0 : i32
      %dma_start3A_210 = tpu.memref_slice %arg7[%arg0, %mul3A_37, %dma_start3A_209] : memref<2x1280x128xf32, #tpu.memory_space<hbm>> -> memref<1x80x128xf32, #tpu.memory_space<hbm>>
      %dma_start3A_211 = tpu.memref_squeeze %dma_start3A_210 : memref<1x80x128xf32, #tpu.memory_space<hbm>> -> memref<80x128xf32, #tpu.memory_space<hbm>>
      %dma_start3A_212 = arith.constant 0 : i32
      %dma_start3A_213 = tpu.memref_slice %arg27[%mul3A_37, %dma_start3A_212] : memref<1280x128xf32, #tpu.memory_space<vmem_shared>> -> memref<80x128xf32, #tpu.memory_space<vmem_shared>>
      tpu.enqueue_dma source(%dma_start3A_213 : memref<80x128xf32, #tpu.memory_space<vmem_shared>>) target(%dma_start3A_211 : memref<80x128xf32, #tpu.memory_space<hbm>>) target_semaphore(%run_scoped3A : memref<!tpu.dma_semaphore, #tpu.memory_space<semaphore_mem>>)
      %dma_wait3A_214 = arith.constant 0 : i32
      %dma_wait3A_215 = tpu.memref_slice %arg7[%arg0, %mul3A_37, %dma_wait3A_214] : memref<2x1280x128xf32, #tpu.memory_space<hbm>> -> memref<1x80x128xf32, #tpu.memory_space<hbm>>
      %dma_wait3A_216 = tpu.memref_squeeze %dma_wait3A_215 : memref<1x80x128xf32, #tpu.memory_space<hbm>> -> memref<80x128xf32, #tpu.memory_space<hbm>>
      %dma_wait3A_217 = arith.constant 0 : i32
      %dma_wait3A_218 = tpu.memref_slice %arg27[%mul3A_37, %dma_wait3A_217] : memref<1280x128xf32, #tpu.memory_space<vmem_shared>> -> memref<80x128xf32, #tpu.memory_space<vmem_shared>>
      tpu.wait_dma2 semaphore(%run_scoped3A : memref<!tpu.dma_semaphore, #tpu.memory_space<semaphore_mem>>) src(%dma_wait3A_218 : memref<80x128xf32, #tpu.memory_space<vmem_shared>>) dst(%dma_wait3A_216 : memref<80x128xf32, #tpu.memory_space<hbm>>)
      tpu.yield
    }) : () -> ()
    return
  }
}

module attributes {stable_mosaic.version = 14 : i64} {
  func.func @_proj_body(%arg0: i32, %arg1: memref<1000x128xf32, #tpu.memory_space<vmem>>, %arg2: memref<128x128xf32, #tpu.memory_space<vmem>>, %arg3: memref<128x16xf32, #tpu.memory_space<vmem>>, %arg4: memref<128x16xf32, #tpu.memory_space<vmem>>, %arg5: memref<1000x128xf32, #tpu.memory_space<vmem>>, %arg6: memref<1000x16xf32, #tpu.memory_space<vmem>>, %arg7: memref<1000x16xf32, #tpu.memory_space<vmem>>) attributes {dimension_semantics = [#tpu.dimension_semantics<arbitrary>], iteration_bounds = array<i64: 10>, scalar_prefetch = 0 : i64, scratch_operands = 0 : i64, tpu.core_type = #tpu.core_type<tc>, window_params = [{transform_indices = @transform_0, window_bounds = array<i64: 1000, 128>}, {pipeline_mode = #tpu.pipeline_mode<synchronous>, transform_indices = @transform_1, window_bounds = array<i64: 128, 128>}, {pipeline_mode = #tpu.pipeline_mode<synchronous>, transform_indices = @transform_2, window_bounds = array<i64: 128, 16>}, {pipeline_mode = #tpu.pipeline_mode<synchronous>, transform_indices = @transform_3, window_bounds = array<i64: 128, 16>}, {transform_indices = @transform_4, window_bounds = array<i64: 1000, 128>}, {transform_indices = @transform_5, window_bounds = array<i64: 1000, 16>}, {transform_indices = @transform_6, window_bounds = array<i64: 1000, 16>}]} {
    %get3A = arith.constant 0 : index
    %get3A_0 = arith.constant 0 : index
    %get3A_1 = vector.load %arg1[%get3A, %get3A_0] : memref<1000x128xf32, #tpu.memory_space<vmem>>, vector<1000x128xf32>
    %get3A_2 = arith.constant 0 : index
    %get3A_3 = arith.constant 0 : index
    %get3A_4 = vector.load %arg2[%get3A_2, %get3A_3] : memref<128x128xf32, #tpu.memory_space<vmem>>, vector<128x128xf32>
    %dot_general3A = arith.constant dense<0.000000e+00> : vector<1000x128xf32>
    %dot_general3A_5 = tpu.matmul %get3A_1, %get3A_4, %dot_general3A {dimension_numbers = #tpu.dot_dimension_numbers<[1], [0], [0], [1], [0, 0, 1, 1], [], []>, transpose_lhs_hint = false} : vector<1000x128xf32>, vector<128x128xf32>, vector<1000x128xf32> -> vector<1000x128xf32>
    %swap3A = arith.constant 0 : index
    %swap3A_6 = arith.constant 0 : index
    %swap3A_7 = vector.load %arg5[%swap3A, %swap3A_6] : memref<1000x128xf32, #tpu.memory_space<vmem>>, vector<1000x128xf32>
    tpu.vector_store %arg5[%swap3A, %swap3A_6], %dot_general3A_5 {strides = array<i32>} : memref<1000x128xf32, #tpu.memory_space<vmem>>, vector<1000x128xf32>,
    %get3A_8 = arith.constant 0 : index
    %get3A_9 = arith.constant 0 : index
    %get3A_10 = vector.load %arg3[%get3A_8, %get3A_9] : memref<128x16xf32, #tpu.memory_space<vmem>>, vector<128x16xf32>
    %dot_general3A_11 = arith.constant dense<0.000000e+00> : vector<1000x16xf32>
    %dot_general3A_12 = tpu.matmul %dot_general3A_5, %get3A_10, %dot_general3A_11 {dimension_numbers = #tpu.dot_dimension_numbers<[1], [0], [0], [1], [0, 0, 1, 1], [], []>, transpose_lhs_hint = false} : vector<1000x128xf32>, vector<128x16xf32>, vector<1000x16xf32> -> vector<1000x16xf32>
    %swap3A_13 = arith.constant 0 : index
    %swap3A_14 = arith.constant 0 : index
    %swap3A_15 = vector.load %arg6[%swap3A_13, %swap3A_14] : memref<1000x16xf32, #tpu.memory_space<vmem>>, vector<1000x16xf32>
    tpu.vector_store %arg6[%swap3A_13, %swap3A_14], %dot_general3A_12 {strides = array<i32>} : memref<1000x16xf32, #tpu.memory_space<vmem>>, vector<1000x16xf32>,
    %get3A_16 = arith.constant 0 : index
    %get3A_17 = arith.constant 0 : index
    %get3A_18 = vector.load %arg4[%get3A_16, %get3A_17] : memref<128x16xf32, #tpu.memory_space<vmem>>, vector<128x16xf32>
    %dot_general3A_19 = arith.constant dense<0.000000e+00> : vector<1000x16xf32>
    %dot_general3A_20 = tpu.matmul %get3A_1, %get3A_18, %dot_general3A_19 {dimension_numbers = #tpu.dot_dimension_numbers<[1], [0], [0], [1], [0, 0, 1, 1], [], []>, transpose_lhs_hint = false} : vector<1000x128xf32>, vector<128x16xf32>, vector<1000x16xf32> -> vector<1000x16xf32>
    %swap3A_21 = arith.constant 0 : index
    %swap3A_22 = arith.constant 0 : index
    %swap3A_23 = vector.load %arg7[%swap3A_21, %swap3A_22] : memref<1000x16xf32, #tpu.memory_space<vmem>>, vector<1000x16xf32>
    tpu.vector_store %arg7[%swap3A_21, %swap3A_22], %dot_general3A_20 {strides = array<i32>} : memref<1000x16xf32, #tpu.memory_space<vmem>>, vector<1000x16xf32>,
    return
  }
  func.func @transform_0(%arg0: i32) -> (i32, i32) {
    %c0_i32 = arith.constant 0 : i32
    %c0_i32_0 = arith.constant 0 : i32
    return %arg0, %c0_i32 : i32, i32
  }
  func.func @transform_1(%arg0: i32) -> (i32, i32) {
    %c0_i32 = arith.constant 0 : i32
    %c0_i32_0 = arith.constant 0 : i32
    %c0_i32_1 = arith.constant 0 : i32
    return %c0_i32, %c0_i32_0 : i32, i32
  }
  func.func @transform_2(%arg0: i32) -> (i32, i32) {
    %c0_i32 = arith.constant 0 : i32
    %c0_i32_0 = arith.constant 0 : i32
    %c0_i32_1 = arith.constant 0 : i32
    return %c0_i32, %c0_i32_0 : i32, i32
  }
  func.func @transform_3(%arg0: i32) -> (i32, i32) {
    %c0_i32 = arith.constant 0 : i32
    %c0_i32_0 = arith.constant 0 : i32
    %c0_i32_1 = arith.constant 0 : i32
    return %c0_i32, %c0_i32_0 : i32, i32
  }
  func.func @transform_4(%arg0: i32) -> (i32, i32) {
    %c0_i32 = arith.constant 0 : i32
    %c0_i32_0 = arith.constant 0 : i32
    return %arg0, %c0_i32 : i32, i32
  }
  func.func @transform_5(%arg0: i32) -> (i32, i32) {
    %c0_i32 = arith.constant 0 : i32
    %c0_i32_0 = arith.constant 0 : i32
    return %arg0, %c0_i32 : i32, i32
  }
  func.func @transform_6(%arg0: i32) -> (i32, i32) {
    %c0_i32 = arith.constant 0 : i32
    %c0_i32_0 = arith.constant 0 : i32
    return %arg0, %c0_i32 : i32, i32
  }
}

module attributes {stable_mosaic.version = 14 : i64} {
  func.func @_final_body(%arg0: i32, %arg1: memref<400x128xf32, #tpu.memory_space<vmem>>, %arg2: memref<400x128xf32, #tpu.memory_space<vmem>>, %arg3: memref<400x16xf32, #tpu.memory_space<vmem>>, %arg4: memref<400x16xf32, #tpu.memory_space<vmem>>, %arg5: memref<2x400x128xf32, #tpu.memory_space<vmem>>, %arg6: memref<400x8xf32, #tpu.memory_space<vmem>>, %arg7: memref<8x128xf32, #tpu.memory_space<vmem>>, %arg8: memref<1x128xf32, #tpu.memory_space<vmem>>, %arg9: memref<1x128xf32, #tpu.memory_space<vmem>>, %arg10: memref<1x128xf32, #tpu.memory_space<vmem>>, %arg11: memref<1x128xf32, #tpu.memory_space<vmem>>, %arg12: memref<1x128xf32, #tpu.memory_space<vmem>>, %arg13: memref<128x512xf32, #tpu.memory_space<vmem>>, %arg14: memref<1x512xf32, #tpu.memory_space<vmem>>, %arg15: memref<512x128xf32, #tpu.memory_space<vmem>>, %arg16: memref<1x128xf32, #tpu.memory_space<vmem>>, %arg17: memref<400x128xf32, #tpu.memory_space<vmem>>) attributes {dimension_semantics = [#tpu.dimension_semantics<arbitrary>], iteration_bounds = array<i64: 25>, scalar_prefetch = 0 : i64, scratch_operands = 0 : i64, tpu.core_type = #tpu.core_type<tc>, window_params = [{transform_indices = @transform_0, window_bounds = array<i64: 400, 128>}, {transform_indices = @transform_1, window_bounds = array<i64: 400, 128>}, {transform_indices = @transform_2, window_bounds = array<i64: 400, 16>}, {transform_indices = @transform_3, window_bounds = array<i64: 400, 16>}, {transform_indices = @transform_4, window_bounds = array<i64: 2, 400, 128>}, {transform_indices = @transform_5, window_bounds = array<i64: 400, 8>}, {pipeline_mode = #tpu.pipeline_mode<synchronous>, transform_indices = @transform_6, window_bounds = array<i64: 8, 128>}, {pipeline_mode = #tpu.pipeline_mode<synchronous>, transform_indices = @transform_7, window_bounds = array<i64: 1, 128>}, {pipeline_mode = #tpu.pipeline_mode<synchronous>, transform_indices = @transform_8, window_bounds = array<i64: 1, 128>}, {pipeline_mode = #tpu.pipeline_mode<synchronous>, transform_indices = @transform_9, window_bounds = array<i64: 1, 128>}, {pipeline_mode = #tpu.pipeline_mode<synchronous>, transform_indices = @transform_10, window_bounds = array<i64: 1, 128>}, {pipeline_mode = #tpu.pipeline_mode<synchronous>, transform_indices = @transform_11, window_bounds = array<i64: 1, 128>}, {pipeline_mode = #tpu.pipeline_mode<synchronous>, transform_indices = @transform_12, window_bounds = array<i64: 128, 512>}, {pipeline_mode = #tpu.pipeline_mode<synchronous>, transform_indices = @transform_13, window_bounds = array<i64: 1, 512>}, {pipeline_mode = #tpu.pipeline_mode<synchronous>, transform_indices = @transform_14, window_bounds = array<i64: 512, 128>}, {pipeline_mode = #tpu.pipeline_mode<synchronous>, transform_indices = @transform_15, window_bounds = array<i64: 1, 128>}, {transform_indices = @transform_16, window_bounds = array<i64: 400, 128>}]} {
    %get3A = arith.constant 0 : index
    %get3A_0 = arith.constant 0 : index
    %get3A_1 = arith.constant 0 : index
    %get3A_2 = vector.load %arg5[%get3A, %get3A_0, %get3A_1] : memref<2x400x128xf32, #tpu.memory_space<vmem>>, vector<1x400x128xf32>
    %get3A_3 = vector.shape_cast %get3A_2 : vector<1x400x128xf32> to vector<400x128xf32>
    %get3A_4 = arith.constant 1 : index
    %get3A_5 = arith.constant 0 : index
    %get3A_6 = arith.constant 0 : index
    %get3A_7 = vector.load %arg5[%get3A_4, %get3A_5, %get3A_6] : memref<2x400x128xf32, #tpu.memory_space<vmem>>, vector<1x400x128xf32>
    %get3A_8 = vector.shape_cast %get3A_7 : vector<1x400x128xf32> to vector<400x128xf32>
    %add3A = arith.addf %get3A_3, %get3A_8 : vector<400x128xf32>
    %get3A_9 = arith.constant 0 : index
    %get3A_10 = arith.constant 0 : index
    %get3A_11 = vector.load %arg3[%get3A_9, %get3A_10] : memref<400x16xf32, #tpu.memory_space<vmem>>, vector<400x16xf32>
    %slice3A = vector.extract_strided_slice %get3A_11 {offsets = [0, 0], sizes = [400, 8], strides = [1, 1]} : vector<400x16xf32> to vector<400x8xf32>
    %get3A_12 = arith.constant 0 : index
    %get3A_13 = arith.constant 0 : index
    %get3A_14 = vector.load %arg4[%get3A_12, %get3A_13] : memref<400x16xf32, #tpu.memory_space<vmem>>, vector<400x16xf32>
    %slice3A_15 = vector.extract_strided_slice %get3A_14 {offsets = [0, 0], sizes = [400, 8], strides = [1, 1]} : vector<400x16xf32> to vector<400x8xf32>
    %add3A_16 = arith.addf %slice3A, %slice3A_15 : vector<400x8xf32>
    %ge3A = arith.constant 0.000000e+00 : f32
    %ge3A_17 = vector.broadcast %ge3A : f32 to vector<400x8xf32>
    %ge3A_18 = arith.cmpf oge, %add3A_16, %ge3A_17 : vector<400x8xf32>
    %mul3A = arith.constant 2.000000e-01 : f32
    %mul3A_19 = vector.broadcast %mul3A : f32 to vector<400x8xf32>
    %mul3A_20 = arith.mulf %mul3A_19, %add3A_16 : vector<400x8xf32>
    %select_n3A = arith.select %ge3A_18, %add3A_16, %mul3A_20 : vector<400x8xi1>, vector<400x8xf32>
    %exp3A = math.exp %select_n3A : vector<400x8xf32>
    %get3A_21 = arith.constant 0 : index
    %get3A_22 = arith.constant 0 : index
    %get3A_23 = vector.load %arg6[%get3A_21, %get3A_22] : memref<400x8xf32, #tpu.memory_space<vmem>>, vector<400x8xf32>
    %add3A_24 = arith.addf %get3A_23, %exp3A : vector<400x8xf32>
    %get3A_25 = arith.constant 0 : index
    %get3A_26 = arith.constant 0 : index
    %get3A_27 = vector.load %arg7[%get3A_25, %get3A_26] : memref<8x128xf32, #tpu.memory_space<vmem>>, vector<8x128xf32>
    %dot_general3A = arith.constant dense<0.000000e+00> : vector<400x128xf32>
    %dot_general3A_28 = tpu.matmul %exp3A, %get3A_27, %dot_general3A {dimension_numbers = #tpu.dot_dimension_numbers<[1], [0], [0], [1], [0, 0, 1, 1], [], []>, transpose_lhs_hint = false} : vector<400x8xf32>, vector<8x128xf32>, vector<400x128xf32> -> vector<400x128xf32>
    %dot_general3A_29 = arith.constant dense<0.000000e+00> : vector<400x128xf32>
    %dot_general3A_30 = tpu.matmul %add3A_24, %get3A_27, %dot_general3A_29 {dimension_numbers = #tpu.dot_dimension_numbers<[1], [0], [0], [1], [0, 0, 1, 1], [], []>, transpose_lhs_hint = false} : vector<400x8xf32>, vector<8x128xf32>, vector<400x128xf32> -> vector<400x128xf32>
    %get3A_31 = arith.constant 0 : index
    %get3A_32 = arith.constant 0 : index
    %get3A_33 = vector.load %arg2[%get3A_31, %get3A_32] : memref<400x128xf32, #tpu.memory_space<vmem>>, vector<400x128xf32>
    %mul3A_34 = arith.mulf %get3A_33, %dot_general3A_28 : vector<400x128xf32>
    %add3A_35 = arith.addf %add3A, %mul3A_34 : vector<400x128xf32>
    %add3A_36 = arith.constant 1.000000e-16 : f32
    %add3A_37 = vector.broadcast %add3A_36 : f32 to vector<400x128xf32>
    %add3A_38 = arith.addf %dot_general3A_30, %add3A_37 : vector<400x128xf32>
    %div3A = arith.divf %add3A_35, %add3A_38 : vector<400x128xf32>
    %get3A_39 = arith.constant 0 : index
    %get3A_40 = arith.constant 0 : index
    %get3A_41 = vector.load %arg8[%get3A_39, %get3A_40] : memref<1x128xf32, #tpu.memory_space<vmem>>, vector<1x128xf32>
    %add3A_42 = vector.broadcast %get3A_41 : vector<1x128xf32> to vector<400x128xf32>
    %add3A_43 = arith.addf %div3A, %add3A_42 : vector<400x128xf32>
    %get3A_44 = arith.constant 0 : index
    %get3A_45 = arith.constant 0 : index
    %get3A_46 = vector.load %arg1[%get3A_44, %get3A_45] : memref<400x128xf32, #tpu.memory_space<vmem>>, vector<400x128xf32>
    %add3A_47 = arith.addf %add3A_43, %get3A_46 : vector<400x128xf32>
    %get3A_48 = arith.constant 0 : index
    %get3A_49 = arith.constant 0 : index
    %get3A_50 = vector.load %arg9[%get3A_48, %get3A_49] : memref<1x128xf32, #tpu.memory_space<vmem>>, vector<1x128xf32>
    %get3A_51 = arith.constant 0 : index
    %get3A_52 = arith.constant 0 : index
    %get3A_53 = vector.load %arg10[%get3A_51, %get3A_52] : memref<1x128xf32, #tpu.memory_space<vmem>>, vector<1x128xf32>
    %reduce_sum3A = arith.constant dense<0.000000e+00> : vector<400xf32>
    %reduce_sum3A_54 = vector.multi_reduction <add>, %add3A_47, %reduce_sum3A [1] : vector<400x128xf32> to vector<400xf32>
    %broadcast_in_dim3A = vector.shape_cast %reduce_sum3A_54 : vector<400xf32> to vector<400x1xf32>
    %div3A_55 = arith.constant 1.280000e+02 : f32
    %div3A_56 = vector.broadcast %div3A_55 : f32 to vector<400x1xf32>
    %div3A_57 = arith.divf %broadcast_in_dim3A, %div3A_56 : vector<400x1xf32>
    %sub3A = vector.broadcast %div3A_57 : vector<400x1xf32> to vector<400x128xf32>
    %sub3A_58 = arith.subf %add3A_47, %sub3A : vector<400x128xf32>
    %integer_pow3A = arith.mulf %sub3A_58, %sub3A_58 : vector<400x128xf32>
    %reduce_sum3A_59 = arith.constant dense<0.000000e+00> : vector<400xf32>
    %reduce_sum3A_60 = vector.multi_reduction <add>, %integer_pow3A, %reduce_sum3A_59 [1] : vector<400x128xf32> to vector<400xf32>
    %broadcast_in_dim3A_61 = vector.shape_cast %reduce_sum3A_60 : vector<400xf32> to vector<400x1xf32>
    %div3A_62 = arith.constant 1.280000e+02 : f32
    %div3A_63 = vector.broadcast %div3A_62 : f32 to vector<400x1xf32>
    %div3A_64 = arith.divf %broadcast_in_dim3A_61, %div3A_63 : vector<400x1xf32>
    %sub3A_65 = vector.broadcast %div3A_57 : vector<400x1xf32> to vector<400x128xf32>
    %sub3A_66 = arith.subf %add3A_47, %sub3A_65 : vector<400x128xf32>
    %add3A_67 = arith.constant 9.99999974E-6 : f32
    %add3A_68 = vector.broadcast %add3A_67 : f32 to vector<400x1xf32>
    %add3A_69 = arith.addf %div3A_64, %add3A_68 : vector<400x1xf32>
    %rsqrt3A = math.rsqrt %add3A_69 : vector<400x1xf32>
    %mul3A_70 = vector.broadcast %rsqrt3A : vector<400x1xf32> to vector<400x128xf32>
    %mul3A_71 = arith.mulf %sub3A_66, %mul3A_70 : vector<400x128xf32>
    %mul3A_72 = vector.broadcast %get3A_50 : vector<1x128xf32> to vector<400x128xf32>
    %mul3A_73 = arith.mulf %mul3A_71, %mul3A_72 : vector<400x128xf32>
    %add3A_74 = vector.broadcast %get3A_53 : vector<1x128xf32> to vector<400x128xf32>
    %add3A_75 = arith.addf %mul3A_73, %add3A_74 : vector<400x128xf32>
    %get3A_76 = arith.constant 0 : index
    %get3A_77 = arith.constant 0 : index
    %get3A_78 = vector.load %arg13[%get3A_76, %get3A_77] : memref<128x512xf32, #tpu.memory_space<vmem>>, vector<128x512xf32>
    %dot_general3A_79 = arith.constant dense<0.000000e+00> : vector<400x512xf32>
    %dot_general3A_80 = tpu.matmul %add3A_75, %get3A_78, %dot_general3A_79 {dimension_numbers = #tpu.dot_dimension_numbers<[1], [0], [0], [1], [0, 0, 1, 1], [], []>, transpose_lhs_hint = false} : vector<400x128xf32>, vector<128x512xf32>, vector<400x512xf32> -> vector<400x512xf32>
    %get3A_81 = arith.constant 0 : index
    %get3A_82 = arith.constant 0 : index
    %get3A_83 = vector.load %arg14[%get3A_81, %get3A_82] : memref<1x512xf32, #tpu.memory_space<vmem>>, vector<1x512xf32>
    %add3A_84 = vector.broadcast %get3A_83 : vector<1x512xf32> to vector<400x512xf32>
    %add3A_85 = arith.addf %dot_general3A_80, %add3A_84 : vector<400x512xf32>
    %mul3A_86 = arith.constant 5.000000e-01 : f32
    %mul3A_87 = vector.broadcast %mul3A_86 : f32 to vector<400x512xf32>
    %mul3A_88 = arith.mulf %mul3A_87, %add3A_85 : vector<400x512xf32>
    %mul3A_89 = arith.constant 0.707106769 : f32
    %mul3A_90 = vector.broadcast %mul3A_89 : f32 to vector<400x512xf32>
    %mul3A_91 = arith.mulf %add3A_85, %mul3A_90 : vector<400x512xf32>
    %erf3A = math.erf %mul3A_91 : vector<400x512xf32>
    %add3A_92 = arith.constant 1.000000e+00 : f32
    %add3A_93 = vector.broadcast %add3A_92 : f32 to vector<400x512xf32>
    %add3A_94 = arith.addf %add3A_93, %erf3A : vector<400x512xf32>
    %mul3A_95 = arith.mulf %mul3A_88, %add3A_94 : vector<400x512xf32>
    %get3A_96 = arith.constant 0 : index
    %get3A_97 = arith.constant 0 : index
    %get3A_98 = vector.load %arg15[%get3A_96, %get3A_97] : memref<512x128xf32, #tpu.memory_space<vmem>>, vector<512x128xf32>
    %dot_general3A_99 = arith.constant dense<0.000000e+00> : vector<400x128xf32>
    %dot_general3A_100 = tpu.matmul %mul3A_95, %get3A_98, %dot_general3A_99 {dimension_numbers = #tpu.dot_dimension_numbers<[1], [0], [0], [1], [0, 0, 1, 1], [], []>, transpose_lhs_hint = false} : vector<400x512xf32>, vector<512x128xf32>, vector<400x128xf32> -> vector<400x128xf32>
    %get3A_101 = arith.constant 0 : index
    %get3A_102 = arith.constant 0 : index
    %get3A_103 = vector.load %arg16[%get3A_101, %get3A_102] : memref<1x128xf32, #tpu.memory_space<vmem>>, vector<1x128xf32>
    %add3A_104 = vector.broadcast %get3A_103 : vector<1x128xf32> to vector<400x128xf32>
    %add3A_105 = arith.addf %dot_general3A_100, %add3A_104 : vector<400x128xf32>
    %add3A_106 = arith.addf %add3A_75, %add3A_105 : vector<400x128xf32>
    %get3A_107 = arith.constant 0 : index
    %get3A_108 = arith.constant 0 : index
    %get3A_109 = vector.load %arg11[%get3A_107, %get3A_108] : memref<1x128xf32, #tpu.memory_space<vmem>>, vector<1x128xf32>
    %get3A_110 = arith.constant 0 : index
    %get3A_111 = arith.constant 0 : index
    %get3A_112 = vector.load %arg12[%get3A_110, %get3A_111] : memref<1x128xf32, #tpu.memory_space<vmem>>, vector<1x128xf32>
    %reduce_sum3A_113 = arith.constant dense<0.000000e+00> : vector<400xf32>
    %reduce_sum3A_114 = vector.multi_reduction <add>, %add3A_106, %reduce_sum3A_113 [1] : vector<400x128xf32> to vector<400xf32>
    %broadcast_in_dim3A_115 = vector.shape_cast %reduce_sum3A_114 : vector<400xf32> to vector<400x1xf32>
    %div3A_116 = arith.constant 1.280000e+02 : f32
    %div3A_117 = vector.broadcast %div3A_116 : f32 to vector<400x1xf32>
    %div3A_118 = arith.divf %broadcast_in_dim3A_115, %div3A_117 : vector<400x1xf32>
    %sub3A_119 = vector.broadcast %div3A_118 : vector<400x1xf32> to vector<400x128xf32>
    %sub3A_120 = arith.subf %add3A_106, %sub3A_119 : vector<400x128xf32>
    %integer_pow3A_121 = arith.mulf %sub3A_120, %sub3A_120 : vector<400x128xf32>
    %reduce_sum3A_122 = arith.constant dense<0.000000e+00> : vector<400xf32>
    %reduce_sum3A_123 = vector.multi_reduction <add>, %integer_pow3A_121, %reduce_sum3A_122 [1] : vector<400x128xf32> to vector<400xf32>
    %broadcast_in_dim3A_124 = vector.shape_cast %reduce_sum3A_123 : vector<400xf32> to vector<400x1xf32>
    %div3A_125 = arith.constant 1.280000e+02 : f32
    %div3A_126 = vector.broadcast %div3A_125 : f32 to vector<400x1xf32>
    %div3A_127 = arith.divf %broadcast_in_dim3A_124, %div3A_126 : vector<400x1xf32>
    %sub3A_128 = vector.broadcast %div3A_118 : vector<400x1xf32> to vector<400x128xf32>
    %sub3A_129 = arith.subf %add3A_106, %sub3A_128 : vector<400x128xf32>
    %add3A_130 = arith.constant 9.99999974E-6 : f32
    %add3A_131 = vector.broadcast %add3A_130 : f32 to vector<400x1xf32>
    %add3A_132 = arith.addf %div3A_127, %add3A_131 : vector<400x1xf32>
    %rsqrt3A_133 = math.rsqrt %add3A_132 : vector<400x1xf32>
    %mul3A_134 = vector.broadcast %rsqrt3A_133 : vector<400x1xf32> to vector<400x128xf32>
    %mul3A_135 = arith.mulf %sub3A_129, %mul3A_134 : vector<400x128xf32>
    %mul3A_136 = vector.broadcast %get3A_109 : vector<1x128xf32> to vector<400x128xf32>
    %mul3A_137 = arith.mulf %mul3A_135, %mul3A_136 : vector<400x128xf32>
    %add3A_138 = vector.broadcast %get3A_112 : vector<1x128xf32> to vector<400x128xf32>
    %add3A_139 = arith.addf %mul3A_137, %add3A_138 : vector<400x128xf32>
    %swap3A = arith.constant 0 : index
    %swap3A_140 = arith.constant 0 : index
    %swap3A_141 = vector.load %arg17[%swap3A, %swap3A_140] : memref<400x128xf32, #tpu.memory_space<vmem>>, vector<400x128xf32>
    tpu.vector_store %arg17[%swap3A, %swap3A_140], %add3A_139 {strides = array<i32>} : memref<400x128xf32, #tpu.memory_space<vmem>>, vector<400x128xf32>,
    return
  }
  func.func @transform_0(%arg0: i32) -> (i32, i32) {
    %c0_i32 = arith.constant 0 : i32
    %c0_i32_0 = arith.constant 0 : i32
    return %arg0, %c0_i32 : i32, i32
  }
  func.func @transform_1(%arg0: i32) -> (i32, i32) {
    %c0_i32 = arith.constant 0 : i32
    %c0_i32_0 = arith.constant 0 : i32
    return %arg0, %c0_i32 : i32, i32
  }
  func.func @transform_2(%arg0: i32) -> (i32, i32) {
    %c0_i32 = arith.constant 0 : i32
    %c0_i32_0 = arith.constant 0 : i32
    return %arg0, %c0_i32 : i32, i32
  }
  func.func @transform_3(%arg0: i32) -> (i32, i32) {
    %c0_i32 = arith.constant 0 : i32
    %c0_i32_0 = arith.constant 0 : i32
    return %arg0, %c0_i32 : i32, i32
  }
  func.func @transform_4(%arg0: i32) -> (i32, i32, i32) {
    %c0_i32 = arith.constant 0 : i32
    %c0_i32_0 = arith.constant 0 : i32
    %c0_i32_1 = arith.constant 0 : i32
    return %c0_i32, %arg0, %c0_i32_0 : i32, i32, i32
  }
  func.func @transform_5(%arg0: i32) -> (i32, i32) {
    %c0_i32 = arith.constant 0 : i32
    %c0_i32_0 = arith.constant 0 : i32
    return %arg0, %c0_i32 : i32, i32
  }
  func.func @transform_6(%arg0: i32) -> (i32, i32) {
    %c0_i32 = arith.constant 0 : i32
    %c0_i32_0 = arith.constant 0 : i32
    %c0_i32_1 = arith.constant 0 : i32
    return %c0_i32, %c0_i32_0 : i32, i32
  }
  func.func @transform_7(%arg0: i32) -> (i32, i32) {
    %c0_i32 = arith.constant 0 : i32
    %c0_i32_0 = arith.constant 0 : i32
    %c0_i32_1 = arith.constant 0 : i32
    return %c0_i32, %c0_i32_0 : i32, i32
  }
  func.func @transform_8(%arg0: i32) -> (i32, i32) {
    %c0_i32 = arith.constant 0 : i32
    %c0_i32_0 = arith.constant 0 : i32
    %c0_i32_1 = arith.constant 0 : i32
    return %c0_i32, %c0_i32_0 : i32, i32
  }
  func.func @transform_9(%arg0: i32) -> (i32, i32) {
    %c0_i32 = arith.constant 0 : i32
    %c0_i32_0 = arith.constant 0 : i32
    %c0_i32_1 = arith.constant 0 : i32
    return %c0_i32, %c0_i32_0 : i32, i32
  }
  func.func @transform_10(%arg0: i32) -> (i32, i32) {
    %c0_i32 = arith.constant 0 : i32
    %c0_i32_0 = arith.constant 0 : i32
    %c0_i32_1 = arith.constant 0 : i32
    return %c0_i32, %c0_i32_0 : i32, i32
  }
  func.func @transform_11(%arg0: i32) -> (i32, i32) {
    %c0_i32 = arith.constant 0 : i32
    %c0_i32_0 = arith.constant 0 : i32
    %c0_i32_1 = arith.constant 0 : i32
    return %c0_i32, %c0_i32_0 : i32, i32
  }
  func.func @transform_12(%arg0: i32) -> (i32, i32) {
    %c0_i32 = arith.constant 0 : i32
    %c0_i32_0 = arith.constant 0 : i32
    %c0_i32_1 = arith.constant 0 : i32
    return %c0_i32, %c0_i32_0 : i32, i32
  }
  func.func @transform_13(%arg0: i32) -> (i32, i32) {
    %c0_i32 = arith.constant 0 : i32
    %c0_i32_0 = arith.constant 0 : i32
    %c0_i32_1 = arith.constant 0 : i32
    return %c0_i32, %c0_i32_0 : i32, i32
  }
  func.func @transform_14(%arg0: i32) -> (i32, i32) {
    %c0_i32 = arith.constant 0 : i32
    %c0_i32_0 = arith.constant 0 : i32
    %c0_i32_1 = arith.constant 0 : i32
    return %c0_i32, %c0_i32_0 : i32, i32
  }
  func.func @transform_15(%arg0: i32) -> (i32, i32) {
    %c0_i32 = arith.constant 0 : i32
    %c0_i32_0 = arith.constant 0 : i32
    %c0_i32_1 = arith.constant 0 : i32
    return %c0_i32, %c0_i32_0 : i32, i32
  }
  func.func @transform_16(%arg0: i32) -> (i32, i32) {
    %c0_i32 = arith.constant 0 : i32
    %c0_i32_0 = arith.constant 0 : i32
    return %arg0, %c0_i32 : i32, i32
  }
}

</mosaic_0001>

<sc_bundles>
// kernel: kernel.5.cloned.1.call-start
scs
__scs_entry_jumppad:
0x0: {  	(pc) =	sbr.rel $0x88, $3  }
0x1: {  	(tag) =	ssettag $0x0;
	lr =	simm.s32 $0x1  }
0x2: {  	[smem:$0x3F91] =	sst lr;
	_ =	strace $0xD0000000  }
0x3: {  	_ = 	snop  }
0x4: {  	_ = 	snop  }
0x5: {  	_ = 	snop  }
0x6: {  	_ = 	snop  }
0x7: {  	_ = 	snop  }
__scs_overlays_trampoline_lowered:
0x8: {  	[smem:$0x3FA0] =	sst s0  }
0x9: {  	[smem:$0x3FA1] =	sst s1  }
0xa: {  	[smem:$0x3FA2] =	sst s2  }
0xb: {  	[smem:$0x3FA3] =	sst s3  }
0xc: {  	[smem:$0x3FA4] =	sst s4  }
0xd: {  	[smem:$0x3FA5] =	sst s5  }
0xe: {  	[smem:$0x3FA6] =	sst s6  }
0xf: {  	[smem:$0x3FA7] =	sst s7  }
0x10: {  	[smem:$0x3FA8] =	sst s8  }
0x11: {  	[smem:$0x3FA9] =	sst s9;
	s0 =	simm.s32 @!p0 $0x0  }
0x12: {  	s1 =	sld [smem:$0x3F8F];
	s0 =	simm.s32 @p0 $0x1  }
0x13: {  	[smem:$0x3FAA] =	sst s0;
	s0 =	simm.s32 @!p1 $0x0  }
0x14: {  	s2 =	sld [smem:$0x3F8E];
	s0 =	simm.s32 @p1 $0x1  }
0x15: {  	[smem:$0x3FAB] =	sst s0;
	s0 =	simm.s32 @!p2 $0x0  }
0x16: {  	s3 =	sld [smem:$0x3FDB];
	s0 =	simm.s32 @p2 $0x1  }
0x17: {  	s4 =	simm.s32 $0x1BF5;
	[smem:$0x3FAD] =	sst s0  }
0x18: {  	s0 =	sld [smem:$0x3F90];
	_ =	swait.ge [sflag:s4], $0x0  }
0x19: {  	s7 =	sld [smem:$0x3F91]  }
0x1a: {  	s8 =	sadd.s32 $0xFFFFE003, lr  }
0x1b: {  	s9 =	sadd.s32 $0xFFFFFEF7, lr;
	s5 =	simm.s32 $0xFFFFFFFF;
	p2 =	slt.u32 s8, $0xFFFFF086  }
0x1c: {  	p1 =	slt.u32 s9, $0xF7A;
	s5 =	simm.s32 @!p2 $0x0  }
0x1d: {  	s5 =	simm.s32 @p1 $0x1;
	p0 =	seq.s32 s7, s2  }
0x1e: {  	s7 =	smul.u32 @!p0 $0xF7A, s2;
	p2 =	seq.s32 @!p0 s5, $0x0  }
0x1f: {  	s9 =	smul.u32 $0xF7A, s1;
	s8 =	simm.s32 @!p0 $0x1BF5;
	p2 =	por !p2, p0  }
0x20: {  	[sflag:s8] =	ssyncset.s32 @!p0 $0xFFFFF086;
	s6 =	sadd.s32 @!p0 s3, s7;
	s7 =	simm.s32 @!p0 $0x108  }
0x21: {  	s3 =	sadd.s32 s3, s9;
	s6 =	sadd.s32 @!p0 $0x88, s6;
	s7 =	simm.s32 @p2 $0x1082  }
0x22: {  	[simem:s7], [sflag:s8] =	dma.local @!p0 [hbm:s6], $0xF7A  }
0x23: {  	s9 =	sor.u32 $0xD0000000, s2;
	s6 =	simm.s32 $0x108;
	_ =	swait.ge @!p0 [sflag:s8], $0x0  }
0x24: {  	s3 =	sadd.s32 $0x88, s3;
	s6 =	simm.s32 @!p1 $0x1082;
	[sflag:s4] =	ssyncset.s32 $0xFFFFF086  }
0x25: {  	[simem:s6], [sflag:s4] =	dma.local [hbm:s3], $0xF7A  }
0x26: {  	[smem:$0x3F91] =	sst s1;
	(tag) =	ssettag s2;
	_ =	strace s9  }
0x27: {  	s1 =	sld [smem:$0x3FA1]  }
0x28: {  	s2 =	sld [smem:$0x3FA2]  }
0x29: {  	s4 =	sld [smem:$0x3FA4]  }
0x2a: {  	p0 =	seq.s32 s5, $0x0;
	s5 =	sld [smem:$0x3FA5]  }
0x2b: {  	s6 =	sld [smem:$0x3FA6]  }
0x2c: {  	s7 =	sld [smem:$0x3FA7]  }
0x2d: {  	s3 =	simm.s32 $0x108;
	s8 =	sld [smem:$0x3FA8]  }
0x2e: {  	s3 =	simm.s32 @!p0 $0x1082;
	s9 =	sld [smem:$0x3FA9]  }
0x2f: {  	lr =	sadd.s32 s0, s3;
	s0 =	sld [smem:$0x3FA0]  }
0x30: {  	s3 =	sld [smem:$0x3FA3]  }
0x31: {  	[smem:$0x3FAC] =	sst s10  }
0x32: {  	s10 =	sld [smem:$0x3FAA];
	_ =	sdelay $0x3  }
0x33: {  	p0 =	seq.s32 s10, $0x1;
	s10 =	sld [smem:$0x3FAC];
	_ =	sdelay $0x3  }
0x34: {  	[smem:$0x3FAC] =	sst s10  }
0x35: {  	s10 =	sld [smem:$0x3FAB];
	_ =	sdelay $0x3  }
0x36: {  	p1 =	seq.s32 s10, $0x1;
	s10 =	sld [smem:$0x3FAC];
	_ =	sdelay $0x3  }
0x37: {  	[smem:$0x3FAC] =	sst s10  }
0x38: {  	s10 =	sld [smem:$0x3FAD]  }
0x39: {  	_ = 	snop;
	(pc) =	sbr.ind lr, $3  }
0x3a: {  	_ = 	snop  }
0x3b: {  	_ = 	snop  }
0x3c: {  	p2 =	seq.s32 s10, $0x1;
	s10 =	sld [smem:$0x3FAC]  }
0x3d: {  	_ =	shalt  }
0x3e: {  	_ =	shalt  }
0x3f: {  	_ =	shalt  }
0x40: {  	_ =	shalt  }
0x41: {  	_ =	shalt  }
0x42: {  	_ =	shalt  }
0x43: {  	_ =	shalt  }
0x44: {  	_ =	shalt  }
0x45: {  	_ =	shalt  }
0x46: {  	_ =	shalt  }
0x47: {  	_ =	shalt  }
0x48: {  	_ =	shalt  }
0x49: {  	_ =	shalt  }
0x4a: {  	_ =	shalt  }
0x4b: {  	_ =	shalt  }
0x4c: {  	_ =	shalt  }
0x4d: {  	_ =	shalt  }
0x4e: {  	_ =	shalt  }
0x4f: {  	_ =	shalt  }
0x50: {  	_ =	shalt  }
0x51: {  	_ =	shalt  }
0x52: {  	_ =	shalt  }
0x53: {  	_ =	shalt  }
0x54: {  	_ =	shalt  }
0x55: {  	_ =	shalt  }
0x56: {  	_ =	shalt  }
0x57: {  	_ =	shalt  }
0x58: {  	_ =	shalt  }
0x59: {  	_ =	shalt  }
0x5a: {  	_ =	shalt  }
0x5b: {  	_ =	shalt  }
0x5c: {  	_ =	shalt  }
0x5d: {  	_ =	shalt  }
0x5e: {  	_ =	shalt  }
0x5f: {  	_ =	shalt  }
0x60: {  	_ =	shalt  }
0x61: {  	_ =	shalt  }
0x62: {  	_ =	shalt  }
0x63: {  	_ =	shalt  }
0x64: {  	_ =	shalt  }
0x65: {  	_ =	shalt  }
0x66: {  	_ =	shalt  }
0x67: {  	_ =	shalt  }
0x68: {  	_ =	shalt  }
0x69: {  	_ =	shalt  }
0x6a: {  	_ =	shalt  }
0x6b: {  	_ =	shalt  }
0x6c: {  	_ =	shalt  }
0x6d: {  	_ =	shalt  }
0x6e: {  	_ =	shalt  }
0x6f: {  	_ =	shalt  }
0x70: {  	_ =	shalt  }
0x71: {  	_ =	shalt  }
0x72: {  	_ =	shalt  }
0x73: {  	_ =	shalt  }
0x74: {  	_ =	shalt  }
0x75: {  	_ =	shalt  }
0x76: {  	_ =	shalt  }
0x77: {  	_ =	shalt  }
0x78: {  	_ =	shalt  }
0x79: {  	_ =	shalt  }
0x7a: {  	_ =	shalt  }
0x7b: {  	_ =	shalt  }
0x7c: {  	_ =	shalt  }
0x7d: {  	_ =	shalt  }
0x7e: {  	_ =	shalt  }
0x7f: {  	_ =	shalt  }
0x80: {  	_ =	shalt  }
0x81: {  	_ =	shalt  }
0x82: {  	_ =	shalt  }
0x83: {  	_ =	shalt  }
0x84: {  	_ =	shalt  }
0x85: {  	_ =	shalt  }
0x86: {  	_ =	shalt  }
0x87: {  	_ =	shalt  }
.Lfunc_end0:
.L_simem_size_0:
called_computation_lowered:
.L_overlay_start_0:
0x88: {  	s2 =	sld [smem:$0x3FD9]  }
0x89: {  	s3 =	sld [smem:$0x3FFE];
	_ =	sdelay $0x1  }
0x8a: {  	s1 =	srdreg.scid  }
0x8b: {  	s0 =	sand.u32 $0x1, s1  }
0x8c: {  	s17 =	sshll.u32 s0, $0xA;
	s2 =	sadd.s32 s3, s2  }
0x8d: {  	s2 =	sadd.s32 s2, s17  }
0x8e: {  	[smem:$0x3FB8] =	sst s2  }
0x8f: {  	_ = 	snop  }
0x90: {  	s2 =	sld [smem:$0x3FD0];
	(tm) =	ssettm $0x1  }
0x91: {  	s18 =	sld [smem:$0x3FFB];
	_ =	sdelay $0x3  }
0x92: {  	_ =	strace s18  }
0x93: {  	s3 =	sld [smem:$0x3FFC];
	_ =	sdelay $0x3  }
0x94: {  	_ =	strace s3  }
0x95: {  	s3 =	sld [smem:$0x3FFD];
	_ =	sdelay $0x3  }
0x96: {  	_ =	strace s3  }
0x97: {  	_ =	strace $0x8FFFFFFF  }
0x98: {  	s19 =	sld [smem:$0x3FDB];
	_ =	sdelay $0x1  }
0x99: {  	s4 =	simm.s32 $_scs_section_size  }
0x9a: {  	s5 =	simm.s32 $_size__tile_overlayer_lowered;
	s6 =	simm.s32 $_tile_overlayer_lowered  }
0x9b: {  	s22 =	simm.s32 $0x1BFF;
	s21 =	sshll.u32 s6, $0x1;
	s3 =	sadd.s32 s4, s19  }
0x9c: {  	s7 =	simm.s32 $0x0;
	s20 =	sshll.u32 s5, $0x1;
	s5 =	sadd.s32 s21, s3  }
0x9d: {  	[timem:s7], [sflag:s22] =	dma.local [hbm:s5], s20  }
0x9e: {  	_ =	swait.ge [sflag:s22], s20  }
0x9f: {  	s4 =	ssub.s32 $0x0, s20;
	[sflag:s22] =	ssyncset.done $0x0  }
0xa0: {  	[sflag:s22] =	ssyncadd.s32 s4;
	_ =	sdelay $0x1  }
0xa1: {  	s23 =	simm.s32 $0x1B8B  }
0xa2: {  	_ =	swait.ge [sflag:s23], $0x1  }
0xa3: {  	[sflag:s23] =	ssyncset.done $0x0  }
0xa4: {  	s25 =	simm.s32 $0x1B8E;
	s24 =	sld [smem:$0x3FFE];
	[sflag:s23] =	ssyncadd.s32 $0xFFFFFFFF  }
0xa5: {  	s26 =	simm.s32 $execute0_lowered;
	[smem:$0x3FD2] =	sst s25  }
0xa6: {  	s5 =	sshll.u32 s26, $0x1;
	_ =	strace $0x80000046;
	[dreg:$0x1] =	wrdreg $0xFFFFFFFF  }
0xa7: {  	s28 =	simm.s32 $_size_execute0_lowered;
	s3 =	sadd.s32 s3, s5;
	[dreg:$0x0] =	wrdreg $0x0  }
0xa8: {  	s5 =	sshll.u32 s28, $0x1;
	[dreg:$0x2] =	wrdreg s3  }
0xa9: {  	[dreg:$0x3] =	wrdreg s5  }
0xaa: {  	[dreg:$0x4] =	wrdreg $0xC0  }
0xab: {  	_ =	task [dreg:s7], $0x5FFFF  }
0xac: {  	[dreg:$0x1] =	wrdreg $0xFFFFFFFF  }
0xad: {  	[dreg:$0x0] =	wrdreg $0x60  }
0xae: {  	[dreg:$0x2] =	wrdreg s24  }
0xaf: {  	[dreg:$0x3] =	wrdreg s2  }
0xb0: {  	[dreg:$0x4] =	wrdreg $0x97000  }
0xb1: {  	[dreg:$0x5] =	wrdreg $0x1D3000  }
0xb2: {  	[dreg:$0x6] =	wrdreg $0x9  }
0xb3: {  	_ =	task.clear_ibuf [dreg:s7], $0x7FFFF;
	_ =	strace $0x90000046  }
0xb4: {  	s29 =	simm.s32 $0x9;
	_ =	strace $0x80000048  }
0xb5: {  	_ =	swait.ge [sflag:s29], $0x1  }
0xb6: {  	[sflag:s29] =	ssyncadd.s32 $0xFFFFFFFF  }
0xb7: {  	_ =	strace $0x90000048  }
0xb8: {  	_ =	sfence  }
0xb9: {  	s30 =	sld [smem:$0x0];
	_ =	sdelay $0x2  }
0xba: {  	s31 =	sshll.u32 s1, $0xD;
	s1 =	sshrl.u32 s1, $0x2  }
0xbb: {  	s3 =	sand.u32 $0x4000, s31;
	s1 =	sadd.s32 s1, s30  }
0xbc: {  	s0 =	sor.u32 s3, s0;
	s1 =	sshll.u32 s1, $0x11  }
0xbd: {  	s0 =	sor.u32 s1, s0  }
0xbe: {  	s0 =	sadd.s32 $0x8F2B, s0  }
0xbf: {  	[sflag:s0] =	ssyncadd.remote.s32 $0x1  }
0xc0: {  	_ =	sfence.sel $0xFFFF  }
0xc1: {  	[dreg:$0x0] =	wrdreg $0xFFFFFFFF;
	(pc) =	sbr.abs _section_cstart, $3  }
0xc2: {  	[dreg:$0x1] =	wrdreg $0xFFFFFFFF  }
0xc3: {  	_ =	task.clear_ibuf [dreg:s7], $0x2FFFF;
	_ =	strace $0x9FFFFFFF  }
0xc4: {  	(tm) =	ssettm $0x7FFFFFFF  }
0xc5: {  	_ =	shalt  }
tec
execute0_lowered:
.L_overlay_start_1:
0x0: {  	(tag) =	ssettag $0x1  }
0x1: {  	s1 =	rddreg [dreg:$0x0]  }
0x2: {  	s0 =	rddreg [dreg:$0x1]  }
0x3: {  	s3 =	rddreg [dreg:$0x2];
	s14 =	stileid.u32  }
0x4: {  	s2 =	srdreg.scid;
	s9 =	smul.u32 $0x13C00, s14  }
0x5: {  	s4 =	rddreg [dreg:$0x3];
	s5 =	simm.s32 $0x0;
	s11 =	smul.u32 $0x2800, s14  }
0x6: {  	s28 =	simm.s32 $0x1;
	s2 =	sand.u32 $0x1, s2;
	s16 =	smul.u32 $0x4F000, s14  }
0x7: {  	s29 =	simm.s32 $0x2;
	s13 =	sshll.u32 s14, $0x1;
	s8 =	smul.u32 $0x13C000, s2  }
0x8: {  	s10 =	smul.u32 $0x28000, s2;
	s17 =	ssub.s32 $0x2, s2;
	s2 =	sor.u32 s2, s13  }
0x9: {  	s30 =	simm.s32 $0x3;
	[smem:$0x7FF] =	sst s5;
	s31 =	smul.u32 $0xEC4, s2  }
0xa: {  	s6 =	sadd.s32 $0xED800, s1;
	s7 =	sadd.s32 $0x9F600, s1;
	s24 =	smul.u32 $0xA000, s14  }
0xb: {  	s10 =	sadd.s32 s11, s10;
	s11 =	sshrl.u32 s16, $0x2;
	s15 =	sadd.s32 s6, s31  }
0xc: {  	_ =	strace $0x80000047;
	s23 =	sadd.s32 s11, s3;
	[dreg:$0x10] =	wrdreg s15  }
0xd: {  	s13 =	simm.s32 $0x6;
	s11 =	sadd.s32 $0x1800, s23;
	[dreg:$0x5] =	wrdreg s23  }
0xe: {  	s12 =	sshrl.u32 s17, $0x1;
	s18 =	sadd.s32 $0x3000, s23;
	[dreg:$0x6] =	wrdreg s11  }
0xf: {  	s8 =	sadd.s32 s9, s8;
	s19 =	sadd.s32 $0x4800, s23;
	[dreg:$0x7] =	wrdreg s18  }
0x10: {  	s9 =	sshrl.u32 s8, $0x3;
	s20 =	sadd.s32 $0x6000, s23;
	[dreg:$0x8] =	wrdreg s19  }
0x11: {  	s8 =	sadd.s32 $0x10B200, s1;
	s21 =	sadd.s32 $0x7800, s23;
	[dreg:$0x9] =	wrdreg s20  }
0x12: {  	s10 =	sshrl.u32 s10, $0x3;
	s22 =	sadd.s32 $0x9000, s23;
	[dreg:$0xa] =	wrdreg s21  }
0x13: {  	s9 =	sadd.s32 s9, s1;
	s25 =	sadd.s32 $0xA800, s23;
	[dreg:$0xb] =	wrdreg s22  }
0x14: {  	s1 =	sadd.s32 s10, s1;
	s26 =	sadd.s32 $0xC000, s23;
	[dreg:$0xc] =	wrdreg s25  }
0x15: {  	s10 =	ssub.s32 s17, s12;
	s14 =	sadd.s32 $0xD800, s23;
	[dreg:$0xd] =	wrdreg s26  }
0x16: {  	s12 =	simm.s32 $0x5;
	[dreg:$0xe] =	wrdreg s14;
	s16 =	sadd.s32 $0xD200, s9  }
0x17: {  	s15 =	simm.s32 $0x680;
	s1 =	sadd.s32 $0x3200, s1;
	[dreg:$0x11] =	wrdreg s16  }
0x18: {  	s11 =	sshrl.u32 s24, $0x2;
	s17 =	smax.u32 s10, $0x1;
	[dreg:$0x12] =	wrdreg s1  }
0x19: {  	s19 =	smul.u32 $0xD2, s2;
	s18 =	sadd.s32 $0xF000, s23;
	[dreg:$0x13] =	wrdreg s17  }
0x1a: {  	s22 =	smul.u32 $0x2760, s2;
	s20 =	sadd.s32 $0x10800, s23;
	[dreg:$0x14] =	wrdreg s18  }
0x1b: {  	s21 =	sadd.s32 $0x12000, s23;
	s25 =	sadd.s32 $0x13800, s23;
	[dreg:$0x15] =	wrdreg s20  }
0x1c: {  	s2 =	simm.s32 $0x700;
	s10 =	simm.s32 $0xB;
	[dreg:$0x16] =	wrdreg s21  }
0x1d: {  	s9 =	simm.s32 $0x4;
	s24 =	sadd.s32 s11, s4;
	[dreg:$0x17] =	wrdreg s25  }
0x1e: {  	v0 =	vimm.f32 $0.0e+00;
	s11 =	simm.s32 $0x30;
	s16 =	simm.s32 $0x6700;
	s21 =	simm.s32 $0x1F00  }
0x1f: {  	vm0 =	vmmov $0xff;
	v1 =	vimm.s32 $0x0;
	v2 =	vimm.s32 $0x1;
	s1 =	simm.s32 $0x7;
	s26 =	sadd.s32 $0x1800, s24;
	[dreg:$0xf] =	wrdreg s24  }
0x20: {  	v3 =	vimm.s32 $0x2;
	v4 =	vimm.s32 $0x3;
	v5 =	vimm.s32 $0x4;
	s17 =	simm.s32 $0x8;
	s31 =	sadd.s32 $0x2, s19;
	[dreg:$0x18] =	wrdreg s26  }
0x21: {  	v6 =	vimm.s32 $0x5;
	v7 =	vimm.s32 $0x6;
	v8 =	vimm.s32 $0x7;
	s18 =	simm.s32 $0x0;
	[dreg:$0x19] =	wrdreg s31;
	s26 =	simm.s32 $0x7F00  }
.LBB2_1:
0x22: {  	[dreg:$0x1a] =	wrdreg s18;
	s18 =	simm.s32 $0x0;
	s20 =	simm.s32 $0x200  }
.LBB2_2:
0x23: {  	p0 =	sne.s32 s20, $0x5E00;
	[tilespmem:s18+$0x770] =	vst v0  }
0x24: {  	[tilespmem:s18+$0x700] =	vst v0  }
0x25: {  	[tilespmem:s18+$0x710] =	vst v0  }
.Ltmp0:
0x26: {  	[tilespmem:s18+$0x720] =	vst v0;
	(pc) =	sbr.rel @p0 .LBB2_2-.Ltmp0, $4  }
0x27: {  	[tilespmem:s18+$0x730] =	vst v0  }
0x28: {  	[tilespmem:s18+$0x740] =	vst v0  }
0x29: {  	[tilespmem:s18+$0x750] =	vst v0  }
0x2a: {  	[tilespmem:s18+$0x760] =	vst v0;
	s18 =	sshra.s32 s20, $0x2;
	s20 =	sadd.s32 $0x200, s20  }
0x2b: {  	[tilespmem:s18+$0x770] =	vst v0  }
0x2c: {  	[tilespmem:s18+$0x700] =	vst v0  }
0x2d: {  	[tilespmem:s18+$0x710] =	vst v0  }
0x2e: {  	[tilespmem:s18+$0x720] =	vst v0  }
0x2f: {  	[tilespmem:s18+$0x730] =	vst v0  }
0x30: {  	[tilespmem:s18+$0x740] =	vst v0  }
0x31: {  	[tilespmem:s18+$0x750] =	vst v0  }
0x32: {  	[tilespmem:s18+$0x760] =	vst v0  }
0x33: {  	[spmem:s23] =	stream.linear.scatter [tilespmem:s2], [sflag:$0xB], $0x1800, $0x38;
	[tilespmem:$0x1FB00] =	vst v63  }
0x34: {  	_ =	swait.ge [sflag:s10], $0x1800  }
0x35: {  	[sflag:s10] =	ssyncset.done $0x0  }
0x36: {  	s14 =	rddreg [dreg:$0x6];
	[sflag:s10] =	ssyncadd.s32 $0xFFFFE800  }
0x37: {  	[spmem:s14] =	stream.linear.scatter [tilespmem:s2], [sflag:$0xB], $0x1800, $0x38;
	[tilespmem:$0x1FB00] =	vst v63  }
0x38: {  	_ =	swait.ge [sflag:s10], $0x1800  }
0x39: {  	[sflag:s10] =	ssyncset.done $0x0  }
0x3a: {  	s31 =	rddreg [dreg:$0x7];
	[sflag:s10] =	ssyncadd.s32 $0xFFFFE800  }
0x3b: {  	[spmem:s31] =	stream.linear.scatter [tilespmem:s2], [sflag:$0xB], $0x1800, $0x38;
	[tilespmem:$0x1FB00] =	vst v63  }
0x3c: {  	_ =	swait.ge [sflag:s10], $0x1800  }
0x3d: {  	[sflag:s10] =	ssyncset.done $0x0  }
0x3e: {  	s18 =	rddreg [dreg:$0x8];
	[sflag:s10] =	ssyncadd.s32 $0xFFFFE800  }
0x3f: {  	[spmem:s18] =	stream.linear.scatter [tilespmem:s2], [sflag:$0xB], $0x1800, $0x38;
	[tilespmem:$0x1FB00] =	vst v63  }
0x40: {  	_ =	swait.ge [sflag:s10], $0x1800  }
0x41: {  	[sflag:s10] =	ssyncset.done $0x0  }
0x42: {  	s20 =	rddreg [dreg:$0x9];
	[sflag:s10] =	ssyncadd.s32 $0xFFFFE800  }
0x43: {  	[spmem:s20] =	stream.linear.scatter [tilespmem:s2], [sflag:$0xB], $0x1800, $0x38;
	[tilespmem:$0x1FB00] =	vst v63  }
0x44: {  	_ =	swait.ge [sflag:s10], $0x1800  }
0x45: {  	[sflag:s10] =	ssyncset.done $0x0  }
0x46: {  	s23 =	rddreg [dreg:$0xa];
	[sflag:s10] =	ssyncadd.s32 $0xFFFFE800  }
0x47: {  	[spmem:s23] =	stream.linear.scatter [tilespmem:s2], [sflag:$0xB], $0x1800, $0x38;
	[tilespmem:$0x1FB00] =	vst v63  }
0x48: {  	_ =	swait.ge [sflag:s10], $0x1800  }
0x49: {  	[sflag:s10] =	ssyncset.done $0x0  }
0x4a: {  	s25 =	rddreg [dreg:$0xb];
	[sflag:s10] =	ssyncadd.s32 $0xFFFFE800  }
0x4b: {  	[spmem:s25] =	stream.linear.scatter [tilespmem:s2], [sflag:$0xB], $0x1800, $0x38;
	[tilespmem:$0x1FB00] =	vst v63  }
0x4c: {  	_ =	swait.ge [sflag:s10], $0x1800  }
0x4d: {  	[sflag:s10] =	ssyncset.done $0x0  }
0x4e: {  	s31 =	rddreg [dreg:$0xc];
	[sflag:s10] =	ssyncadd.s32 $0xFFFFE800  }
0x4f: {  	[spmem:s31] =	stream.linear.scatter [tilespmem:s2], [sflag:$0xB], $0x1800, $0x38;
	[tilespmem:$0x1FB00] =	vst v63  }
0x50: {  	_ =	swait.ge [sflag:s10], $0x1800  }
0x51: {  	[sflag:s10] =	ssyncset.done $0x0  }
0x52: {  	s18 =	rddreg [dreg:$0xd];
	[sflag:s10] =	ssyncadd.s32 $0xFFFFE800  }
0x53: {  	[spmem:s18] =	stream.linear.scatter [tilespmem:s2], [sflag:$0xB], $0x1800, $0x38;
	[tilespmem:$0x1FB00] =	vst v63  }
0x54: {  	_ =	swait.ge [sflag:s10], $0x1800  }
0x55: {  	[sflag:s10] =	ssyncset.done $0x0  }
0x56: {  	s20 =	rddreg [dreg:$0xe];
	[sflag:s10] =	ssyncadd.s32 $0xFFFFE800  }
0x57: {  	[spmem:s20] =	stream.linear.scatter [tilespmem:s2], [sflag:$0xB], $0x1800, $0x38;
	[tilespmem:$0x1FB00] =	vst v63  }
0x58: {  	_ =	swait.ge [sflag:s10], $0x1800  }
0x59: {  	[sflag:s10] =	ssyncset.done $0x0  }
0x5a: {  	s23 =	rddreg [dreg:$0x14];
	[sflag:s10] =	ssyncadd.s32 $0xFFFFE800  }
0x5b: {  	[spmem:s23] =	stream.linear.scatter [tilespmem:s2], [sflag:$0xB], $0x1800, $0x38;
	[tilespmem:$0x1FB00] =	vst v63  }
0x5c: {  	_ =	swait.ge [sflag:s10], $0x1800  }
0x5d: {  	[sflag:s10] =	ssyncset.done $0x0  }
0x5e: {  	s25 =	rddreg [dreg:$0x15];
	[sflag:s10] =	ssyncadd.s32 $0xFFFFE800  }
0x5f: {  	[spmem:s25] =	stream.linear.scatter [tilespmem:s2], [sflag:$0xB], $0x1800, $0x38;
	[tilespmem:$0x1FB00] =	vst v63  }
0x60: {  	_ =	swait.ge [sflag:s10], $0x1800  }
0x61: {  	[sflag:s10] =	ssyncset.done $0x0  }
0x62: {  	s31 =	rddreg [dreg:$0x16];
	[sflag:s10] =	ssyncadd.s32 $0xFFFFE800  }
0x63: {  	[spmem:s31] =	stream.linear.scatter [tilespmem:s2], [sflag:$0xB], $0x1800, $0x38;
	[tilespmem:$0x1FB00] =	vst v63  }
0x64: {  	_ =	swait.ge [sflag:s10], $0x1800  }
0x65: {  	[sflag:s10] =	ssyncset.done $0x0  }
0x66: {  	s18 =	rddreg [dreg:$0x17];
	[sflag:s10] =	ssyncadd.s32 $0xFFFFE800  }
0x67: {  	[spmem:s18] =	stream.linear.scatter [tilespmem:s2], [sflag:$0xB], $0x400, $0x38;
	[tilespmem:$0x1FB00] =	vst v63  }
0x68: {  	_ =	swait.ge [sflag:s10], $0x400  }
0x69: {  	[sflag:s10] =	ssyncset.done $0x0  }
0x6a: {  	[sflag:s10] =	ssyncadd.s32 $0xFFFFFC00  }
0x6b: {  	[spmem:s24] =	stream.linear.scatter [tilespmem:s2], [sflag:$0xB], $0x1800, $0x38;
	[tilespmem:$0x1FB00] =	vst v63  }
0x6c: {  	_ =	swait.ge [sflag:s10], $0x1800  }
0x6d: {  	[sflag:s10] =	ssyncset.done $0x0  }
0x6e: {  	s20 =	rddreg [dreg:$0x18];
	[sflag:s10] =	ssyncadd.s32 $0xFFFFE800  }
0x6f: {  	[spmem:s20] =	stream.linear.scatter [tilespmem:s2], [sflag:$0xB], $0x1000, $0x38;
	[tilespmem:$0x1FB00] =	vst v63  }
0x70: {  	_ =	swait.ge [sflag:s10], $0x1000  }
0x71: {  	[sflag:s10] =	ssyncset.done $0x0  }
0x72: {  	[sflag:s10] =	ssyncadd.s32 $0xFFFFF000  }
0x73: {  	[bflag:$0x0] =	sbarrier.arrive $0xFFFF  }
0x74: {  	s18 =	simm.s32 $0x0;
	s23 =	rddreg [dreg:$0x10]  }
0x75: {  	[tilespmem:s18], [sflag:$0xB] =	stream.linear.gather [hbm4b:s23+s18], $0x90, $0x38;
	[tilespmem:$0x1FB00] =	vst v63  }
0x76: {  	_ =	swait.ge [sflag:s10], $0x90  }
0x77: {  	[sflag:s10] =	ssyncset.done $0x0  }
0x78: {  	[sflag:s10] =	ssyncadd.s32 $0xFFFFFF70  }
0x79: {  	v9 =	vld [tilespmem:$0x0]  }
0x7a: {  	v10 =	vld [tilespmem:$0x60]  }
0x7b: {  	v11 =	vld [tilespmem:$0x30];
	_ =	sdelay $0x1  }
0x7c: {  	v12 =	vld [tilespmem:$0x10]  }
0x7d: {  	v14 =	vld [tilespmem:$0x40];
	v13 =	vshll.u32 v9, $0x1  }
0x7e: {  	v62 =	vld [tilespmem:$0x70];
	[tilespmem:$0x200] =	vst v9;
	v9 =	vadd.s32 v13, v10  }
0x7f: {  	[tilespmem:$0x400] =	vst v9;
	v9 =	vshll.u32 v11, $0x1  }
0x80: {  	[tilespmem:$0x300] =	vst v11;
	v9 =	vadd.s32 v10, v9  }
0x81: {  	[tilespmem:$0x500] =	vst v9;
	v9 =	vshrl.u32 v11, $0x3  }
0x82: {  	v10 =	vld [tilespmem:$0x20];
	[tilespmem:$0x600] =	vst v9;
	v9 =	vshll.u32 v12, $0x1  }
0x83: {  	v63 =	vld [tilespmem:$0x80];
	[tilespmem:$0x210] =	vst v12;
	v11 =	vshll.u32 v14, $0x1;
	v9 =	vadd.s32 v9, v62  }
0x84: {  	[tilespmem:$0x410] =	vst v9;
	v9 =	vadd.s32 v62, v11;
	v11 =	vld [tilespmem:$0x50]  }
0x85: {  	[tilespmem:$0x310] =	vst v14  }
0x86: {  	[tilespmem:$0x510] =	vst v9;
	v9 =	vshrl.u32 v14, $0x3  }
0x87: {  	[tilespmem:$0x610] =	vst v9;
	v9 =	vshll.u32 v10, $0x1  }
0x88: {  	[tilespmem:$0x220] =	vst v10;
	v9 =	vadd.s32 v9, v63  }
0x89: {  	[tilespmem:$0x420] =	vst v9;
	v9 =	vshll.u32 v11, $0x1  }
0x8a: {  	[tilespmem:$0x320] =	vst v11;
	v9 =	vadd.s32 v63, v9  }
0x8b: {  	[tilespmem:$0x520] =	vst v9;
	v9 =	vshrl.u32 v11, $0x3  }
0x8c: {  	s24 =	simm.s32 $0x400;
	[tilespmem:$0x620] =	vst v9  }
0x8d: {  	[tilespmem:s2], [sflag:$0x1] =	stream.indirect.gather [hbm4b:s7+s11], $0x80, s24, s11, $0xb8;
	[tilespmem:$0x1FB00] =	vst v63  }
0x8e: {  	s25 =	simm.s32 $0x500;
	s20 =	simm.s32 $0x3700  }
0x8f: {  	[tilespmem:s20], [sflag:$0x2] =	stream.indirect.gather [hbm4b:s8+s11], $0x80, s25, s11, $0xb8;
	[tilespmem:$0x1FB00] =	vst v63  }
0x90: {  	s31 =	simm.s32 $0x200  }
0x91: {  	[tilespmem:s16], [sflag:$0x3] =	stream.indirect.gather [hbm4b:s0+s11], $0x80, s31, s11, $0xb8;
	[tilespmem:$0x1FB00] =	vst v63  }
.LBB2_4:
0x92: {  	s23 =	sshllo.u32 s18, $0x1  }
0x93: {  	s20 =	sadd.s32 s19, s23  }
0x94: {  	s20 =	smul.u32 $0x12, s20;
	_ =	sdelay $0x1  }
0x95: {  	s14 =	simm.s32 $0x100;
	s20 =	sadd.s32 s6, s20  }
0x96: {  	[tilespmem:s14], [sflag:$0xB] =	stream.linear.gather [hbm4b:s20+s5], $0x90, $0x38;
	[tilespmem:$0x1FB00] =	vst v63  }
0x97: {  	_ =	swait.ge [sflag:s10], $0x90  }
0x98: {  	p0 =	seq.s32 s18, $0x0;
	[sflag:s10] =	ssyncset.done $0x0  }
0x99: {  	s20 =	simm.s32 @!p0 $0x9;
	[sflag:s10] =	ssyncadd.s32 $0xFFFFFF70  }
0x9a: {  	_ =	swait.ge @!p0 [sflag:s20], $0x1800  }
0x9b: {  	[sflag:s20] =	ssyncset.done @!p0 $0x0  }
0x9c: {  	[sflag:s20] =	ssyncadd.s32 @!p0 $0xFFFFE800;
	s20 =	simm.s32 @!p0 $0xA  }
0x9d: {  	_ =	swait.ge @!p0 [sflag:s20], $0x1800  }
0x9e: {  	[sflag:s20] =	ssyncset.done @!p0 $0x0  }
0x9f: {  	[sflag:s20] =	ssyncadd.s32 @!p0 $0xFFFFE800  }
0xa0: {  	v9 =	vld [tilespmem:$0x100]  }
0xa1: {  	v10 =	vld [tilespmem:$0x160]  }
0xa2: {  	v11 =	vld [tilespmem:$0x130];
	_ =	sdelay $0x1  }
0xa3: {  	v12 =	vld [tilespmem:$0x110]  }
0xa4: {  	v14 =	vld [tilespmem:$0x140];
	v13 =	vshll.u32 v9, $0x1  }
0xa5: {  	v62 =	vld [tilespmem:$0x170];
	[tilespmem:$0x280] =	vst v9;
	v9 =	vadd.s32 v13, v10  }
0xa6: {  	[tilespmem:$0x480] =	vst v9;
	v9 =	vshll.u32 v11, $0x1  }
0xa7: {  	[tilespmem:$0x380] =	vst v11;
	v9 =	vadd.s32 v10, v9  }
0xa8: {  	[tilespmem:$0x580] =	vst v9;
	v9 =	vshrl.u32 v11, $0x3  }
0xa9: {  	v10 =	vld [tilespmem:$0x120];
	[tilespmem:$0x680] =	vst v9;
	v9 =	vshll.u32 v12, $0x1  }
0xaa: {  	v63 =	vld [tilespmem:$0x180];
	[tilespmem:$0x290] =	vst v12;
	v11 =	vshll.u32 v14, $0x1;
	v9 =	vadd.s32 v9, v62  }
0xab: {  	[tilespmem:$0x490] =	vst v9;
	v9 =	vadd.s32 v62, v11;
	v11 =	vld [tilespmem:$0x150]  }
0xac: {  	[tilespmem:$0x390] =	vst v14  }
0xad: {  	[tilespmem:$0x590] =	vst v9;
	v9 =	vshrl.u32 v14, $0x3  }
0xae: {  	[tilespmem:$0x690] =	vst v9;
	v9 =	vshll.u32 v10, $0x1  }
0xaf: {  	[tilespmem:$0x2A0] =	vst v10;
	v9 =	vadd.s32 v9, v63  }
0xb0: {  	[tilespmem:$0x4A0] =	vst v9;
	v9 =	vshll.u32 v11, $0x1  }
0xb1: {  	[tilespmem:$0x3A0] =	vst v11;
	v9 =	vadd.s32 v63, v9  }
0xb2: {  	[tilespmem:$0x5A0] =	vst v9;
	v9 =	vshrl.u32 v11, $0x3  }
0xb3: {  	s20 =	simm.s32 $0x480;
	[tilespmem:$0x6A0] =	vst v9  }
0xb4: {  	[tilespmem:s21], [sflag:$0x4] =	stream.indirect.gather [hbm4b:s7+s11], $0x80, s20, s11, $0xb8;
	[tilespmem:$0x1FB00] =	vst v63  }
0xb5: {  	s24 =	simm.s32 $0x580;
	s25 =	simm.s32 $0x4F00  }
0xb6: {  	[tilespmem:s25], [sflag:$0x5] =	stream.indirect.gather [hbm4b:s8+s11], $0x80, s24, s11, $0xb8;
	[tilespmem:$0x1FB00] =	vst v63  }
0xb7: {  	s24 =	simm.s32 $0x280  }
0xb8: {  	[tilespmem:s26], [sflag:$0x6] =	stream.indirect.gather [hbm4b:s0+s11], $0x80, s24, s11, $0xb8;
	[tilespmem:$0x1FB00] =	vst v63  }
0xb9: {  	_ =	swait.ge [sflag:s28], $0x1800  }
0xba: {  	[sflag:s28] =	ssyncset.done $0x0  }
0xbb: {  	[sflag:s28] =	ssyncadd.s32 $0xFFFFE800  }
0xbc: {  	_ =	swait.ge [sflag:s29], $0x1800  }
0xbd: {  	[sflag:s29] =	ssyncset.done $0x0  }
0xbe: {  	[sflag:s29] =	ssyncadd.s32 $0xFFFFE800  }
0xbf: {  	s25 =	smul.u32 $0x60, s18;
	_ =	swait.ge [sflag:s30], $0x1800  }
0xc0: {  	s31 =	simm.s32 $0x0;
	[sflag:s30] =	ssyncset.done $0x0  }
0xc1: {  	s24 =	sshll.u32 s18, $0x1;
	s25 =	sadd.s32 s22, s25;
	[sflag:s30] =	ssyncadd.s32 $0xFFFFE800  }
.LBB2_5:
0xc2: {  	s20 =	sshll.u32 s31, $0x7  }
0xc3: {  	v9 =	vld [tilespmem:s20+$0x700]  }
0xc4: {  	v10 =	vld [tilespmem:s20+$0x3700];
	_ =	sdelay $0x4  }
0xc5: {  	v9 =	vadd.f32 v10, v9;
	_ =	sdelay $0x1  }
0xc6: {  	v10 =	vmul.f32 $2.000000030e-01, v9  }
0xc7: {  	vm1 =	vge.f32 v9, $0.0e+00  }
0xc8: {  	v9 =	vsel vm1, v9, v10  }
0xc9: {  	v9 =	vmul.f32 $1.442695020e+00, v9;
	_ =	sdelay $0x1  }
0xca: {  	(erf) = vpow2.f32 v9  }
0xcb: {  	v10 =	vld [tilespmem:s20+$0x3780]  }
0xcc: {  	v9 =	vld [tilespmem:s20+$0x780];
	_ =	sdelay $0x4  }
0xcd: {  	v9 =	vadd.f32 v10, v9;
	_ =	sdelay $0x1  }
0xce: {  	s14 =	sadd.s32 s25, s31;
	v11 =	vld [tilespmem:s20+$0x3710];
	v14 =	vmul.f32 $2.000000030e-01, v9;
	v12 =	vpop (erf)  }
0xcf: {  	v13 =	vld [tilespmem:s20+$0x6700];
	p0 =	slt.u32 s14, $0x4E200;
	vm1 =	vge.f32 v9, $0.0e+00;
	v10 =	vnsel vm0, $0x0, v12  }
0xd0: {  	v9 =	vsel vm1, v9, v14;
	v10 =	vpsel !p0, $0x0, v10  }
0xd1: {  	v45 =	vld [tilespmem:s20+$0x6710];
	v9 =	vmul.f32 $1.442695020e+00, v9;
	v16 =	vperm.xlane v10, v2  }
0xd2: {  	v17 =	vld [tilespmem:s20+$0x6720];
	v15 =	vperm.xlane v10, v1;
	v48 =	vperm.xlane v10, v3  }
0xd3: {  	v47 =	vld [tilespmem:s20+$0x6730];
	(erf) = vpow2.f32 v9;
	v9 =	vmul.f32 v16, v11  }
0xd4: {  	v49 =	vld [tilespmem:s20+$0x6740];
	v13 =	vmul.f32 v13, v15  }
0xd5: {  	v53 =	vld [tilespmem:s20+$0x800];
	v51 =	vperm.xlane v10, v4;
	[tilespmem:s20+$0x710] =	vst v9;
	v9 =	vmul.f32 v48, v11  }
0xd6: {  	v18 =	vld [tilespmem:s20+$0x3800];
	v46 =	vmul.f32 v15, v11;
	[tilespmem:s20+$0x6700] =	vst v13  }
0xd7: {  	v52 =	vld [tilespmem:s20+$0x6750];
	v55 =	vperm.xlane v10, v5;
	[tilespmem:s20+$0x720] =	vst v9;
	v9 =	vmul.f32 v51, v11  }
0xd8: {  	v58 =	vperm.xlane v10, v6;
	v12 =	vmul.f32 v45, v16;
	[tilespmem:s20+$0x700] =	vst v46  }
0xd9: {  	v56 =	vld [tilespmem:s20+$0x6760];
	v61 =	vperm.xlane v10, v7;
	[tilespmem:s20+$0x730] =	vst v9;
	v9 =	vmul.f32 v55, v11  }
0xda: {  	v10 =	vperm.xlane v10, v8;
	v50 =	vmul.f32 v17, v48;
	[tilespmem:s20+$0x6710] =	vst v12  }
0xdb: {  	v59 =	vld [tilespmem:s20+$0x6770];
	v54 =	vmul.f32 v47, v51;
	v13 =	vadd.f32 v18, v53;
	[tilespmem:s20+$0x740] =	vst v9;
	v9 =	vmul.f32 v58, v11  }
0xdc: {  	v19 =	vld [tilespmem:s20+$0x3790];
	v57 =	vmul.f32 v49, v55;
	v60 =	vmul.f32 v52, v58;
	[tilespmem:s20+$0x6720] =	vst v50;
	v62 =	vpop (erf)  }
0xdd: {  	v22 =	vmul.f32 $2.000000030e-01, v13;
	v14 =	vnsel vm0, $0x0, v62;
	[tilespmem:s20+$0x750] =	vst v9;
	v9 =	vmul.f32 v61, v11  }
0xde: {  	v21 =	vld [tilespmem:s20+$0x6790];
	v20 =	vmul.f32 v56, v61;
	[tilespmem:s20+$0x6730] =	vst v54;
	vm1 =	vge.f32 v13, $0.0e+00;
	v14 =	vpsel !p0, $0x0, v14  }
0xdf: {  	v13 =	vsel vm1, v13, v22;
	v24 =	vperm.xlane v14, v1;
	[tilespmem:s20+$0x760] =	vst v9;
	v9 =	vmul.f32 v10, v11;
	v11 =	vld [tilespmem:s20+$0x67A0]  }
0xe0: {  	v23 =	vmul.f32 v59, v10;
	[tilespmem:s20+$0x6740] =	vst v57;
	v13 =	vmul.f32 $1.442695020e+00, v13  }
0xe1: {  	v27 =	vld [tilespmem:s20+$0x67B0];
	v10 =	vperm.xlane v14, v2;
	[tilespmem:s20+$0x770] =	vst v9;
	v9 =	vmul.f32 v24, v19  }
0xe2: {  	[tilespmem:s20+$0x6750] =	vst v60;
	(erf) = vpow2.f32 v13;
	v28 =	vperm.xlane v14, v3  }
0xe3: {  	v29 =	vperm.xlane v14, v4;
	[tilespmem:s20+$0x780] =	vst v9;
	v9 =	vmul.f32 v10, v19  }
0xe4: {  	[tilespmem:s20+$0x6760] =	vst v20;
	v26 =	vmul.f32 v21, v10;
	v10 =	vld [tilespmem:s20+$0x67C0];
	v11 =	vmul.f32 v11, v28  }
0xe5: {  	v30 =	vld [tilespmem:s20+$0x67D0];
	[tilespmem:s20+$0x790] =	vst v9;
	v9 =	vmul.f32 v28, v19  }
0xe6: {  	v31 =	vld [tilespmem:s20+$0x880];
	[tilespmem:s20+$0x67A0] =	vst v11;
	v11 =	vmul.f32 v27, v29  }
0xe7: {  	v33 =	vld [tilespmem:s20+$0x3880];
	v32 =	vperm.xlane v14, v5;
	[tilespmem:s20+$0x7A0] =	vst v9  }
0xe8: {  	v34 =	vld [tilespmem:s20+$0x67E0];
	v9 =	vmul.f32 v29, v19;
	[tilespmem:s20+$0x67B0] =	vst v11;
	v11 =	vperm.xlane v14, v6  }
0xe9: {  	[tilespmem:s20+$0x6770] =	vst v23;
	v10 =	vmul.f32 v10, v32  }
0xea: {  	v35 =	vld [tilespmem:s20+$0x67F0];
	[tilespmem:s20+$0x7B0] =	vst v9;
	v9 =	vmul.f32 v32, v19  }
0xeb: {  	v36 =	vperm.xlane v14, v7;
	[tilespmem:s20+$0x67C0] =	vst v10;
	v10 =	vmul.f32 v30, v11  }
0xec: {  	v38 =	vld [tilespmem:s20+$0x6800];
	v12 =	vadd.f32 v33, v31;
	[tilespmem:s20+$0x7C0] =	vst v9;
	v9 =	vmul.f32 v11, v19;
	v11 =	vpop (erf)  }
0xed: {  	v37 =	vld [tilespmem:s20+$0x3810];
	v39 =	vperm.xlane v14, v8;
	[tilespmem:s20+$0x67D0] =	vst v10;
	v10 =	vmul.f32 v34, v36;
	v11 =	vnsel vm0, $0x0, v11  }
0xee: {  	v63 =	vld [tilespmem:s20+$0x6780];
	v41 =	vmul.f32 $2.000000030e-01, v12;
	[tilespmem:s20+$0x7D0] =	vst v9;
	v9 =	vmul.f32 v36, v19;
	v11 =	vpsel !p0, $0x0, v11  }
0xef: {  	vm1 =	vge.f32 v12, $0.0e+00;
	[tilespmem:s20+$0x67E0] =	vst v10;
	v10 =	vmul.f32 v35, v39;
	v42 =	vperm.xlane v11, v1  }
0xf0: {  	v12 =	vsel vm1, v12, v41;
	[tilespmem:s20+$0x7E0] =	vst v9;
	v9 =	vmul.f32 v39, v19  }
0xf1: {  	v12 =	vmul.f32 $1.442695020e+00, v12;
	[tilespmem:s20+$0x67F0] =	vst v10;
	v10 =	vmul.f32 v38, v42  }
0xf2: {  	v40 =	vld [tilespmem:s20+$0x6810];
	v43 =	vperm.xlane v11, v2;
	[tilespmem:s20+$0x7F0] =	vst v9;
	v9 =	vmul.f32 v42, v37  }
0xf3: {  	v44 =	vld [tilespmem:s20+$0x6820];
	v25 =	vmul.f32 v63, v24;
	(erf) = vpow2.f32 v12;
	[tilespmem:s20+$0x6800] =	vst v10  }
0xf4: {  	v45 =	vld [tilespmem:s20+$0x6830];
	v10 =	vperm.xlane v11, v3;
	[tilespmem:s20+$0x800] =	vst v9;
	v9 =	vmul.f32 v43, v37  }
0xf5: {  	v49 =	vld [tilespmem:s20+$0x6850];
	[tilespmem:s20+$0x6780] =	vst v25  }
0xf6: {  	v46 =	vld [tilespmem:s20+$0x6840];
	v48 =	vperm.xlane v11, v4;
	[tilespmem:s20+$0x810] =	vst v9;
	v9 =	vmul.f32 v10, v37  }
0xf7: {  	v52 =	vld [tilespmem:s20+$0x3900];
	[tilespmem:s20+$0x6790] =	vst v26;
	v51 =	vperm.xlane v11, v5;
	v14 =	vmul.f32 v40, v43  }
0xf8: {  	v47 =	vmul.f32 v44, v10;
	v10 =	vld [tilespmem:s20+$0x900];
	[tilespmem:s20+$0x820] =	vst v9;
	v9 =	vmul.f32 v48, v37  }
0xf9: {  	v50 =	vmul.f32 v45, v48;
	[tilespmem:s20+$0x6810] =	vst v14  }
0xfa: {  	v53 =	vld [tilespmem:s20+$0x6860];
	v54 =	vperm.xlane v11, v6;
	[tilespmem:s20+$0x830] =	vst v9;
	v9 =	vmul.f32 v51, v37  }
0xfb: {  	v12 =	vmul.f32 v46, v51;
	[tilespmem:s20+$0x6830] =	vst v50  }
0xfc: {  	v55 =	vld [tilespmem:s20+$0x6870];
	v57 =	vperm.xlane v11, v7;
	[tilespmem:s20+$0x840] =	vst v9;
	v9 =	vmul.f32 v54, v37  }
0xfd: {  	v58 =	vld [tilespmem:s20+$0x3890];
	v56 =	vmul.f32 v49, v54;
	[tilespmem:s20+$0x6840] =	vst v12;
	v59 =	vpop (erf);
	v10 =	vadd.f32 v52, v10  }
0xfe: {  	v11 =	vperm.xlane v11, v8;
	v13 =	vnsel vm0, $0x0, v59;
	[tilespmem:s20+$0x850] =	vst v9;
	v9 =	vmul.f32 v57, v37  }
0xff: {  	v23 =	vld [tilespmem:s20+$0x68A0];
	v61 =	vmul.f32 v53, v57;
	[tilespmem:s20+$0x6850] =	vst v56;
	v13 =	vpsel !p0, $0x0, v13;
	v63 =	vmul.f32 $2.000000030e-01, v10  }
0x100: {  	v62 =	vld [tilespmem:s20+$0x6890];
	v22 =	vperm.xlane v13, v1;
	vm1 =	vge.f32 v10, $0.0e+00;
	[tilespmem:s20+$0x860] =	vst v9;
	v9 =	vmul.f32 v11, v37  }
0x101: {  	[tilespmem:s20+$0x6860] =	vst v61;
	v21 =	vmul.f32 v55, v11;
	v10 =	vsel vm1, v10, v63;
	v11 =	vperm.xlane v13, v2  }
0x102: {  	v25 =	vld [tilespmem:s20+$0x68B0];
	v10 =	vmul.f32 $1.442695020e+00, v10;
	[tilespmem:s20+$0x870] =	vst v9;
	v9 =	vmul.f32 v22, v58  }
0x103: {  	v60 =	vld [tilespmem:s20+$0x6880];
	[tilespmem:s20+$0x6820] =	vst v47;
	v26 =	vperm.xlane v13, v3;
	v27 =	vperm.xlane v13, v4  }
0x104: {  	(erf) = vpow2.f32 v10;
	[tilespmem:s20+$0x880] =	vst v9;
	v9 =	vmul.f32 v11, v58  }
0x105: {  	[tilespmem:s20+$0x6870] =	vst v21;
	v14 =	vmul.f32 v62, v11;
	v10 =	vld [tilespmem:s20+$0x68C0];
	v11 =	vmul.f32 v23, v26  }
0x106: {  	v31 =	vld [tilespmem:s20+$0x3980];
	[tilespmem:s20+$0x890] =	vst v9;
	v9 =	vmul.f32 v26, v58  }
0x107: {  	v28 =	vld [tilespmem:s20+$0x68D0];
	[tilespmem:s20+$0x68A0] =	vst v11;
	v11 =	vmul.f32 v25, v27  }
0x108: {  	v29 =	vld [tilespmem:s20+$0x980];
	v30 =	vperm.xlane v13, v5;
	v24 =	vmul.f32 v60, v22;
	[tilespmem:s20+$0x8A0] =	vst v9  }
0x109: {  	v32 =	vld [tilespmem:s20+$0x68E0];
	v9 =	vmul.f32 v27, v58;
	[tilespmem:s20+$0x68B0] =	vst v11;
	v11 =	vperm.xlane v13, v6  }
0x10a: {  	[tilespmem:s20+$0x6880] =	vst v24;
	v10 =	vmul.f32 v10, v30  }
0x10b: {  	v33 =	vld [tilespmem:s20+$0x68F0];
	[tilespmem:s20+$0x8B0] =	vst v9;
	v9 =	vmul.f32 v30, v58  }
0x10c: {  	v34 =	vperm.xlane v13, v7;
	[tilespmem:s20+$0x68C0] =	vst v10;
	v10 =	vmul.f32 v28, v11  }
0x10d: {  	v36 =	vld [tilespmem:s20+$0x6900];
	v12 =	vadd.f32 v31, v29;
	[tilespmem:s20+$0x8C0] =	vst v9;
	v9 =	vmul.f32 v11, v58;
	v11 =	vpop (erf)  }
0x10e: {  	v35 =	vld [tilespmem:s20+$0x3910];
	v13 =	vperm.xlane v13, v8;
	[tilespmem:s20+$0x68D0] =	vst v10;
	v10 =	vmul.f32 v32, v34;
	v11 =	vnsel vm0, $0x0, v11  }
0x10f: {  	v38 =	vmul.f32 $2.000000030e-01, v12;
	[tilespmem:s20+$0x8D0] =	vst v9;
	v9 =	vmul.f32 v34, v58;
	v11 =	vpsel !p0, $0x0, v11  }
0x110: {  	vm1 =	vge.f32 v12, $0.0e+00;
	[tilespmem:s20+$0x68E0] =	vst v10;
	v10 =	vmul.f32 v33, v13;
	v39 =	vperm.xlane v11, v1  }
0x111: {  	v37 =	vld [tilespmem:s20+$0x6910];
	v12 =	vsel vm1, v12, v38;
	[tilespmem:s20+$0x8E0] =	vst v9;
	v9 =	vmul.f32 v13, v58  }
0x112: {  	v12 =	vmul.f32 $1.442695020e+00, v12;
	[tilespmem:s20+$0x68F0] =	vst v10;
	v10 =	vmul.f32 v36, v39  }
0x113: {  	v42 =	vld [tilespmem:s20+$0x6930];
	v40 =	vperm.xlane v11, v2;
	[tilespmem:s20+$0x8F0] =	vst v9;
	v9 =	vmul.f32 v39, v35  }
0x114: {  	v41 =	vld [tilespmem:s20+$0x6920];
	(erf) = vpow2.f32 v12;
	[tilespmem:s20+$0x6900] =	vst v10  }
0x115: {  	v43 =	vld [tilespmem:s20+$0x6940];
	v10 =	vperm.xlane v11, v3;
	[tilespmem:s20+$0x900] =	vst v9;
	v9 =	vmul.f32 v40, v35  }
0x116: {  	v46 =	vld [tilespmem:s20+$0x6950];
	[tilespmem:s20+$0x6890] =	vst v14;
	v45 =	vperm.xlane v11, v4;
	v14 =	vmul.f32 v37, v40  }
0x117: {  	v49 =	vld [tilespmem:s20+$0x3A00];
	[tilespmem:s20+$0x910] =	vst v9;
	v9 =	vmul.f32 v10, v35  }
0x118: {  	v50 =	vld [tilespmem:s20+$0x6960];
	v48 =	vperm.xlane v11, v5;
	v47 =	vmul.f32 v42, v45;
	[tilespmem:s20+$0x6910] =	vst v14  }
0x119: {  	v44 =	vmul.f32 v41, v10;
	v10 =	vld [tilespmem:s20+$0xA00];
	[tilespmem:s20+$0x920] =	vst v9;
	v9 =	vmul.f32 v45, v35  }
0x11a: {  	v51 =	vperm.xlane v11, v6;
	v12 =	vmul.f32 v43, v48;
	[tilespmem:s20+$0x6930] =	vst v47  }
0x11b: {  	v52 =	vld [tilespmem:s20+$0x6970];
	[tilespmem:s20+$0x930] =	vst v9;
	v9 =	vmul.f32 v48, v35  }
0x11c: {  	v54 =	vperm.xlane v11, v7;
	v53 =	vmul.f32 v46, v51;
	[tilespmem:s20+$0x6940] =	vst v12  }
0x11d: {  	[tilespmem:s20+$0x940] =	vst v9;
	v9 =	vmul.f32 v51, v35  }
0x11e: {  	v55 =	vld [tilespmem:s20+$0x3990];
	v58 =	vmul.f32 v50, v54;
	[tilespmem:s20+$0x6950] =	vst v53;
	v11 =	vperm.xlane v11, v8;
	v56 =	vpop (erf);
	v10 =	vadd.f32 v49, v10  }
0x11f: {  	v57 =	vld [tilespmem:s20+$0x6980];
	v13 =	vnsel vm0, $0x0, v56;
	[tilespmem:s20+$0x950] =	vst v9;
	v9 =	vmul.f32 v54, v35  }
0x120: {  	v59 =	vld [tilespmem:s20+$0x6990];
	[tilespmem:s20+$0x6960] =	vst v58;
	v61 =	vmul.f32 v52, v11;
	v13 =	vpsel !p0, $0x0, v13;
	v60 =	vmul.f32 $2.000000030e-01, v10  }
0x121: {  	v63 =	vld [tilespmem:s20+$0x69A0];
	v62 =	vperm.xlane v13, v1;
	vm1 =	vge.f32 v10, $0.0e+00;
	[tilespmem:s20+$0x960] =	vst v9;
	v9 =	vmul.f32 v11, v35  }
0x122: {  	[tilespmem:s20+$0x6920] =	vst v44;
	v23 =	vperm.xlane v13, v3;
	v10 =	vsel vm1, v10, v60;
	v11 =	vperm.xlane v13, v2  }
0x123: {  	v22 =	vld [tilespmem:s20+$0x69B0];
	v10 =	vmul.f32 $1.442695020e+00, v10;
	[tilespmem:s20+$0x970] =	vst v9;
	v9 =	vmul.f32 v62, v55  }
0x124: {  	[tilespmem:s20+$0x6970] =	vst v61;
	v24 =	vperm.xlane v13, v4;
	v21 =	vmul.f32 v57, v62  }
0x125: {  	v26 =	vld [tilespmem:s20+$0xA80];
	(erf) = vpow2.f32 v10;
	[tilespmem:s20+$0x980] =	vst v9;
	v9 =	vmul.f32 v11, v55  }
0x126: {  	[tilespmem:s20+$0x6980] =	vst v21;
	v14 =	vmul.f32 v59, v11;
	v10 =	vld [tilespmem:s20+$0x69C0];
	v11 =	vmul.f32 v63, v23  }
0x127: {  	v28 =	vld [tilespmem:s20+$0x3A80];
	[tilespmem:s20+$0x990] =	vst v9;
	v9 =	vmul.f32 v23, v55  }
0x128: {  	v25 =	vld [tilespmem:s20+$0x69D0];
	[tilespmem:s20+$0x69A0] =	vst v11;
	v11 =	vmul.f32 v22, v24  }
0x129: {  	v27 =	vperm.xlane v13, v5;
	[tilespmem:s20+$0x9A0] =	vst v9  }
0x12a: {  	v29 =	vld [tilespmem:s20+$0x69E0];
	v9 =	vmul.f32 v24, v55;
	[tilespmem:s20+$0x69B0] =	vst v11;
	v11 =	vperm.xlane v13, v6  }
0x12b: {  	[tilespmem:s20+$0x6990] =	vst v14;
	v10 =	vmul.f32 v10, v27  }
0x12c: {  	v30 =	vld [tilespmem:s20+$0x69F0];
	v12 =	vadd.f32 v28, v26;
	[tilespmem:s20+$0x9B0] =	vst v9;
	v9 =	vmul.f32 v27, v55  }
0x12d: {  	v31 =	vperm.xlane v13, v7;
	[tilespmem:s20+$0x69C0] =	vst v10;
	v10 =	vmul.f32 v25, v11  }
0x12e: {  	v33 =	vld [tilespmem:s20+$0x6A00];
	v35 =	vmul.f32 $2.000000030e-01, v12;
	[tilespmem:s20+$0x9C0] =	vst v9;
	v9 =	vmul.f32 v11, v55;
	v11 =	vpop (erf)  }
0x12f: {  	v32 =	vld [tilespmem:s20+$0x3A10];
	v13 =	vperm.xlane v13, v8;
	[tilespmem:s20+$0x69D0] =	vst v10;
	v10 =	vmul.f32 v29, v31;
	v11 =	vnsel vm0, $0x0, v11  }
0x130: {  	v34 =	vld [tilespmem:s20+$0x6A10];
	vm1 =	vge.f32 v12, $0.0e+00;
	[tilespmem:s20+$0x9D0] =	vst v9;
	v9 =	vmul.f32 v31, v55;
	v11 =	vpsel !p0, $0x0, v11  }
0x131: {  	v12 =	vsel vm1, v12, v35;
	[tilespmem:s20+$0x69E0] =	vst v10;
	v10 =	vmul.f32 v30, v13;
	v36 =	vperm.xlane v11, v1  }
0x132: {  	v39 =	vld [tilespmem:s20+$0x6A30];
	v12 =	vmul.f32 $1.442695020e+00, v12;
	[tilespmem:s20+$0x9E0] =	vst v9;
	v9 =	vmul.f32 v13, v55  }
0x133: {  	v38 =	vld [tilespmem:s20+$0x6A20];
	v37 =	vperm.xlane v11, v2;
	[tilespmem:s20+$0x69F0] =	vst v10;
	v10 =	vmul.f32 v33, v36  }
0x134: {  	v40 =	vld [tilespmem:s20+$0x6A40];
	(erf) = vpow2.f32 v12;
	[tilespmem:s20+$0x9F0] =	vst v9;
	v9 =	vmul.f32 v36, v32  }
0x135: {  	v42 =	vperm.xlane v11, v4;
	v14 =	vmul.f32 v34, v37;
	[tilespmem:s20+$0x6A00] =	vst v10  }
0x136: {  	v10 =	vperm.xlane v11, v3;
	[tilespmem:s20+$0xA00] =	vst v9;
	v9 =	vmul.f32 v37, v32  }
0x137: {  	v44 =	vperm.xlane v11, v5;
	v43 =	vmul.f32 v39, v42;
	[tilespmem:s20+$0x6A10] =	vst v14  }
0x138: {  	v41 =	vmul.f32 v38, v10;
	[tilespmem:s20+$0xA10] =	vst v9;
	v9 =	vmul.f32 v10, v32;
	v10 =	vld [tilespmem:s20+$0x6A50]  }
0x139: {  	v12 =	vmul.f32 v40, v44;
	[tilespmem:s20+$0x6A30] =	vst v43  }
0x13a: {  	v45 =	vld [tilespmem:s20+$0x6A60];
	[tilespmem:s20+$0xA20] =	vst v9;
	v9 =	vmul.f32 v42, v32  }
0x13b: {  	v46 =	vperm.xlane v11, v6;
	[tilespmem:s20+$0x6A40] =	vst v12  }
0x13c: {  	v47 =	vld [tilespmem:s20+$0x6A70];
	[tilespmem:s20+$0xA30] =	vst v9;
	v9 =	vmul.f32 v44, v32  }
0x13d: {  	v48 =	vperm.xlane v11, v7;
	[tilespmem:s20+$0x6A20] =	vst v41;
	v10 =	vmul.f32 v10, v46  }
0x13e: {  	v50 =	vld [tilespmem:s20+$0x6A80];
	v49 =	vpop (erf);
	[tilespmem:s20+$0xA40] =	vst v9;
	v9 =	vmul.f32 v46, v32  }
0x13f: {  	v51 =	vld [tilespmem:s20+$0x3A90];
	v11 =	vperm.xlane v11, v8;
	v13 =	vnsel vm0, $0x0, v49;
	[tilespmem:s20+$0x6A50] =	vst v10;
	v10 =	vmul.f32 v45, v48  }
0x140: {  	v53 =	vld [tilespmem:s20+$0x6A90];
	v52 =	vpsel !p0, $0x0, v13;
	[tilespmem:s20+$0xA50] =	vst v9;
	v9 =	vmul.f32 v48, v32  }
0x141: {  	v54 =	vperm.xlane v52, v1;
	[tilespmem:s20+$0x6A60] =	vst v10;
	v10 =	vmul.f32 v47, v11  }
0x142: {  	[tilespmem:s20+$0xA60] =	vst v9;
	v9 =	vmul.f32 v11, v32;
	v11 =	vld [tilespmem:s20+$0x6AA0]  }
0x143: {  	v55 =	vperm.xlane v52, v2;
	[tilespmem:s20+$0x6A70] =	vst v10;
	v10 =	vmul.f32 v50, v54  }
0x144: {  	v56 =	vld [tilespmem:s20+$0x6AB0];
	[tilespmem:s20+$0xA70] =	vst v9;
	v9 =	vmul.f32 v54, v51  }
0x145: {  	v57 =	vperm.xlane v52, v3;
	[tilespmem:s20+$0x6A80] =	vst v10;
	v10 =	vmul.f32 v53, v55  }
0x146: {  	v58 =	vld [tilespmem:s20+$0x6AC0];
	[tilespmem:s20+$0xA80] =	vst v9;
	v9 =	vmul.f32 v55, v51  }
0x147: {  	[tilespmem:s20+$0x6A90] =	vst v10;
	v10 =	vmul.f32 v11, v57;
	v11 =	vperm.xlane v52, v4  }
0x148: {  	v59 =	vld [tilespmem:s20+$0x6AD0];
	[tilespmem:s20+$0xA90] =	vst v9;
	v9 =	vmul.f32 v57, v51  }
0x149: {  	v60 =	vperm.xlane v52, v5;
	[tilespmem:s20+$0x6AA0] =	vst v10;
	v10 =	vmul.f32 v56, v11  }
0x14a: {  	[tilespmem:s20+$0xAA0] =	vst v9;
	v9 =	vmul.f32 v11, v51;
	v11 =	vld [tilespmem:s20+$0x6AE0]  }
0x14b: {  	v61 =	vperm.xlane v52, v6;
	[tilespmem:s20+$0x6AB0] =	vst v10;
	v10 =	vmul.f32 v58, v60  }
0x14c: {  	v62 =	vld [tilespmem:s20+$0x6AF0];
	[tilespmem:s20+$0xAB0] =	vst v9;
	v9 =	vmul.f32 v60, v51  }
0x14d: {  	v63 =	vperm.xlane v52, v7;
	[tilespmem:s20+$0x6AC0] =	vst v10;
	v10 =	vmul.f32 v59, v61  }
0x14e: {  	[tilespmem:s20+$0xAC0] =	vst v9;
	v9 =	vmul.f32 v61, v51  }
0x14f: {  	p0 =	slt.u32 s31, $0x28;
	[tilespmem:s20+$0x6AD0] =	vst v10;
	v10 =	vmul.f32 v11, v63;
	v11 =	vperm.xlane v52, v8  }
.Ltmp1:
0x150: {  	[tilespmem:s20+$0xAD0] =	vst v9;
	v9 =	vmul.f32 v63, v51;
	(pc) =	sbr.rel @p0 .LBB2_5-.Ltmp1, $4  }
0x151: {  	[tilespmem:s20+$0x6AE0] =	vst v10;
	v10 =	vmul.f32 v62, v11  }
0x152: {  	[tilespmem:s20+$0xAE0] =	vst v9;
	v9 =	vmul.f32 v11, v51  }
0x153: {  	s14 =	sadd.s32 $0x8, s31;
	[tilespmem:s20+$0x6AF0] =	vst v10  }
0x154: {  	s31 =	smov.u32 s14;
	[tilespmem:s20+$0xAF0] =	vst v9  }
0x155: {  	p0 =	seq.s32 s18, $0x68  }
.Ltmp2:
0x156: {  	_ = 	snop;
	(pc) =	sbr.rel @p0 .LBB2_8-.Ltmp2, $4  }
0x157: {  	s14 =	simm.s32 $0x300  }
0x158: {  	[spmem:s3] =	stream.indirect.scatter.add.f32 [tilespmem:s16], [sflag:$0x7], $0x80, s14, s11, $0xb8;
	[tilespmem:$0x1FB00] =	vst v63  }
0x159: {  	s31 =	simm.s32 $0x600  }
0x15a: {  	[spmem:s4] =	stream.indirect.scatter.add.f32 [tilespmem:s2], [sflag:$0x8], $0x80, s31, s11, $0xb8;
	[tilespmem:$0x1FB00] =	vst v63  }
0x15b: {  	s14 =	rddreg [dreg:$0x19]  }
0x15c: {  	s14 =	sadd.s32 s24, s14  }
0x15d: {  	s14 =	smul.u32 $0x12, s14;
	_ =	sdelay $0x1  }
0x15e: {  	s14 =	sadd.s32 s6, s14  }
0x15f: {  	[tilespmem:s5], [sflag:$0xB] =	stream.linear.gather [hbm4b:s14+s5], $0x90, $0x38;
	[tilespmem:$0x1FB00] =	vst v63  }
0x160: {  	_ =	swait.ge [sflag:s10], $0x90  }
0x161: {  	[sflag:s10] =	ssyncset.done $0x0  }
0x162: {  	[sflag:s10] =	ssyncadd.s32 $0xFFFFFF70  }
0x163: {  	_ =	swait.ge [sflag:s1], $0x1800  }
0x164: {  	[sflag:s1] =	ssyncset.done $0x0  }
0x165: {  	[sflag:s1] =	ssyncadd.s32 $0xFFFFE800  }
0x166: {  	_ =	swait.ge [sflag:s17], $0x1800  }
0x167: {  	[sflag:s17] =	ssyncset.done $0x0  }
0x168: {  	[sflag:s17] =	ssyncadd.s32 $0xFFFFE800  }
0x169: {  	v9 =	vld [tilespmem:$0x0]  }
0x16a: {  	v10 =	vld [tilespmem:$0x60]  }
0x16b: {  	v11 =	vld [tilespmem:$0x30];
	_ =	sdelay $0x1  }
0x16c: {  	v12 =	vld [tilespmem:$0x10]  }
0x16d: {  	v14 =	vld [tilespmem:$0x40];
	v13 =	vshll.u32 v9, $0x1  }
0x16e: {  	v62 =	vld [tilespmem:$0x70];
	[tilespmem:$0x200] =	vst v9;
	v9 =	vadd.s32 v13, v10  }
0x16f: {  	[tilespmem:$0x400] =	vst v9;
	v9 =	vshll.u32 v11, $0x1  }
0x170: {  	[tilespmem:$0x300] =	vst v11;
	v9 =	vadd.s32 v10, v9  }
0x171: {  	[tilespmem:$0x500] =	vst v9;
	v9 =	vshrl.u32 v11, $0x3  }
0x172: {  	v10 =	vld [tilespmem:$0x20];
	[tilespmem:$0x600] =	vst v9;
	v9 =	vshll.u32 v12, $0x1  }
0x173: {  	v63 =	vld [tilespmem:$0x80];
	[tilespmem:$0x210] =	vst v12;
	v11 =	vshll.u32 v14, $0x1;
	v9 =	vadd.s32 v9, v62  }
0x174: {  	[tilespmem:$0x410] =	vst v9;
	v9 =	vadd.s32 v62, v11;
	v11 =	vld [tilespmem:$0x50]  }
0x175: {  	[tilespmem:$0x310] =	vst v14  }
0x176: {  	[tilespmem:$0x510] =	vst v9;
	v9 =	vshrl.u32 v14, $0x3  }
0x177: {  	[tilespmem:$0x610] =	vst v9;
	v9 =	vshll.u32 v10, $0x1  }
0x178: {  	[tilespmem:$0x220] =	vst v10;
	v9 =	vadd.s32 v9, v63  }
0x179: {  	[tilespmem:$0x420] =	vst v9;
	v9 =	vshll.u32 v11, $0x1  }
0x17a: {  	[tilespmem:$0x320] =	vst v11;
	v9 =	vadd.s32 v63, v9  }
0x17b: {  	[tilespmem:$0x520] =	vst v9;
	v9 =	vshrl.u32 v11, $0x3  }
0x17c: {  	s24 =	simm.s32 $0x400;
	[tilespmem:$0x620] =	vst v9  }
0x17d: {  	[tilespmem:s2], [sflag:$0x1] =	stream.indirect.gather [hbm4b:s7+s11], $0x80, s24, s11, $0xb8;
	[tilespmem:$0x1FB00] =	vst v63  }
0x17e: {  	s25 =	simm.s32 $0x500;
	s20 =	simm.s32 $0x3700  }
0x17f: {  	[tilespmem:s20], [sflag:$0x2] =	stream.indirect.gather [hbm4b:s8+s11], $0x80, s25, s11, $0xb8;
	[tilespmem:$0x1FB00] =	vst v63  }
0x180: {  	s31 =	simm.s32 $0x200  }
0x181: {  	[tilespmem:s16], [sflag:$0x3] =	stream.indirect.gather [hbm4b:s0+s11], $0x80, s31, s11, $0xb8;
	[tilespmem:$0x1FB00] =	vst v63  }
.LBB2_8:
0x182: {  	_ =	swait.ge [sflag:s9], $0x1800  }
0x183: {  	[sflag:s9] =	ssyncset.done $0x0  }
0x184: {  	[sflag:s9] =	ssyncadd.s32 $0xFFFFE800  }
0x185: {  	_ =	swait.ge [sflag:s12], $0x1800  }
0x186: {  	[sflag:s12] =	ssyncset.done $0x0  }
0x187: {  	[sflag:s12] =	ssyncadd.s32 $0xFFFFE800  }
0x188: {  	s14 =	smul.u32 $0x30, s23;
	_ =	swait.ge [sflag:s13], $0x1800  }
0x189: {  	[sflag:s13] =	ssyncset.done $0x0  }
0x18a: {  	s24 =	simm.s32 $0x0;
	s23 =	sadd.s32 s22, s14;
	[sflag:s13] =	ssyncadd.s32 $0xFFFFE800  }
.LBB2_9:
0x18b: {  	s20 =	sshll.u32 s24, $0x7  }
0x18c: {  	v9 =	vld [tilespmem:s20+$0x1F00]  }
0x18d: {  	v10 =	vld [tilespmem:s20+$0x4F00];
	_ =	sdelay $0x4  }
0x18e: {  	v9 =	vadd.f32 v10, v9;
	_ =	sdelay $0x1  }
0x18f: {  	v10 =	vmul.f32 $2.000000030e-01, v9  }
0x190: {  	vm1 =	vge.f32 v9, $0.0e+00  }
0x191: {  	v9 =	vsel vm1, v9, v10  }
0x192: {  	v9 =	vmul.f32 $1.442695020e+00, v9;
	_ =	sdelay $0x1  }
0x193: {  	(erf) = vpow2.f32 v9  }
0x194: {  	v10 =	vld [tilespmem:s20+$0x4F80]  }
0x195: {  	v9 =	vld [tilespmem:s20+$0x1F80];
	_ =	sdelay $0x4  }
0x196: {  	v9 =	vadd.f32 v10, v9;
	_ =	sdelay $0x1  }
0x197: {  	s14 =	sadd.s32 s23, s24;
	v11 =	vld [tilespmem:s20+$0x4F10];
	v14 =	vmul.f32 $2.000000030e-01, v9;
	v12 =	vpop (erf)  }
0x198: {  	v13 =	vld [tilespmem:s20+$0x7F00];
	p0 =	slt.u32 s14, $0x4E200;
	vm1 =	vge.f32 v9, $0.0e+00;
	v10 =	vnsel vm0, $0x0, v12  }
0x199: {  	v9 =	vsel vm1, v9, v14;
	v10 =	vpsel !p0, $0x0, v10  }
0x19a: {  	v45 =	vld [tilespmem:s20+$0x7F10];
	v9 =	vmul.f32 $1.442695020e+00, v9;
	v16 =	vperm.xlane v10, v2  }
0x19b: {  	v17 =	vld [tilespmem:s20+$0x7F20];
	v15 =	vperm.xlane v10, v1;
	v48 =	vperm.xlane v10, v3  }
0x19c: {  	v47 =	vld [tilespmem:s20+$0x7F30];
	(erf) = vpow2.f32 v9;
	v9 =	vmul.f32 v16, v11  }
0x19d: {  	v49 =	vld [tilespmem:s20+$0x7F40];
	v13 =	vmul.f32 v13, v15  }
0x19e: {  	v53 =	vld [tilespmem:s20+$0x2000];
	v51 =	vperm.xlane v10, v4;
	[tilespmem:s20+$0x1F10] =	vst v9;
	v9 =	vmul.f32 v48, v11  }
0x19f: {  	v18 =	vld [tilespmem:s20+$0x5000];
	v46 =	vmul.f32 v15, v11;
	[tilespmem:s20+$0x7F00] =	vst v13  }
0x1a0: {  	v52 =	vld [tilespmem:s20+$0x7F50];
	v55 =	vperm.xlane v10, v5;
	[tilespmem:s20+$0x1F20] =	vst v9;
	v9 =	vmul.f32 v51, v11  }
0x1a1: {  	v58 =	vperm.xlane v10, v6;
	v12 =	vmul.f32 v45, v16;
	[tilespmem:s20+$0x1F00] =	vst v46  }
0x1a2: {  	v56 =	vld [tilespmem:s20+$0x7F60];
	v61 =	vperm.xlane v10, v7;
	[tilespmem:s20+$0x1F30] =	vst v9;
	v9 =	vmul.f32 v55, v11  }
0x1a3: {  	v10 =	vperm.xlane v10, v8;
	v50 =	vmul.f32 v17, v48;
	[tilespmem:s20+$0x7F10] =	vst v12  }
0x1a4: {  	v59 =	vld [tilespmem:s20+$0x7F70];
	v54 =	vmul.f32 v47, v51;
	v13 =	vadd.f32 v18, v53;
	[tilespmem:s20+$0x1F40] =	vst v9;
	v9 =	vmul.f32 v58, v11  }
0x1a5: {  	v19 =	vld [tilespmem:s20+$0x4F90];
	v57 =	vmul.f32 v49, v55;
	v60 =	vmul.f32 v52, v58;
	[tilespmem:s20+$0x7F20] =	vst v50;
	v62 =	vpop (erf)  }
0x1a6: {  	v22 =	vmul.f32 $2.000000030e-01, v13;
	v14 =	vnsel vm0, $0x0, v62;
	[tilespmem:s20+$0x1F50] =	vst v9;
	v9 =	vmul.f32 v61, v11  }
0x1a7: {  	v21 =	vld [tilespmem:s20+$0x7F90];
	v20 =	vmul.f32 v56, v61;
	[tilespmem:s20+$0x7F30] =	vst v54;
	vm1 =	vge.f32 v13, $0.0e+00;
	v14 =	vpsel !p0, $0x0, v14  }
0x1a8: {  	v13 =	vsel vm1, v13, v22;
	v24 =	vperm.xlane v14, v1;
	[tilespmem:s20+$0x1F60] =	vst v9;
	v9 =	vmul.f32 v10, v11;
	v11 =	vld [tilespmem:s20+$0x7FA0]  }
0x1a9: {  	v23 =	vmul.f32 v59, v10;
	[tilespmem:s20+$0x7F40] =	vst v57;
	v13 =	vmul.f32 $1.442695020e+00, v13  }
0x1aa: {  	v27 =	vld [tilespmem:s20+$0x7FB0];
	v10 =	vperm.xlane v14, v2;
	[tilespmem:s20+$0x1F70] =	vst v9;
	v9 =	vmul.f32 v24, v19  }
0x1ab: {  	[tilespmem:s20+$0x7F50] =	vst v60;
	(erf) = vpow2.f32 v13;
	v28 =	vperm.xlane v14, v3  }
0x1ac: {  	v29 =	vperm.xlane v14, v4;
	[tilespmem:s20+$0x1F80] =	vst v9;
	v9 =	vmul.f32 v10, v19  }
0x1ad: {  	[tilespmem:s20+$0x7F60] =	vst v20;
	v26 =	vmul.f32 v21, v10;
	v10 =	vld [tilespmem:s20+$0x7FC0];
	v11 =	vmul.f32 v11, v28  }
0x1ae: {  	v30 =	vld [tilespmem:s20+$0x7FD0];
	[tilespmem:s20+$0x1F90] =	vst v9;
	v9 =	vmul.f32 v28, v19  }
0x1af: {  	v31 =	vld [tilespmem:s20+$0x2080];
	[tilespmem:s20+$0x7FA0] =	vst v11;
	v11 =	vmul.f32 v27, v29  }
0x1b0: {  	v33 =	vld [tilespmem:s20+$0x5080];
	v32 =	vperm.xlane v14, v5;
	[tilespmem:s20+$0x1FA0] =	vst v9  }
0x1b1: {  	v34 =	vld [tilespmem:s20+$0x7FE0];
	v9 =	vmul.f32 v29, v19;
	[tilespmem:s20+$0x7FB0] =	vst v11;
	v11 =	vperm.xlane v14, v6  }
0x1b2: {  	[tilespmem:s20+$0x7F70] =	vst v23;
	v10 =	vmul.f32 v10, v32  }
0x1b3: {  	v35 =	vld [tilespmem:s20+$0x7FF0];
	[tilespmem:s20+$0x1FB0] =	vst v9;
	v9 =	vmul.f32 v32, v19  }
0x1b4: {  	v36 =	vperm.xlane v14, v7;
	[tilespmem:s20+$0x7FC0] =	vst v10;
	v10 =	vmul.f32 v30, v11  }
0x1b5: {  	v38 =	vld [tilespmem:s20+$0x8000];
	v12 =	vadd.f32 v33, v31;
	[tilespmem:s20+$0x1FC0] =	vst v9;
	v9 =	vmul.f32 v11, v19;
	v11 =	vpop (erf)  }
0x1b6: {  	v37 =	vld [tilespmem:s20+$0x5010];
	v39 =	vperm.xlane v14, v8;
	[tilespmem:s20+$0x7FD0] =	vst v10;
	v10 =	vmul.f32 v34, v36;
	v11 =	vnsel vm0, $0x0, v11  }
0x1b7: {  	v63 =	vld [tilespmem:s20+$0x7F80];
	v41 =	vmul.f32 $2.000000030e-01, v12;
	[tilespmem:s20+$0x1FD0] =	vst v9;
	v9 =	vmul.f32 v36, v19;
	v11 =	vpsel !p0, $0x0, v11  }
0x1b8: {  	vm1 =	vge.f32 v12, $0.0e+00;
	[tilespmem:s20+$0x7FE0] =	vst v10;
	v10 =	vmul.f32 v35, v39;
	v42 =	vperm.xlane v11, v1  }
0x1b9: {  	v12 =	vsel vm1, v12, v41;
	[tilespmem:s20+$0x1FE0] =	vst v9;
	v9 =	vmul.f32 v39, v19  }
0x1ba: {  	v12 =	vmul.f32 $1.442695020e+00, v12;
	[tilespmem:s20+$0x7FF0] =	vst v10;
	v10 =	vmul.f32 v38, v42  }
0x1bb: {  	v40 =	vld [tilespmem:s20+$0x8010];
	v43 =	vperm.xlane v11, v2;
	[tilespmem:s20+$0x1FF0] =	vst v9;
	v9 =	vmul.f32 v42, v37  }
0x1bc: {  	v44 =	vld [tilespmem:s20+$0x8020];
	v25 =	vmul.f32 v63, v24;
	(erf) = vpow2.f32 v12;
	[tilespmem:s20+$0x8000] =	vst v10  }
0x1bd: {  	v45 =	vld [tilespmem:s20+$0x8030];
	v10 =	vperm.xlane v11, v3;
	[tilespmem:s20+$0x2000] =	vst v9;
	v9 =	vmul.f32 v43, v37  }
0x1be: {  	v49 =	vld [tilespmem:s20+$0x8050];
	[tilespmem:s20+$0x7F80] =	vst v25  }
0x1bf: {  	v46 =	vld [tilespmem:s20+$0x8040];
	v48 =	vperm.xlane v11, v4;
	[tilespmem:s20+$0x2010] =	vst v9;
	v9 =	vmul.f32 v10, v37  }
0x1c0: {  	v52 =	vld [tilespmem:s20+$0x5100];
	[tilespmem:s20+$0x7F90] =	vst v26;
	v51 =	vperm.xlane v11, v5;
	v14 =	vmul.f32 v40, v43  }
0x1c1: {  	v47 =	vmul.f32 v44, v10;
	v10 =	vld [tilespmem:s20+$0x2100];
	[tilespmem:s20+$0x2020] =	vst v9;
	v9 =	vmul.f32 v48, v37  }
0x1c2: {  	v50 =	vmul.f32 v45, v48;
	[tilespmem:s20+$0x8010] =	vst v14  }
0x1c3: {  	v53 =	vld [tilespmem:s20+$0x8060];
	v54 =	vperm.xlane v11, v6;
	[tilespmem:s20+$0x2030] =	vst v9;
	v9 =	vmul.f32 v51, v37  }
0x1c4: {  	v12 =	vmul.f32 v46, v51;
	[tilespmem:s20+$0x8030] =	vst v50  }
0x1c5: {  	v55 =	vld [tilespmem:s20+$0x8070];
	v57 =	vperm.xlane v11, v7;
	[tilespmem:s20+$0x2040] =	vst v9;
	v9 =	vmul.f32 v54, v37  }
0x1c6: {  	v58 =	vld [tilespmem:s20+$0x5090];
	v56 =	vmul.f32 v49, v54;
	[tilespmem:s20+$0x8040] =	vst v12;
	v59 =	vpop (erf);
	v10 =	vadd.f32 v52, v10  }
0x1c7: {  	v11 =	vperm.xlane v11, v8;
	v13 =	vnsel vm0, $0x0, v59;
	[tilespmem:s20+$0x2050] =	vst v9;
	v9 =	vmul.f32 v57, v37  }
0x1c8: {  	v23 =	vld [tilespmem:s20+$0x80A0];
	v61 =	vmul.f32 v53, v57;
	[tilespmem:s20+$0x8050] =	vst v56;
	v13 =	vpsel !p0, $0x0, v13;
	v63 =	vmul.f32 $2.000000030e-01, v10  }
0x1c9: {  	v62 =	vld [tilespmem:s20+$0x8090];
	v22 =	vperm.xlane v13, v1;
	vm1 =	vge.f32 v10, $0.0e+00;
	[tilespmem:s20+$0x2060] =	vst v9;
	v9 =	vmul.f32 v11, v37  }
0x1ca: {  	[tilespmem:s20+$0x8060] =	vst v61;
	v21 =	vmul.f32 v55, v11;
	v10 =	vsel vm1, v10, v63;
	v11 =	vperm.xlane v13, v2  }
0x1cb: {  	v25 =	vld [tilespmem:s20+$0x80B0];
	v10 =	vmul.f32 $1.442695020e+00, v10;
	[tilespmem:s20+$0x2070] =	vst v9;
	v9 =	vmul.f32 v22, v58  }
0x1cc: {  	v60 =	vld [tilespmem:s20+$0x8080];
	[tilespmem:s20+$0x8020] =	vst v47;
	v26 =	vperm.xlane v13, v3;
	v27 =	vperm.xlane v13, v4  }
0x1cd: {  	(erf) = vpow2.f32 v10;
	[tilespmem:s20+$0x2080] =	vst v9;
	v9 =	vmul.f32 v11, v58  }
0x1ce: {  	[tilespmem:s20+$0x8070] =	vst v21;
	v14 =	vmul.f32 v62, v11;
	v10 =	vld [tilespmem:s20+$0x80C0];
	v11 =	vmul.f32 v23, v26  }
0x1cf: {  	v31 =	vld [tilespmem:s20+$0x5180];
	[tilespmem:s20+$0x2090] =	vst v9;
	v9 =	vmul.f32 v26, v58  }
0x1d0: {  	v28 =	vld [tilespmem:s20+$0x80D0];
	[tilespmem:s20+$0x80A0] =	vst v11;
	v11 =	vmul.f32 v25, v27  }
0x1d1: {  	v29 =	vld [tilespmem:s20+$0x2180];
	v30 =	vperm.xlane v13, v5;
	v24 =	vmul.f32 v60, v22;
	[tilespmem:s20+$0x20A0] =	vst v9  }
0x1d2: {  	v32 =	vld [tilespmem:s20+$0x80E0];
	v9 =	vmul.f32 v27, v58;
	[tilespmem:s20+$0x80B0] =	vst v11;
	v11 =	vperm.xlane v13, v6  }
0x1d3: {  	[tilespmem:s20+$0x8080] =	vst v24;
	v10 =	vmul.f32 v10, v30  }
0x1d4: {  	v33 =	vld [tilespmem:s20+$0x80F0];
	[tilespmem:s20+$0x20B0] =	vst v9;
	v9 =	vmul.f32 v30, v58  }
0x1d5: {  	v34 =	vperm.xlane v13, v7;
	[tilespmem:s20+$0x80C0] =	vst v10;
	v10 =	vmul.f32 v28, v11  }
0x1d6: {  	v36 =	vld [tilespmem:s20+$0x8100];
	v12 =	vadd.f32 v31, v29;
	[tilespmem:s20+$0x20C0] =	vst v9;
	v9 =	vmul.f32 v11, v58;
	v11 =	vpop (erf)  }
0x1d7: {  	v35 =	vld [tilespmem:s20+$0x5110];
	v13 =	vperm.xlane v13, v8;
	[tilespmem:s20+$0x80D0] =	vst v10;
	v10 =	vmul.f32 v32, v34;
	v11 =	vnsel vm0, $0x0, v11  }
0x1d8: {  	v38 =	vmul.f32 $2.000000030e-01, v12;
	[tilespmem:s20+$0x20D0] =	vst v9;
	v9 =	vmul.f32 v34, v58;
	v11 =	vpsel !p0, $0x0, v11  }
0x1d9: {  	vm1 =	vge.f32 v12, $0.0e+00;
	[tilespmem:s20+$0x80E0] =	vst v10;
	v10 =	vmul.f32 v33, v13;
	v39 =	vperm.xlane v11, v1  }
0x1da: {  	v37 =	vld [tilespmem:s20+$0x8110];
	v12 =	vsel vm1, v12, v38;
	[tilespmem:s20+$0x20E0] =	vst v9;
	v9 =	vmul.f32 v13, v58  }
0x1db: {  	v12 =	vmul.f32 $1.442695020e+00, v12;
	[tilespmem:s20+$0x80F0] =	vst v10;
	v10 =	vmul.f32 v36, v39  }
0x1dc: {  	v42 =	vld [tilespmem:s20+$0x8130];
	v40 =	vperm.xlane v11, v2;
	[tilespmem:s20+$0x20F0] =	vst v9;
	v9 =	vmul.f32 v39, v35  }
0x1dd: {  	v41 =	vld [tilespmem:s20+$0x8120];
	(erf) = vpow2.f32 v12;
	[tilespmem:s20+$0x8100] =	vst v10  }
0x1de: {  	v43 =	vld [tilespmem:s20+$0x8140];
	v10 =	vperm.xlane v11, v3;
	[tilespmem:s20+$0x2100] =	vst v9;
	v9 =	vmul.f32 v40, v35  }
0x1df: {  	v46 =	vld [tilespmem:s20+$0x8150];
	[tilespmem:s20+$0x8090] =	vst v14;
	v45 =	vperm.xlane v11, v4;
	v14 =	vmul.f32 v37, v40  }
0x1e0: {  	v49 =	vld [tilespmem:s20+$0x5200];
	[tilespmem:s20+$0x2110] =	vst v9;
	v9 =	vmul.f32 v10, v35  }
0x1e1: {  	v50 =	vld [tilespmem:s20+$0x8160];
	v48 =	vperm.xlane v11, v5;
	v47 =	vmul.f32 v42, v45;
	[tilespmem:s20+$0x8110] =	vst v14  }
0x1e2: {  	v44 =	vmul.f32 v41, v10;
	v10 =	vld [tilespmem:s20+$0x2200];
	[tilespmem:s20+$0x2120] =	vst v9;
	v9 =	vmul.f32 v45, v35  }
0x1e3: {  	v51 =	vperm.xlane v11, v6;
	v12 =	vmul.f32 v43, v48;
	[tilespmem:s20+$0x8130] =	vst v47  }
0x1e4: {  	v52 =	vld [tilespmem:s20+$0x8170];
	[tilespmem:s20+$0x2130] =	vst v9;
	v9 =	vmul.f32 v48, v35  }
0x1e5: {  	v54 =	vperm.xlane v11, v7;
	v53 =	vmul.f32 v46, v51;
	[tilespmem:s20+$0x8140] =	vst v12  }
0x1e6: {  	[tilespmem:s20+$0x2140] =	vst v9;
	v9 =	vmul.f32 v51, v35  }
0x1e7: {  	v55 =	vld [tilespmem:s20+$0x5190];
	v58 =	vmul.f32 v50, v54;
	[tilespmem:s20+$0x8150] =	vst v53;
	v11 =	vperm.xlane v11, v8;
	v56 =	vpop (erf);
	v10 =	vadd.f32 v49, v10  }
0x1e8: {  	v57 =	vld [tilespmem:s20+$0x8180];
	v13 =	vnsel vm0, $0x0, v56;
	[tilespmem:s20+$0x2150] =	vst v9;
	v9 =	vmul.f32 v54, v35  }
0x1e9: {  	v59 =	vld [tilespmem:s20+$0x8190];
	[tilespmem:s20+$0x8160] =	vst v58;
	v61 =	vmul.f32 v52, v11;
	v13 =	vpsel !p0, $0x0, v13;
	v60 =	vmul.f32 $2.000000030e-01, v10  }
0x1ea: {  	v63 =	vld [tilespmem:s20+$0x81A0];
	v62 =	vperm.xlane v13, v1;
	vm1 =	vge.f32 v10, $0.0e+00;
	[tilespmem:s20+$0x2160] =	vst v9;
	v9 =	vmul.f32 v11, v35  }
0x1eb: {  	[tilespmem:s20+$0x8120] =	vst v44;
	v23 =	vperm.xlane v13, v3;
	v10 =	vsel vm1, v10, v60;
	v11 =	vperm.xlane v13, v2  }
0x1ec: {  	v22 =	vld [tilespmem:s20+$0x81B0];
	v10 =	vmul.f32 $1.442695020e+00, v10;
	[tilespmem:s20+$0x2170] =	vst v9;
	v9 =	vmul.f32 v62, v55  }
0x1ed: {  	[tilespmem:s20+$0x8170] =	vst v61;
	v24 =	vperm.xlane v13, v4;
	v21 =	vmul.f32 v57, v62  }
0x1ee: {  	v26 =	vld [tilespmem:s20+$0x2280];
	(erf) = vpow2.f32 v10;
	[tilespmem:s20+$0x2180] =	vst v9;
	v9 =	vmul.f32 v11, v55  }
0x1ef: {  	[tilespmem:s20+$0x8180] =	vst v21;
	v14 =	vmul.f32 v59, v11;
	v10 =	vld [tilespmem:s20+$0x81C0];
	v11 =	vmul.f32 v63, v23  }
0x1f0: {  	v28 =	vld [tilespmem:s20+$0x5280];
	[tilespmem:s20+$0x2190] =	vst v9;
	v9 =	vmul.f32 v23, v55  }
0x1f1: {  	v25 =	vld [tilespmem:s20+$0x81D0];
	[tilespmem:s20+$0x81A0] =	vst v11;
	v11 =	vmul.f32 v22, v24  }
0x1f2: {  	v27 =	vperm.xlane v13, v5;
	[tilespmem:s20+$0x21A0] =	vst v9  }
0x1f3: {  	v29 =	vld [tilespmem:s20+$0x81E0];
	v9 =	vmul.f32 v24, v55;
	[tilespmem:s20+$0x81B0] =	vst v11;
	v11 =	vperm.xlane v13, v6  }
0x1f4: {  	[tilespmem:s20+$0x8190] =	vst v14;
	v10 =	vmul.f32 v10, v27  }
0x1f5: {  	v30 =	vld [tilespmem:s20+$0x81F0];
	v12 =	vadd.f32 v28, v26;
	[tilespmem:s20+$0x21B0] =	vst v9;
	v9 =	vmul.f32 v27, v55  }
0x1f6: {  	v31 =	vperm.xlane v13, v7;
	[tilespmem:s20+$0x81C0] =	vst v10;
	v10 =	vmul.f32 v25, v11  }
0x1f7: {  	v33 =	vld [tilespmem:s20+$0x8200];
	v35 =	vmul.f32 $2.000000030e-01, v12;
	[tilespmem:s20+$0x21C0] =	vst v9;
	v9 =	vmul.f32 v11, v55;
	v11 =	vpop (erf)  }
0x1f8: {  	v32 =	vld [tilespmem:s20+$0x5210];
	v13 =	vperm.xlane v13, v8;
	[tilespmem:s20+$0x81D0] =	vst v10;
	v10 =	vmul.f32 v29, v31;
	v11 =	vnsel vm0, $0x0, v11  }
0x1f9: {  	v34 =	vld [tilespmem:s20+$0x8210];
	vm1 =	vge.f32 v12, $0.0e+00;
	[tilespmem:s20+$0x21D0] =	vst v9;
	v9 =	vmul.f32 v31, v55;
	v11 =	vpsel !p0, $0x0, v11  }
0x1fa: {  	v12 =	vsel vm1, v12, v35;
	[tilespmem:s20+$0x81E0] =	vst v10;
	v10 =	vmul.f32 v30, v13;
	v36 =	vperm.xlane v11, v1  }
0x1fb: {  	v39 =	vld [tilespmem:s20+$0x8230];
	v12 =	vmul.f32 $1.442695020e+00, v12;
	[tilespmem:s20+$0x21E0] =	vst v9;
	v9 =	vmul.f32 v13, v55  }
0x1fc: {  	v38 =	vld [tilespmem:s20+$0x8220];
	v37 =	vperm.xlane v11, v2;
	[tilespmem:s20+$0x81F0] =	vst v10;
	v10 =	vmul.f32 v33, v36  }
0x1fd: {  	v40 =	vld [tilespmem:s20+$0x8240];
	(erf) = vpow2.f32 v12;
	[tilespmem:s20+$0x21F0] =	vst v9;
	v9 =	vmul.f32 v36, v32  }
0x1fe: {  	v42 =	vperm.xlane v11, v4;
	v14 =	vmul.f32 v34, v37;
	[tilespmem:s20+$0x8200] =	vst v10  }
0x1ff: {  	v10 =	vperm.xlane v11, v3;
	[tilespmem:s20+$0x2200] =	vst v9;
	v9 =	vmul.f32 v37, v32  }
0x200: {  	v44 =	vperm.xlane v11, v5;
	v43 =	vmul.f32 v39, v42;
	[tilespmem:s20+$0x8210] =	vst v14  }
0x201: {  	v41 =	vmul.f32 v38, v10;
	[tilespmem:s20+$0x2210] =	vst v9;
	v9 =	vmul.f32 v10, v32;
	v10 =	vld [tilespmem:s20+$0x8250]  }
0x202: {  	v12 =	vmul.f32 v40, v44;
	[tilespmem:s20+$0x8230] =	vst v43  }
0x203: {  	v45 =	vld [tilespmem:s20+$0x8260];
	[tilespmem:s20+$0x2220] =	vst v9;
	v9 =	vmul.f32 v42, v32  }
0x204: {  	v46 =	vperm.xlane v11, v6;
	[tilespmem:s20+$0x8240] =	vst v12  }
0x205: {  	v47 =	vld [tilespmem:s20+$0x8270];
	[tilespmem:s20+$0x2230] =	vst v9;
	v9 =	vmul.f32 v44, v32  }
0x206: {  	v48 =	vperm.xlane v11, v7;
	[tilespmem:s20+$0x8220] =	vst v41;
	v10 =	vmul.f32 v10, v46  }
0x207: {  	v50 =	vld [tilespmem:s20+$0x8280];
	v49 =	vpop (erf);
	[tilespmem:s20+$0x2240] =	vst v9;
	v9 =	vmul.f32 v46, v32  }
0x208: {  	v51 =	vld [tilespmem:s20+$0x5290];
	v11 =	vperm.xlane v11, v8;
	v13 =	vnsel vm0, $0x0, v49;
	[tilespmem:s20+$0x8250] =	vst v10;
	v10 =	vmul.f32 v45, v48  }
0x209: {  	v53 =	vld [tilespmem:s20+$0x8290];
	v52 =	vpsel !p0, $0x0, v13;
	[tilespmem:s20+$0x2250] =	vst v9;
	v9 =	vmul.f32 v48, v32  }
0x20a: {  	v54 =	vperm.xlane v52, v1;
	[tilespmem:s20+$0x8260] =	vst v10;
	v10 =	vmul.f32 v47, v11  }
0x20b: {  	[tilespmem:s20+$0x2260] =	vst v9;
	v9 =	vmul.f32 v11, v32;
	v11 =	vld [tilespmem:s20+$0x82A0]  }
0x20c: {  	v55 =	vperm.xlane v52, v2;
	[tilespmem:s20+$0x8270] =	vst v10;
	v10 =	vmul.f32 v50, v54  }
0x20d: {  	v56 =	vld [tilespmem:s20+$0x82B0];
	[tilespmem:s20+$0x2270] =	vst v9;
	v9 =	vmul.f32 v54, v51  }
0x20e: {  	v57 =	vperm.xlane v52, v3;
	[tilespmem:s20+$0x8280] =	vst v10;
	v10 =	vmul.f32 v53, v55  }
0x20f: {  	v58 =	vld [tilespmem:s20+$0x82C0];
	[tilespmem:s20+$0x2280] =	vst v9;
	v9 =	vmul.f32 v55, v51  }
0x210: {  	[tilespmem:s20+$0x8290] =	vst v10;
	v10 =	vmul.f32 v11, v57;
	v11 =	vperm.xlane v52, v4  }
0x211: {  	v59 =	vld [tilespmem:s20+$0x82D0];
	[tilespmem:s20+$0x2290] =	vst v9;
	v9 =	vmul.f32 v57, v51  }
0x212: {  	v60 =	vperm.xlane v52, v5;
	[tilespmem:s20+$0x82A0] =	vst v10;
	v10 =	vmul.f32 v56, v11  }
0x213: {  	[tilespmem:s20+$0x22A0] =	vst v9;
	v9 =	vmul.f32 v11, v51;
	v11 =	vld [tilespmem:s20+$0x82E0]  }
0x214: {  	v61 =	vperm.xlane v52, v6;
	[tilespmem:s20+$0x82B0] =	vst v10;
	v10 =	vmul.f32 v58, v60  }
0x215: {  	v62 =	vld [tilespmem:s20+$0x82F0];
	[tilespmem:s20+$0x22B0] =	vst v9;
	v9 =	vmul.f32 v60, v51  }
0x216: {  	v63 =	vperm.xlane v52, v7;
	[tilespmem:s20+$0x82C0] =	vst v10;
	v10 =	vmul.f32 v59, v61  }
0x217: {  	[tilespmem:s20+$0x22C0] =	vst v9;
	v9 =	vmul.f32 v61, v51  }
0x218: {  	p0 =	slt.u32 s24, $0x28;
	[tilespmem:s20+$0x82D0] =	vst v10;
	v10 =	vmul.f32 v11, v63;
	v11 =	vperm.xlane v52, v8  }
.Ltmp3:
0x219: {  	[tilespmem:s20+$0x22D0] =	vst v9;
	v9 =	vmul.f32 v63, v51;
	(pc) =	sbr.rel @p0 .LBB2_9-.Ltmp3, $4  }
0x21a: {  	[tilespmem:s20+$0x82E0] =	vst v10;
	v10 =	vmul.f32 v62, v11  }
0x21b: {  	[tilespmem:s20+$0x22E0] =	vst v9;
	v9 =	vmul.f32 v11, v51  }
0x21c: {  	s31 =	sadd.s32 $0x8, s24;
	[tilespmem:s20+$0x82F0] =	vst v10  }
0x21d: {  	s24 =	smov.u32 s31;
	[tilespmem:s20+$0x22F0] =	vst v9  }
0x21e: {  	s18 =	sadd.s32 $0x1, s18  }
0x21f: {  	p0 =	sne.s32 s18, $0x69  }
.Ltmp4:
0x220: {  	_ = 	snop;
	(pc) =	sbr.rel @p0 .LBB2_4-.Ltmp4, $4  }
0x221: {  	s14 =	simm.s32 $0x380  }
0x222: {  	[spmem:s3] =	stream.indirect.scatter.add.f32 [tilespmem:s26], [sflag:$0x9], $0x80, s14, s11, $0xb8;
	[tilespmem:$0x1FB00] =	vst v63  }
0x223: {  	_ = 	snop  }
0x224: {  	[spmem:s4] =	stream.indirect.scatter.add.f32 [tilespmem:s21], [sflag:$0xA], $0x80, s15, s11, $0xb8;
	[tilespmem:$0x1FB00] =	vst v63  }
0x225: {  	_ =	swait.ge [sflag:s1], $0x1800  }
0x226: {  	[sflag:s1] =	ssyncset.done $0x0  }
0x227: {  	[sflag:s1] =	ssyncadd.s32 $0xFFFFE800  }
0x228: {  	_ =	swait.ge [sflag:s17], $0x1800  }
0x229: {  	[sflag:s17] =	ssyncset.done $0x0  }
0x22a: {  	s14 =	simm.s32 $0x9;
	[sflag:s17] =	ssyncadd.s32 $0xFFFFE800  }
0x22b: {  	_ =	swait.ge [sflag:s14], $0x1800  }
0x22c: {  	[sflag:s14] =	ssyncset.done $0x0  }
0x22d: {  	s23 =	simm.s32 $0xA;
	[sflag:s14] =	ssyncadd.s32 $0xFFFFE800  }
0x22e: {  	_ =	swait.ge [sflag:s23], $0x1800  }
0x22f: {  	[sflag:s23] =	ssyncset.done $0x0  }
0x230: {  	[sflag:s23] =	ssyncadd.s32 $0xFFFFE800  }
0x231: {  	s24 =	stileid.u32;
	[bflag:$0x0] =	sbarrier.arrive $0xFFFF  }
0x232: {  	s14 =	sshll.u32 s24, $0x6;
	s23 =	rddreg [dreg:$0x5]  }
0x233: {  	s14 =	sor.u32 $0x1C0B, s14;
	s20 =	rddreg [dreg:$0x11];
	s18 =	sshrl.u32 s23, $0x3  }
0x234: {  	[hbm:s20], [sflag:s14] =	dma.local [spmem:s18], $0x2780  }
0x235: {  	_ =	swait.ge [sflag:s10], $0x2780  }
0x236: {  	[sflag:s10] =	ssyncset.done $0x0;
	s24 =	rddreg [dreg:$0xf]  }
0x237: {  	s31 =	rddreg [dreg:$0x12];
	[sflag:s10] =	ssyncadd.s32 $0xFFFFD880;
	s25 =	sshrl.u32 s24, $0x3  }
0x238: {  	[hbm:s31], [sflag:s14] =	dma.local [spmem:s25], $0x500  }
0x239: {  	_ =	swait.ge [sflag:s10], $0x500  }
0x23a: {  	s25 =	rddreg [dreg:$0x1a]  }
0x23b: {  	s31 =	rddreg [dreg:$0x13];
	s18 =	sadd.s32 $0x1, s25  }
0x23c: {  	p0 =	sne.s32 s18, s31  }
.Ltmp5:
0x23d: {  	_ = 	snop;
	(pc) =	sbr.rel @p0 .LBB2_1-.Ltmp5, $3  }
0x23e: {  	_ =	sdelay $0x1  }
0x23f: {  	[sflag:s10] =	ssyncset.done $0x0  }
0x240: {  	[sflag:s10] =	ssyncadd.s32 $0xFFFFFB00  }
0x241: {  	_ =	sfence.sel $0x180000  }
0x242: {  	[bflag:$0x0] =	sbarrier.arrive $0xFFFF  }
0x243: {  	_ =	strace $0x90000047  }
0x244: {  	s0 =	stileid.u32;
	[bflag:$0x2] =	sbarrier.arrive $0xFFFF  }
0x245: {  	p0 =	sne.s32 s0, $0x0;
	s0 =	rddreg [dreg:$0x4]  }
0x246: {  	s0 =	sadd.s32 @!p0 $0x100000, s0  }
0x247: {  	[sflag:s0] =	ssyncadd.tile.s32 @!p0 $0x1;
	_ =	shalt  }
.Lfunc_end2:
_tile_overlayer_lowered:
.L_overlay_start_2:
0x248: {  	(tag) =	ssettag $0x2  }
0x249: {  	s0 =	rddreg [dreg:$0x0];
	s2 =	stileid.u32  }
0x24a: {  	s1 =	rddreg [dreg:$0x1];
	p0 =	sne.s32 s2, $0x0  }
0x24b: {  	s3 =	rddreg [dreg:$0x2];
	[bflag:$0x3] =	sbarrier.arrive $0xFFFF;
	s2 =	simm.s32 @!p0 $0x1C0B  }
0x24c: {  	[timem:s3], [sflag:s2] =	dma.local @!p0 [hbm:s0], s1  }
0x24d: {  	s0 =	simm.s32 @!p0 $0xB  }
0x24e: {  	_ =	swait.ge @!p0 [sflag:s0], s1  }
0x24f: {  	s1 =	ssub.s32 @!p0 $0x0, s1;
	[sflag:s0] =	ssyncset.done @!p0 $0x0  }
0x250: {  	[sflag:s0] =	ssyncadd.s32 @!p0 s1  }
0x251: {  	[bflag:$0x3] =	sbarrier.arrive $0xFFFF  }
0x252: {  	_ =	shalt  }

</sc_bundles>
